<compile_context>
chip_gen: v7x
topology: tpu7x:2x2x1
jax: 0.10.2.dev20260603
libtpu: 0.0.44.dev20260713+nightly
codegen_flags: <defaults>
</compile_context>

<pallas_src>
import functools

import jax
import jax.numpy as jnp
from jax import lax
from jax.experimental import pallas as pl
from jax.experimental.pallas import tpu as pltpu
from jax.experimental.pallas import tpu_sc as plsc

L = 16


def _scalarize(v):
    return v if v.ndim == 0 else jnp.max(v)


def _make_body(n, wn, nw, chunk, k_lo, k_hi):
    per_w = n // nw
    nch = per_w // chunk
    wper = wn // nw
    wch = wper // chunk
    assert per_w % chunk == 0 and wper % chunk == 0

    out_type = jax.ShapeDtypeStruct((L,), jnp.float32)
    scratch_types = [
        pltpu.VMEM((2 * chunk,), jnp.float32),
        pltpu.VMEM((8192,), jnp.int32),
        pltpu.VMEM((512,), jnp.int32),
        pltpu.VMEM((512,), jnp.int32),
        pltpu.VMEM((512,), jnp.int32),
        pltpu.VMEM((32,), jnp.float32),
        pltpu.VMEM((32,), jnp.float32),
        pltpu.VMEM((L,), jnp.float32),
        pltpu.VMEM_SHARED((nw * 512,), jnp.int32),
        pltpu.VMEM_SHARED((nw * 32,), jnp.float32),
        pltpu.SemaphoreType.DMA,
    ]

    def body(x_hbm, w_hbm, out_hbm, buf, hist, folded, gh, tmp,
             wacc, wtmp, outv, stage_sh, wstage_sh, sem):
        wid = lax.axis_index("s")
        iota = lax.iota(jnp.int32, L)
        one_i = jnp.full((L,), 1, jnp.int32)
        c255 = jnp.full((L,), 255, jnp.int32)
        c31 = jnp.full((L,), 31, jnp.int32)
        minint = jnp.full((L,), -(2 ** 31), jnp.int32)
        maxint = jnp.full((L,), 2 ** 31 - 1, jnp.int32)

        def stream(hbm_ref, base, num_chunks, compute_fn):
            pltpu.make_async_copy(
                hbm_ref.at[pl.ds(base, chunk)],
                buf.at[pl.ds(0, chunk)], sem).start()

            @pl.loop(0, num_chunks)
            def _(g):
                sel = lax.rem(g, 2)

                @pl.when(g + 1 < num_chunks)
                def _():
                    pltpu.make_async_copy(
                        hbm_ref.at[pl.ds(base + (g + 1) * chunk, chunk)],
                        buf.at[pl.ds((1 - sel) * chunk, chunk)], sem).start()

                pltpu.make_async_copy(
                    hbm_ref.at[pl.ds(base + g * chunk, chunk)],
                    buf.at[pl.ds(sel * chunk, chunk)], sem).wait()
                compute_fn(sel)

        def keys_of(a):
            b = plsc.bitcast(a, jnp.int32)
            m = lax.shift_right_arithmetic(b, c31)
            return lax.bitwise_xor(b, lax.bitwise_or(m, minint))

        def wcompute(sel):
            sa0 = wacc[pl.ds(0, L)]
            sq0 = wacc[pl.ds(L, L)]

            @pl.loop(0, chunk // L, init_carry=(sa0, sq0))
            def acc(i, c):
                sa, sq = c
                a = buf[pl.ds(sel * chunk + i * L, L)]
                return (sa + jnp.abs(a), sq + a * a)

            sa, sq = acc
            wacc[pl.ds(0, L)] = sa
            wacc[pl.ds(L, L)] = sq

        wacc[pl.ds(0, L)] = jnp.zeros((L,), jnp.float32)
        wacc[pl.ds(L, L)] = jnp.zeros((L,), jnp.float32)
        stream(w_hbm, wid * wper, wch, wcompute)
        plsc.subcore_barrier()
        pltpu.sync_copy(wacc, wstage_sh.at[pl.ds(wid * 32, 32)])
        plsc.subcore_barrier()

        def select(row_base, thresh):
            def bod(j, c):
                r, jstar, rbef = c
                s = jnp.sum(gh[pl.ds(row_base + j * L, L)])
                newr = r + s
                crossed = jnp.logical_and(r < thresh, newr >= thresh)
                jstar = jnp.where(crossed, j, jstar)
                rbef = jnp.where(crossed, r, rbef)
                return (newr, jstar, rbef)

            _, jstar, rbef = lax.fori_loop(
                0, 16, bod,
                (jnp.int32(0), jnp.int32(0), jnp.int32(0)))
            v = gh[pl.ds(row_base + jstar * L, L)]
            cum = plsc.cumsum(v) + rbef
            off = _scalarize(plsc.all_reduce_ffs(cum >= thresh))
            byte = jstar * L + off
            hv = jnp.sum(jnp.where(iota == off, v, 0))
            cumat = jnp.sum(jnp.where(iota == off, cum, 0))
            return byte, cumat - hv

        def radix_pass(p, plo, phi, cblo, cbhi):
            sh_byte = jnp.full((L,), 24 - 8 * p, jnp.int32)
            sh_hi = jnp.full((L,), max(32 - 8 * p, 0), jnp.int32)
            lane_base = iota * 256

            @pl.loop(0, 8192 // L)
            def _(i):
                hist[pl.ds(i * L, L)] = jnp.zeros((L,), jnp.int32)

            def compute_fn(sel):
                @pl.loop(0, chunk // L)
                def _(i):
                    a = buf[pl.ds(sel * chunk + i * L, L)]
                    key = keys_of(a)
                    byte = lax.bitwise_and(
                        lax.shift_right_logical(key, sh_byte), c255)
                    idx = byte + lane_base
                    if p == 0:
                        plsc.addupdate_scatter(hist, [idx], one_i)
                    else:
                        hi = lax.shift_right_logical(key, sh_hi)
                        plsc.addupdate_scatter(
                            hist, [idx], one_i, mask=(hi == plo))
                        plsc.addupdate_scatter(
                            hist, [idx + 4096], one_i, mask=(hi == phi))

            stream(x_hbm, wid * per_w, nch, compute_fn)

            ntarget = 1 if p == 0 else 2

            @pl.loop(0, ntarget * 16)
            def _(tj):
                t = tj // 16
                j = lax.rem(tj, 16)

                @pl.loop(0, 16, init_carry=jnp.zeros((L,), jnp.int32))
                def acc(l, c):
                    return c + hist[pl.ds(t * 4096 + l * 256 + j * L, L)]

                folded[pl.ds(t * 256 + j * L, L)] = acc

            plsc.subcore_barrier()
            pltpu.sync_copy(folded, stage_sh.at[pl.ds(wid * 512, 512)])
            plsc.subcore_barrier()

            @pl.loop(0, 512 // L)
            def _(i):
                gh[pl.ds(i * L, L)] = jnp.zeros((L,), jnp.int32)

            @pl.loop(0, nw)
            def _(w):
                pltpu.sync_copy(stage_sh.at[pl.ds(w * 512, 512)], tmp)

                @pl.loop(0, 512 // L)
                def _(i):
                    gh[pl.ds(i * L, L)] = (
                        gh[pl.ds(i * L, L)] + tmp[pl.ds(i * L, L)])

            byte_lo, below_lo = select(0, k_lo - cblo)
            byte_hi, below_hi = select(0 if p == 0 else 256, k_hi - cbhi)
            plo = lax.bitwise_or(lax.shift_left(plo, jnp.int32(8)), byte_lo)
            phi = lax.bitwise_or(lax.shift_left(phi, jnp.int32(8)), byte_hi)
            return plo, phi, cblo + below_lo, cbhi + below_hi

        plo = phi = cblo = cbhi = jnp.int32(0)
        for p in range(4):
            plo, phi, cblo, cbhi = radix_pass(p, plo, phi, cblo, cbhi)

        z16 = jnp.zeros((L,), jnp.float32)

        @pl.loop(0, nw, init_carry=(z16, z16))
        def wtot(w, c):
            sa, sq = c
            pltpu.sync_copy(wstage_sh.at[pl.ds(w * 32, 32)], wtmp)
            return (sa + wtmp[pl.ds(0, L)], sq + wtmp[pl.ds(L, L)])

        sab = jnp.sum(wtot[0])
        ssq = jnp.sum(wtot[1])

        kv = jnp.where(iota == 0, phi, jnp.where(iota == 1, plo, 0))
        s = lax.shift_right_arithmetic(kv, c31)
        msk = lax.bitwise_xor(
            minint, lax.bitwise_and(maxint, lax.bitwise_not(s)))
        vals = plsc.bitcast(lax.bitwise_xor(kv, msk), jnp.float32)
        res = jnp.where(iota <= 1, vals, 0.0)
        res = jnp.where(iota == 2, sab, res)
        res = jnp.where(iota == 3, ssq, res)
        outv[...] = res

        @pl.when(wid == 0)
        def _():
            pltpu.sync_copy(outv, out_hbm)

    return body, out_type, scratch_types


@functools.lru_cache(maxsize=None)
def _build(n, wn):
    nw = 16
    chunk = 32768
    per_low = 0.1 * 0.01
    per_high = 99.9 * 0.01
    k_lo = max(int(per_low * n), 1)
    k_hi = int(per_high * n)
    body, out_type, scratch_types = _make_body(n, wn, nw, chunk, k_lo, k_hi)
    mesh = plsc.VectorSubcoreMesh(
        core_axis_name="c", subcore_axis_name="s", num_cores=1)
    return pl.kernel(body, out_type=out_type, mesh=mesh,
                     scratch_types=scratch_types,
                     compiler_params=pltpu.CompilerParams(
                         needs_layout_passes=False))


def kernel(x, weight):
    xf = x.reshape(-1)
    wf = weight.reshape(-1)
    fn = _build(xf.shape[0], wf.shape[0])
    res = fn(xf, wf)
    upper = res[0]
    lower = res[1]
    w_abs_mean = res[2] / wf.shape[0]
    w_std_sawb = jnp.sqrt(res[3] / wf.shape[0])
    w_clip = -12.8 * w_abs_mean + 12.68 * w_std_sawb
    return jnp.stack([upper, lower, w_clip])

# --- scband reference (transcript-rebuilt; emitter-appended) ---
"""Pipeline reference for scband-observer-percentile-1803886264396 (READ-ONLY COPY).

The authoritative reference and input builder live on the scoring server;
editing this copy changes nothing except your own understanding.
"""

import jax, jax.numpy as jnp
import numpy as np

PER_LOW = 0.1 * 0.01   # percentile[0] * 0.01
PER_HIGH = 99.9 * 0.01  # percentile[1] * 0.01


def setup_inputs(seed: int = 0) -> dict:
    key = jax.random.key(seed)
    k1, k2 = jax.random.split(key)
    x = jax.random.normal(k1, (2, 4096, 2048), dtype=jnp.float32)
    weight = jax.random.normal(k2, (2048, 2048), dtype=jnp.float32) * 0.02
    return {"x": x, "weight": weight}


def reference(x, weight):
    # --- activation percentile observation (a_init_method='percentile', asymmetric) ---
    flat = jnp.sort(jnp.reshape(x, (-1,)))  # kthvalue == sorted[k-1] (1-indexed k)
    nelem = flat.shape[0]
    lower_k = int(PER_LOW * nelem)
    if lower_k > 0:
        lower_per_cur = flat[lower_k - 1]
    else:
        lower_per_cur = flat[0]  # x.min()
    upper_k = int(PER_HIGH * nelem)
    upper_per_cur = flat[upper_k - 1]
    # batch_tracked == 0 -> running average degenerates to current value
    batch_tracked = 0.0
    obsrv_clipval = (jnp.zeros(()) * batch_tracked + upper_per_cur) / (batch_tracked + 1.0)
    obsrv_clipvaln = (jnp.zeros(()) * batch_tracked + lower_per_cur) / (batch_tracked + 1.0)
    # --- weight clipval via SAWB (w_init_method='sawb', first batch only) ---
    w_abs_mean = jnp.mean(jnp.abs(weight))
    w_std_sawb = jnp.sqrt(jnp.mean(weight * weight))
    obsrv_w_clipval = -12.8 * w_abs_mean + 12.68 * w_std_sawb
    return jnp.stack([obsrv_clipval, obsrv_clipvaln, obsrv_w_clipval])

if __name__ == "__main__":
    import jax
    _d = setup_inputs()
    print(jax.jit(kernel)(*tuple(_d.values())))

</pallas_src>

<mosaic_0001>
#map = affine_map<(d0, d1) -> (0)>
module attributes {stable_mosaic.version = 14 : i64} {
  func.func @body(%arg0: i32, %arg1: i32, %arg2: memref<16777216xf32, #tpu.memory_space<hbm>>, %arg3: memref<4194304xf32, #tpu.memory_space<hbm>>, %arg4: memref<16xf32, #tpu.memory_space<hbm>>, %arg5: memref<65536xf32, #tpu.memory_space<vmem>>, %arg6: memref<8192xi32, #tpu.memory_space<vmem>>, %arg7: memref<512xi32, #tpu.memory_space<vmem>>, %arg8: memref<512xi32, #tpu.memory_space<vmem>>, %arg9: memref<512xi32, #tpu.memory_space<vmem>>, %arg10: memref<32xf32, #tpu.memory_space<vmem>>, %arg11: memref<32xf32, #tpu.memory_space<vmem>>, %arg12: memref<16xf32, #tpu.memory_space<vmem>>, %arg13: memref<8192xi32, #tpu.memory_space<vmem_shared>>, %arg14: memref<512xf32, #tpu.memory_space<vmem_shared>>, %arg15: memref<!tpu.dma_semaphore, #tpu.memory_space<semaphore_mem>>) attributes {dimension_semantics = [#tpu.dimension_semantics<core_parallel>, #tpu.dimension_semantics<subcore_parallel>], iteration_bounds = array<i64: 1, 16>, scalar_prefetch = 0 : i64, scratch_operands = 11 : i64, tpu.core_type = #tpu.core_type<sc_vector_subcore>, window_params = [{transform_indices = #map}, {transform_indices = #map}, {transform_indices = #map}]} {
    %iota3A = tpu.iota {dimensions = array<i32: 0>} : vector<16xi32>
    %broadcast_in_dim3A = arith.constant 1 : i32
    %broadcast_in_dim3A_0 = vector.broadcast %broadcast_in_dim3A : i32 to vector<16xi32>
    %broadcast_in_dim3A_1 = arith.constant 255 : i32
    %broadcast_in_dim3A_2 = vector.broadcast %broadcast_in_dim3A_1 : i32 to vector<16xi32>
    %broadcast_in_dim3A_3 = arith.constant 31 : i32
    %broadcast_in_dim3A_4 = vector.broadcast %broadcast_in_dim3A_3 : i32 to vector<16xi32>
    %broadcast_in_dim3A_5 = arith.constant -2147483648 : i32
    %broadcast_in_dim3A_6 = vector.broadcast %broadcast_in_dim3A_5 : i32 to vector<16xi32>
    %broadcast_in_dim3A_7 = arith.constant 2147483647 : i32
    %broadcast_in_dim3A_8 = vector.broadcast %broadcast_in_dim3A_7 : i32 to vector<16xi32>
    %broadcast_in_dim3A_9 = arith.constant 0.000000e+00 : f32
    %broadcast_in_dim3A_10 = vector.broadcast %broadcast_in_dim3A_9 : f32 to vector<16xf32>
    %swap3A = arith.constant 0 : index
    %swap3A_11 = tpu.vector_load %arg10[%swap3A] {strides = array<i32>} : memref<32xf32, #tpu.memory_space<vmem>>, vector<16xf32>,
    tpu.vector_store %arg10[%swap3A], %broadcast_in_dim3A_10 {strides = array<i32>} : memref<32xf32, #tpu.memory_space<vmem>>, vector<16xf32>,
    %broadcast_in_dim3A_12 = arith.constant 0.000000e+00 : f32
    %broadcast_in_dim3A_13 = vector.broadcast %broadcast_in_dim3A_12 : f32 to vector<16xf32>
    %swap3A_14 = arith.constant 16 : index
    %swap3A_15 = tpu.vector_load %arg10[%swap3A_14] {strides = array<i32>} : memref<32xf32, #tpu.memory_space<vmem>>, vector<16xf32>,
    tpu.vector_store %arg10[%swap3A_14], %broadcast_in_dim3A_13 {strides = array<i32>} : memref<32xf32, #tpu.memory_space<vmem>>, vector<16xf32>,
    %mul3A = arith.constant 262144 : i32
    %mul3A_16 = arith.muli %arg1, %mul3A : i32
    %dma_start3A = arith.constant 0 : i32
    %dma_start3A_17 = tpu.memref_slice %arg5[%dma_start3A] : memref<65536xf32, #tpu.memory_space<vmem>> -> memref<32768xf32, #tpu.memory_space<vmem>>
    %dma_start3A_18 = tpu.memref_slice %arg3[%mul3A_16] : memref<4194304xf32, #tpu.memory_space<hbm>> -> memref<32768xf32, #tpu.memory_space<hbm>>
    %dma_start3A_19 = arith.constant 0 : i32
    %dma_start3A_20 = tpu.memref_slice %arg5[%dma_start3A_19] : memref<65536xf32, #tpu.memory_space<vmem>> -> memref<32768xf32, #tpu.memory_space<vmem>>
    %dma_start3A_21 = tpu.memref_slice %arg3[%mul3A_16] : memref<4194304xf32, #tpu.memory_space<hbm>> -> memref<32768xf32, #tpu.memory_space<hbm>>
    tpu.enqueue_dma source(%dma_start3A_21 : memref<32768xf32, #tpu.memory_space<hbm>>) target(%dma_start3A_20 : memref<32768xf32, #tpu.memory_space<vmem>>) target_semaphore(%arg15 : memref<!tpu.dma_semaphore, #tpu.memory_space<semaphore_mem>>)
    %scan3A = arith.constant 0 : i32
    %scan3A_22 = arith.constant 8 : i32
    %scan3A_23 = arith.addi %scan3A, %scan3A_22 : i32
    %scan3A_24 = arith.constant 1 : i32
    scf.for %scan3A_720 = %scan3A to %scan3A_23 step %scan3A_24  : i32 {
      %mul3A_721 = arith.constant 1 : i32
      %mul3A_722 = arith.muli %scan3A_720, %mul3A_721 : i32
      %add3A_723 = arith.constant 0 : i32
      %add3A_724 = arith.addi %add3A_723, %mul3A_722 : i32
      %rem3A = arith.constant 2 : i32
      %rem3A_725 = arith.remsi %add3A_724, %rem3A : i32
      %add3A_726 = arith.constant 1 : i32
      %add3A_727 = arith.addi %add3A_724, %add3A_726 : i32
      %lt3A = arith.constant 8 : i32
      %lt3A_728 = arith.cmpi slt, %add3A_727, %lt3A : i32
      %convert_element_type3A_729 = arith.extui %lt3A_728 : i1 to i32
      %cond3A_730 = arith.constant 0 : i32
      %cond3A_731 = arith.cmpi ne, %convert_element_type3A_729, %cond3A_730 : i32
      scf.if %cond3A_731 {
        %add3A_754 = arith.constant 1 : i32
        %add3A_755 = arith.addi %add3A_724, %add3A_754 : i32
        %mul3A_756 = arith.constant 32768 : i32
        %mul3A_757 = arith.muli %add3A_755, %mul3A_756 : i32
        %add3A_758 = arith.addi %mul3A_16, %mul3A_757 : i32
        %sub3A_759 = arith.constant 1 : i32
        %sub3A_760 = arith.subi %sub3A_759, %rem3A_725 : i32
        %mul3A_761 = arith.constant 32768 : i32
        %mul3A_762 = arith.muli %sub3A_760, %mul3A_761 : i32
        %dma_start3A_763 = tpu.memref_slice %arg5[%mul3A_762] : memref<65536xf32, #tpu.memory_space<vmem>> -> memref<32768xf32, #tpu.memory_space<vmem>>
        %dma_start3A_764 = tpu.memref_slice %arg3[%add3A_758] : memref<4194304xf32, #tpu.memory_space<hbm>> -> memref<32768xf32, #tpu.memory_space<hbm>>
        %dma_start3A_765 = tpu.memref_slice %arg5[%mul3A_762] : memref<65536xf32, #tpu.memory_space<vmem>> -> memref<32768xf32, #tpu.memory_space<vmem>>
        %dma_start3A_766 = tpu.memref_slice %arg3[%add3A_758] : memref<4194304xf32, #tpu.memory_space<hbm>> -> memref<32768xf32, #tpu.memory_space<hbm>>
        tpu.enqueue_dma source(%dma_start3A_766 : memref<32768xf32, #tpu.memory_space<hbm>>) target(%dma_start3A_765 : memref<32768xf32, #tpu.memory_space<vmem>>) target_semaphore(%arg15 : memref<!tpu.dma_semaphore, #tpu.memory_space<semaphore_mem>>)
      } else {
      }
      %mul3A_732 = arith.constant 32768 : i32
      %mul3A_733 = arith.muli %add3A_724, %mul3A_732 : i32
      %add3A_734 = arith.addi %mul3A_16, %mul3A_733 : i32
      %mul3A_735 = arith.constant 32768 : i32
      %mul3A_736 = arith.muli %rem3A_725, %mul3A_735 : i32
      %dma_wait3A = tpu.memref_slice %arg5[%mul3A_736] : memref<65536xf32, #tpu.memory_space<vmem>> -> memref<32768xf32, #tpu.memory_space<vmem>>
      %dma_wait3A_737 = tpu.memref_slice %arg3[%add3A_734] : memref<4194304xf32, #tpu.memory_space<hbm>> -> memref<32768xf32, #tpu.memory_space<hbm>>
      %dma_wait3A_738 = tpu.memref_slice %arg5[%mul3A_736] : memref<65536xf32, #tpu.memory_space<vmem>> -> memref<32768xf32, #tpu.memory_space<vmem>>
      %dma_wait3A_739 = tpu.memref_slice %arg3[%add3A_734] : memref<4194304xf32, #tpu.memory_space<hbm>> -> memref<32768xf32, #tpu.memory_space<hbm>>
      tpu.wait_dma2 semaphore(%arg15 : memref<!tpu.dma_semaphore, #tpu.memory_space<semaphore_mem>>) src(%dma_wait3A_739 : memref<32768xf32, #tpu.memory_space<hbm>>) dst(%dma_wait3A_738 : memref<32768xf32, #tpu.memory_space<vmem>>)
      %get3A_740 = arith.constant 0 : index
      %get3A_741 = tpu.vector_load %arg10[%get3A_740] {strides = array<i32>} : memref<32xf32, #tpu.memory_space<vmem>>, vector<16xf32>,
      %get3A_742 = arith.constant 16 : index
      %get3A_743 = tpu.vector_load %arg10[%get3A_742] {strides = array<i32>} : memref<32xf32, #tpu.memory_space<vmem>>, vector<16xf32>,
      %scan3A_744 = arith.constant 0 : i32
      %scan3A_745 = arith.constant 2048 : i32
      %scan3A_746 = arith.addi %scan3A_744, %scan3A_745 : i32
      %scan3A_747 = arith.constant 1 : i32
      %scan3A_748:2 = scf.for %scan3A_754 = %scan3A_744 to %scan3A_746 step %scan3A_747 iter_args(%scan3A_755 = %get3A_741, %scan3A_756 = %get3A_743) -> (vector<16xf32>, vector<16xf32>)  : i32 {
        %mul3A_757 = arith.constant 1 : i32
        %mul3A_758 = arith.muli %scan3A_754, %mul3A_757 : i32
        %add3A_759 = arith.constant 0 : i32
        %add3A_760 = arith.addi %add3A_759, %mul3A_758 : i32
        %mul3A_761 = arith.constant 32768 : i32
        %mul3A_762 = arith.muli %rem3A_725, %mul3A_761 : i32
        %mul3A_763 = arith.constant 16 : i32
        %mul3A_764 = arith.muli %add3A_760, %mul3A_763 : i32
        %add3A_765 = arith.addi %mul3A_762, %mul3A_764 : i32
        %get3A_766 = arith.index_cast %add3A_765 : i32 to index
        %get3A_767 = tpu.vector_load %arg5[%get3A_766] {strides = array<i32>} : memref<65536xf32, #tpu.memory_space<vmem>>, vector<16xf32>,
        %abs3A = math.absf %get3A_767 : vector<16xf32>
        %add3A_768 = arith.addf %scan3A_755, %abs3A : vector<16xf32>
        %mul3A_769 = arith.mulf %get3A_767, %get3A_767 : vector<16xf32>
        %add3A_770 = arith.addf %scan3A_756, %mul3A_769 : vector<16xf32>
        scf.yield %add3A_768, %add3A_770 : vector<16xf32>, vector<16xf32>
      }
      %scan3A_749 = arith.constant 2048 : i32
      %swap3A_750 = arith.constant 0 : index
      %swap3A_751 = tpu.vector_load %arg10[%swap3A_750] {strides = array<i32>} : memref<32xf32, #tpu.memory_space<vmem>>, vector<16xf32>,
      tpu.vector_store %arg10[%swap3A_750], %scan3A_748#0 {strides = array<i32>} : memref<32xf32, #tpu.memory_space<vmem>>, vector<16xf32>,
      %swap3A_752 = arith.constant 16 : index
      %swap3A_753 = tpu.vector_load %arg10[%swap3A_752] {strides = array<i32>} : memref<32xf32, #tpu.memory_space<vmem>>, vector<16xf32>,
      tpu.vector_store %arg10[%swap3A_752], %scan3A_748#1 {strides = array<i32>} : memref<32xf32, #tpu.memory_space<vmem>>, vector<16xf32>,
    }
    %scan3A_25 = arith.constant 8 : i32
    %barrier3A = arith.constant 0 : index
    tpu.barrier barrier_id(%barrier3A)
    %mul3A_26 = arith.constant 32 : i32
    %mul3A_27 = arith.muli %arg1, %mul3A_26 : i32
    "tpu.region"() ({
      %run_scoped3A = tpu.sem_alloc : memref<!tpu.dma_semaphore, #tpu.memory_space<semaphore_mem>>
      %dma_start3A_720 = tpu.memref_slice %arg14[%mul3A_27] : memref<512xf32, #tpu.memory_space<vmem_shared>> -> memref<32xf32, #tpu.memory_space<vmem_shared>>
      %dma_start3A_721 = tpu.memref_slice %arg14[%mul3A_27] : memref<512xf32, #tpu.memory_space<vmem_shared>> -> memref<32xf32, #tpu.memory_space<vmem_shared>>
      tpu.enqueue_dma source(%arg10 : memref<32xf32, #tpu.memory_space<vmem>>) target(%dma_start3A_721 : memref<32xf32, #tpu.memory_space<vmem_shared>>) target_semaphore(%run_scoped3A : memref<!tpu.dma_semaphore, #tpu.memory_space<semaphore_mem>>)
      %dma_wait3A = tpu.memref_slice %arg14[%mul3A_27] : memref<512xf32, #tpu.memory_space<vmem_shared>> -> memref<32xf32, #tpu.memory_space<vmem_shared>>
      %dma_wait3A_722 = tpu.memref_slice %arg14[%mul3A_27] : memref<512xf32, #tpu.memory_space<vmem_shared>> -> memref<32xf32, #tpu.memory_space<vmem_shared>>
      tpu.wait_dma2 semaphore(%run_scoped3A : memref<!tpu.dma_semaphore, #tpu.memory_space<semaphore_mem>>) src(%arg10 : memref<32xf32, #tpu.memory_space<vmem>>) dst(%dma_wait3A_722 : memref<32xf32, #tpu.memory_space<vmem_shared>>)
      tpu.yield
    }) : () -> ()
    %barrier3A_28 = arith.constant 0 : index
    tpu.barrier barrier_id(%barrier3A_28)
    %broadcast_in_dim3A_29 = arith.constant 24 : i32
    %broadcast_in_dim3A_30 = vector.broadcast %broadcast_in_dim3A_29 : i32 to vector<16xi32>
    %broadcast_in_dim3A_31 = arith.constant 32 : i32
    %broadcast_in_dim3A_32 = vector.broadcast %broadcast_in_dim3A_31 : i32 to vector<16xi32>
    %mul3A_33 = arith.constant 256 : i32
    %mul3A_34 = vector.broadcast %mul3A_33 : i32 to vector<16xi32>
    %mul3A_35 = arith.muli %iota3A, %mul3A_34 : vector<16xi32>
    %scan3A_36 = arith.constant 0 : i32
    %scan3A_37 = arith.constant 512 : i32
    %scan3A_38 = arith.addi %scan3A_36, %scan3A_37 : i32
    %scan3A_39 = arith.constant 1 : i32
    scf.for %scan3A_720 = %scan3A_36 to %scan3A_38 step %scan3A_39  : i32 {
      %mul3A_721 = arith.constant 1 : i32
      %mul3A_722 = arith.muli %scan3A_720, %mul3A_721 : i32
      %add3A_723 = arith.constant 0 : i32
      %add3A_724 = arith.addi %add3A_723, %mul3A_722 : i32
      %broadcast_in_dim3A_725 = arith.constant 0 : i32
      %broadcast_in_dim3A_726 = vector.broadcast %broadcast_in_dim3A_725 : i32 to vector<16xi32>
      %mul3A_727 = arith.constant 16 : i32
      %mul3A_728 = arith.muli %add3A_724, %mul3A_727 : i32
      %swap3A_729 = arith.index_cast %mul3A_728 : i32 to index
      %swap3A_730 = tpu.vector_load %arg6[%swap3A_729] {strides = array<i32>} : memref<8192xi32, #tpu.memory_space<vmem>>, vector<16xi32>,
      tpu.vector_store %arg6[%swap3A_729], %broadcast_in_dim3A_726 {strides = array<i32>} : memref<8192xi32, #tpu.memory_space<vmem>>, vector<16xi32>,
    }
    %scan3A_40 = arith.constant 512 : i32
    %mul3A_41 = arith.constant 1048576 : i32
    %mul3A_42 = arith.muli %arg1, %mul3A_41 : i32
    %dma_start3A_43 = arith.constant 0 : i32
    %dma_start3A_44 = tpu.memref_slice %arg5[%dma_start3A_43] : memref<65536xf32, #tpu.memory_space<vmem>> -> memref<32768xf32, #tpu.memory_space<vmem>>
    %dma_start3A_45 = tpu.memref_slice %arg2[%mul3A_42] : memref<16777216xf32, #tpu.memory_space<hbm>> -> memref<32768xf32, #tpu.memory_space<hbm>>
    %dma_start3A_46 = arith.constant 0 : i32
    %dma_start3A_47 = tpu.memref_slice %arg5[%dma_start3A_46] : memref<65536xf32, #tpu.memory_space<vmem>> -> memref<32768xf32, #tpu.memory_space<vmem>>
    %dma_start3A_48 = tpu.memref_slice %arg2[%mul3A_42] : memref<16777216xf32, #tpu.memory_space<hbm>> -> memref<32768xf32, #tpu.memory_space<hbm>>
    tpu.enqueue_dma source(%dma_start3A_48 : memref<32768xf32, #tpu.memory_space<hbm>>) target(%dma_start3A_47 : memref<32768xf32, #tpu.memory_space<vmem>>) target_semaphore(%arg15 : memref<!tpu.dma_semaphore, #tpu.memory_space<semaphore_mem>>)
    %scan3A_49 = arith.constant 0 : i32
    %scan3A_50 = arith.constant 32 : i32
    %scan3A_51 = arith.addi %scan3A_49, %scan3A_50 : i32
    %scan3A_52 = arith.constant 1 : i32
    scf.for %scan3A_720 = %scan3A_49 to %scan3A_51 step %scan3A_52  : i32 {
      %mul3A_721 = arith.constant 1 : i32
      %mul3A_722 = arith.muli %scan3A_720, %mul3A_721 : i32
      %add3A_723 = arith.constant 0 : i32
      %add3A_724 = arith.addi %add3A_723, %mul3A_722 : i32
      %rem3A = arith.constant 2 : i32
      %rem3A_725 = arith.remsi %add3A_724, %rem3A : i32
      %add3A_726 = arith.constant 1 : i32
      %add3A_727 = arith.addi %add3A_724, %add3A_726 : i32
      %lt3A = arith.constant 32 : i32
      %lt3A_728 = arith.cmpi slt, %add3A_727, %lt3A : i32
      %convert_element_type3A_729 = arith.extui %lt3A_728 : i1 to i32
      %cond3A_730 = arith.constant 0 : i32
      %cond3A_731 = arith.cmpi ne, %convert_element_type3A_729, %cond3A_730 : i32
      scf.if %cond3A_731 {
        %add3A_745 = arith.constant 1 : i32
        %add3A_746 = arith.addi %add3A_724, %add3A_745 : i32
        %mul3A_747 = arith.constant 32768 : i32
        %mul3A_748 = arith.muli %add3A_746, %mul3A_747 : i32
        %add3A_749 = arith.addi %mul3A_42, %mul3A_748 : i32
        %sub3A_750 = arith.constant 1 : i32
        %sub3A_751 = arith.subi %sub3A_750, %rem3A_725 : i32
        %mul3A_752 = arith.constant 32768 : i32
        %mul3A_753 = arith.muli %sub3A_751, %mul3A_752 : i32
        %dma_start3A_754 = tpu.memref_slice %arg5[%mul3A_753] : memref<65536xf32, #tpu.memory_space<vmem>> -> memref<32768xf32, #tpu.memory_space<vmem>>
        %dma_start3A_755 = tpu.memref_slice %arg2[%add3A_749] : memref<16777216xf32, #tpu.memory_space<hbm>> -> memref<32768xf32, #tpu.memory_space<hbm>>
        %dma_start3A_756 = tpu.memref_slice %arg5[%mul3A_753] : memref<65536xf32, #tpu.memory_space<vmem>> -> memref<32768xf32, #tpu.memory_space<vmem>>
        %dma_start3A_757 = tpu.memref_slice %arg2[%add3A_749] : memref<16777216xf32, #tpu.memory_space<hbm>> -> memref<32768xf32, #tpu.memory_space<hbm>>
        tpu.enqueue_dma source(%dma_start3A_757 : memref<32768xf32, #tpu.memory_space<hbm>>) target(%dma_start3A_756 : memref<32768xf32, #tpu.memory_space<vmem>>) target_semaphore(%arg15 : memref<!tpu.dma_semaphore, #tpu.memory_space<semaphore_mem>>)
      } else {
      }
      %mul3A_732 = arith.constant 32768 : i32
      %mul3A_733 = arith.muli %add3A_724, %mul3A_732 : i32
      %add3A_734 = arith.addi %mul3A_42, %mul3A_733 : i32
      %mul3A_735 = arith.constant 32768 : i32
      %mul3A_736 = arith.muli %rem3A_725, %mul3A_735 : i32
      %dma_wait3A = tpu.memref_slice %arg5[%mul3A_736] : memref<65536xf32, #tpu.memory_space<vmem>> -> memref<32768xf32, #tpu.memory_space<vmem>>
      %dma_wait3A_737 = tpu.memref_slice %arg2[%add3A_734] : memref<16777216xf32, #tpu.memory_space<hbm>> -> memref<32768xf32, #tpu.memory_space<hbm>>
      %dma_wait3A_738 = tpu.memref_slice %arg5[%mul3A_736] : memref<65536xf32, #tpu.memory_space<vmem>> -> memref<32768xf32, #tpu.memory_space<vmem>>
      %dma_wait3A_739 = tpu.memref_slice %arg2[%add3A_734] : memref<16777216xf32, #tpu.memory_space<hbm>> -> memref<32768xf32, #tpu.memory_space<hbm>>
      tpu.wait_dma2 semaphore(%arg15 : memref<!tpu.dma_semaphore, #tpu.memory_space<semaphore_mem>>) src(%dma_wait3A_739 : memref<32768xf32, #tpu.memory_space<hbm>>) dst(%dma_wait3A_738 : memref<32768xf32, #tpu.memory_space<vmem>>)
      %scan3A_740 = arith.constant 0 : i32
      %scan3A_741 = arith.constant 2048 : i32
      %scan3A_742 = arith.addi %scan3A_740, %scan3A_741 : i32
      %scan3A_743 = arith.constant 1 : i32
      scf.for %scan3A_745 = %scan3A_740 to %scan3A_742 step %scan3A_743  : i32 {
        %mul3A_746 = arith.constant 1 : i32
        %mul3A_747 = arith.muli %scan3A_745, %mul3A_746 : i32
        %add3A_748 = arith.constant 0 : i32
        %add3A_749 = arith.addi %add3A_748, %mul3A_747 : i32
        %mul3A_750 = arith.constant 32768 : i32
        %mul3A_751 = arith.muli %rem3A_725, %mul3A_750 : i32
        %mul3A_752 = arith.constant 16 : i32
        %mul3A_753 = arith.muli %add3A_749, %mul3A_752 : i32
        %add3A_754 = arith.addi %mul3A_751, %mul3A_753 : i32
        %get3A_755 = arith.index_cast %add3A_754 : i32 to index
        %get3A_756 = tpu.vector_load %arg5[%get3A_755] {strides = array<i32>} : memref<65536xf32, #tpu.memory_space<vmem>>, vector<16xf32>,
        %bitcast3A_757 = vector.bitcast %get3A_756 : vector<16xf32> to vector<16xi32>
        %shift_right_arithmetic3A_758 = arith.shrsi %bitcast3A_757, %broadcast_in_dim3A_4 : vector<16xi32>
        %or3A_759 = arith.ori %shift_right_arithmetic3A_758, %broadcast_in_dim3A_6 : vector<16xi32>
        %xor3A_760 = arith.xori %bitcast3A_757, %or3A_759 : vector<16xi32>
        %shift_right_logical3A = arith.shrui %xor3A_760, %broadcast_in_dim3A_30 : vector<16xi32>
        %and3A_761 = arith.andi %shift_right_logical3A, %broadcast_in_dim3A_2 : vector<16xi32>
        %add3A_762 = arith.addi %and3A_761, %mul3A_35 : vector<16xi32>
        tpu.vector_store_idx %arg6[%add3A_762], %broadcast_in_dim3A_0 {add = true} : memref<8192xi32, #tpu.memory_space<vmem>>[vector<16xi32>], vector<16xi32>,
      }
      %scan3A_744 = arith.constant 2048 : i32
    }
    %scan3A_53 = arith.constant 32 : i32
    %scan3A_54 = arith.constant 0 : i32
    %scan3A_55 = arith.constant 16 : i32
    %scan3A_56 = arith.addi %scan3A_54, %scan3A_55 : i32
    %scan3A_57 = arith.constant 1 : i32
    scf.for %scan3A_720 = %scan3A_54 to %scan3A_56 step %scan3A_57  : i32 {
      %mul3A_721 = arith.constant 1 : i32
      %mul3A_722 = arith.muli %scan3A_720, %mul3A_721 : i32
      %add3A_723 = arith.constant 0 : i32
      %add3A_724 = arith.addi %add3A_723, %mul3A_722 : i32
      %jit3A_725 = arith.constant 16 : i32
      %div3A = arith.divsi %add3A_724, %jit3A_725 : i32
      %sign3A = arith.constant 0 : i32
      %sign3A_726 = arith.cmpi sgt, %add3A_724, %sign3A : i32
      %sign3A_727 = arith.extui %sign3A_726 : i1 to i32
      %sign3A_728 = arith.constant 0 : i32
      %sign3A_729 = arith.cmpi slt, %add3A_724, %sign3A_728 : i32
      %sign3A_730 = arith.extui %sign3A_729 : i1 to i32
      %sign3A_731 = arith.subi %sign3A_727, %sign3A_730 : i32
      %sign3A_732 = arith.constant 0 : i32
      %sign3A_733 = arith.cmpi sgt, %jit3A_725, %sign3A_732 : i32
      %sign3A_734 = arith.extui %sign3A_733 : i1 to i32
      %sign3A_735 = arith.constant 0 : i32
      %sign3A_736 = arith.cmpi slt, %jit3A_725, %sign3A_735 : i32
      %sign3A_737 = arith.extui %sign3A_736 : i1 to i32
      %sign3A_738 = arith.subi %sign3A_734, %sign3A_737 : i32
      %ne3A = arith.cmpi ne, %sign3A_731, %sign3A_738 : i32
      %rem3A = arith.remsi %add3A_724, %jit3A_725 : i32
      %ne3A_739 = arith.constant 0 : i32
      %ne3A_740 = arith.cmpi ne, %rem3A, %ne3A_739 : i32
      %and3A_741 = arith.andi %ne3A, %ne3A_740 : i1
      %sub3A_742 = arith.constant 1 : i32
      %sub3A_743 = arith.subi %div3A, %sub3A_742 : i32
      %select_n3A_744 = arith.select %and3A_741, %sub3A_743, %div3A : i32
      %rem3A_745 = arith.constant 16 : i32
      %rem3A_746 = arith.remsi %add3A_724, %rem3A_745 : i32
      %broadcast_in_dim3A_747 = arith.constant 0 : i32
      %broadcast_in_dim3A_748 = vector.broadcast %broadcast_in_dim3A_747 : i32 to vector<16xi32>
      %scan3A_749 = arith.constant 0 : i32
      %scan3A_750 = arith.constant 16 : i32
      %scan3A_751 = arith.addi %scan3A_749, %scan3A_750 : i32
      %scan3A_752 = arith.constant 1 : i32
      %scan3A_753 = scf.for %scan3A_762 = %scan3A_749 to %scan3A_751 step %scan3A_752 iter_args(%scan3A_763 = %broadcast_in_dim3A_748) -> (vector<16xi32>)  : i32 {
        %mul3A_764 = arith.constant 1 : i32
        %mul3A_765 = arith.muli %scan3A_762, %mul3A_764 : i32
        %add3A_766 = arith.constant 0 : i32
        %add3A_767 = arith.addi %add3A_766, %mul3A_765 : i32
        %mul3A_768 = arith.constant 4096 : i32
        %mul3A_769 = arith.muli %select_n3A_744, %mul3A_768 : i32
        %mul3A_770 = arith.constant 256 : i32
        %mul3A_771 = arith.muli %add3A_767, %mul3A_770 : i32
        %add3A_772 = arith.addi %mul3A_769, %mul3A_771 : i32
        %mul3A_773 = arith.constant 16 : i32
        %mul3A_774 = arith.muli %rem3A_746, %mul3A_773 : i32
        %add3A_775 = arith.addi %add3A_772, %mul3A_774 : i32
        %get3A_776 = arith.index_cast %add3A_775 : i32 to index
        %get3A_777 = tpu.vector_load %arg6[%get3A_776] {strides = array<i32>} : memref<8192xi32, #tpu.memory_space<vmem>>, vector<16xi32>,
        %add3A_778 = arith.addi %scan3A_763, %get3A_777 : vector<16xi32>
        scf.yield %add3A_778 : vector<16xi32>
      }
      %scan3A_754 = arith.constant 16 : i32
      %mul3A_755 = arith.constant 256 : i32
      %mul3A_756 = arith.muli %select_n3A_744, %mul3A_755 : i32
      %mul3A_757 = arith.constant 16 : i32
      %mul3A_758 = arith.muli %rem3A_746, %mul3A_757 : i32
      %add3A_759 = arith.addi %mul3A_756, %mul3A_758 : i32
      %swap3A_760 = arith.index_cast %add3A_759 : i32 to index
      %swap3A_761 = tpu.vector_load %arg7[%swap3A_760] {strides = array<i32>} : memref<512xi32, #tpu.memory_space<vmem>>, vector<16xi32>,
      tpu.vector_store %arg7[%swap3A_760], %scan3A_753 {strides = array<i32>} : memref<512xi32, #tpu.memory_space<vmem>>, vector<16xi32>,
    }
    %scan3A_58 = arith.constant 16 : i32
    %barrier3A_59 = arith.constant 0 : index
    tpu.barrier barrier_id(%barrier3A_59)
    %mul3A_60 = arith.constant 512 : i32
    %mul3A_61 = arith.muli %arg1, %mul3A_60 : i32
    "tpu.region"() ({
      %run_scoped3A = tpu.sem_alloc : memref<!tpu.dma_semaphore, #tpu.memory_space<semaphore_mem>>
      %dma_start3A_720 = tpu.memref_slice %arg13[%mul3A_61] : memref<8192xi32, #tpu.memory_space<vmem_shared>> -> memref<512xi32, #tpu.memory_space<vmem_shared>>
      %dma_start3A_721 = tpu.memref_slice %arg13[%mul3A_61] : memref<8192xi32, #tpu.memory_space<vmem_shared>> -> memref<512xi32, #tpu.memory_space<vmem_shared>>
      tpu.enqueue_dma source(%arg7 : memref<512xi32, #tpu.memory_space<vmem>>) target(%dma_start3A_721 : memref<512xi32, #tpu.memory_space<vmem_shared>>) target_semaphore(%run_scoped3A : memref<!tpu.dma_semaphore, #tpu.memory_space<semaphore_mem>>)
      %dma_wait3A = tpu.memref_slice %arg13[%mul3A_61] : memref<8192xi32, #tpu.memory_space<vmem_shared>> -> memref<512xi32, #tpu.memory_space<vmem_shared>>
      %dma_wait3A_722 = tpu.memref_slice %arg13[%mul3A_61] : memref<8192xi32, #tpu.memory_space<vmem_shared>> -> memref<512xi32, #tpu.memory_space<vmem_shared>>
      tpu.wait_dma2 semaphore(%run_scoped3A : memref<!tpu.dma_semaphore, #tpu.memory_space<semaphore_mem>>) src(%arg7 : memref<512xi32, #tpu.memory_space<vmem>>) dst(%dma_wait3A_722 : memref<512xi32, #tpu.memory_space<vmem_shared>>)
      tpu.yield
    }) : () -> ()
    %barrier3A_62 = arith.constant 0 : index
    tpu.barrier barrier_id(%barrier3A_62)
    %scan3A_63 = arith.constant 0 : i32
    %scan3A_64 = arith.constant 32 : i32
    %scan3A_65 = arith.addi %scan3A_63, %scan3A_64 : i32
    %scan3A_66 = arith.constant 1 : i32
    scf.for %scan3A_720 = %scan3A_63 to %scan3A_65 step %scan3A_66  : i32 {
      %mul3A_721 = arith.constant 1 : i32
      %mul3A_722 = arith.muli %scan3A_720, %mul3A_721 : i32
      %add3A_723 = arith.constant 0 : i32
      %add3A_724 = arith.addi %add3A_723, %mul3A_722 : i32
      %broadcast_in_dim3A_725 = arith.constant 0 : i32
      %broadcast_in_dim3A_726 = vector.broadcast %broadcast_in_dim3A_725 : i32 to vector<16xi32>
      %mul3A_727 = arith.constant 16 : i32
      %mul3A_728 = arith.muli %add3A_724, %mul3A_727 : i32
      %swap3A_729 = arith.index_cast %mul3A_728 : i32 to index
      %swap3A_730 = tpu.vector_load %arg8[%swap3A_729] {strides = array<i32>} : memref<512xi32, #tpu.memory_space<vmem>>, vector<16xi32>,
      tpu.vector_store %arg8[%swap3A_729], %broadcast_in_dim3A_726 {strides = array<i32>} : memref<512xi32, #tpu.memory_space<vmem>>, vector<16xi32>,
    }
    %scan3A_67 = arith.constant 32 : i32
    %scan3A_68 = arith.constant 0 : i32
    %scan3A_69 = arith.constant 16 : i32
    %scan3A_70 = arith.addi %scan3A_68, %scan3A_69 : i32
    %scan3A_71 = arith.constant 1 : i32
    scf.for %scan3A_720 = %scan3A_68 to %scan3A_70 step %scan3A_71  : i32 {
      %mul3A_721 = arith.constant 1 : i32
      %mul3A_722 = arith.muli %scan3A_720, %mul3A_721 : i32
      %add3A_723 = arith.constant 0 : i32
      %add3A_724 = arith.addi %add3A_723, %mul3A_722 : i32
      %mul3A_725 = arith.constant 512 : i32
      %mul3A_726 = arith.muli %add3A_724, %mul3A_725 : i32
      "tpu.region"() ({
        %run_scoped3A = tpu.sem_alloc : memref<!tpu.dma_semaphore, #tpu.memory_space<semaphore_mem>>
        %dma_start3A_732 = tpu.memref_slice %arg13[%mul3A_726] : memref<8192xi32, #tpu.memory_space<vmem_shared>> -> memref<512xi32, #tpu.memory_space<vmem_shared>>
        %dma_start3A_733 = tpu.memref_slice %arg13[%mul3A_726] : memref<8192xi32, #tpu.memory_space<vmem_shared>> -> memref<512xi32, #tpu.memory_space<vmem_shared>>
        tpu.enqueue_dma source(%dma_start3A_733 : memref<512xi32, #tpu.memory_space<vmem_shared>>) target(%arg9 : memref<512xi32, #tpu.memory_space<vmem>>) target_semaphore(%run_scoped3A : memref<!tpu.dma_semaphore, #tpu.memory_space<semaphore_mem>>)
        %dma_wait3A = tpu.memref_slice %arg13[%mul3A_726] : memref<8192xi32, #tpu.memory_space<vmem_shared>> -> memref<512xi32, #tpu.memory_space<vmem_shared>>
        %dma_wait3A_734 = tpu.memref_slice %arg13[%mul3A_726] : memref<8192xi32, #tpu.memory_space<vmem_shared>> -> memref<512xi32, #tpu.memory_space<vmem_shared>>
        tpu.wait_dma2 semaphore(%run_scoped3A : memref<!tpu.dma_semaphore, #tpu.memory_space<semaphore_mem>>) src(%dma_wait3A_734 : memref<512xi32, #tpu.memory_space<vmem_shared>>) dst(%arg9 : memref<512xi32, #tpu.memory_space<vmem>>)
        tpu.yield
      }) : () -> ()
      %scan3A_727 = arith.constant 0 : i32
      %scan3A_728 = arith.constant 32 : i32
      %scan3A_729 = arith.addi %scan3A_727, %scan3A_728 : i32
      %scan3A_730 = arith.constant 1 : i32
      scf.for %scan3A_732 = %scan3A_727 to %scan3A_729 step %scan3A_730  : i32 {
        %mul3A_733 = arith.constant 1 : i32
        %mul3A_734 = arith.muli %scan3A_732, %mul3A_733 : i32
        %add3A_735 = arith.constant 0 : i32
        %add3A_736 = arith.addi %add3A_735, %mul3A_734 : i32
        %mul3A_737 = arith.constant 16 : i32
        %mul3A_738 = arith.muli %add3A_736, %mul3A_737 : i32
        %get3A_739 = arith.index_cast %mul3A_738 : i32 to index
        %get3A_740 = tpu.vector_load %arg8[%get3A_739] {strides = array<i32>} : memref<512xi32, #tpu.memory_space<vmem>>, vector<16xi32>,
        %mul3A_741 = arith.constant 16 : i32
        %mul3A_742 = arith.muli %add3A_736, %mul3A_741 : i32
        %get3A_743 = arith.index_cast %mul3A_742 : i32 to index
        %get3A_744 = tpu.vector_load %arg9[%get3A_743] {strides = array<i32>} : memref<512xi32, #tpu.memory_space<vmem>>, vector<16xi32>,
        %add3A_745 = arith.addi %get3A_740, %get3A_744 : vector<16xi32>
        %mul3A_746 = arith.constant 16 : i32
        %mul3A_747 = arith.muli %add3A_736, %mul3A_746 : i32
        %swap3A_748 = arith.index_cast %mul3A_747 : i32 to index
        %swap3A_749 = tpu.vector_load %arg8[%swap3A_748] {strides = array<i32>} : memref<512xi32, #tpu.memory_space<vmem>>, vector<16xi32>,
        tpu.vector_store %arg8[%swap3A_748], %add3A_745 {strides = array<i32>} : memref<512xi32, #tpu.memory_space<vmem>>, vector<16xi32>,
      }
      %scan3A_731 = arith.constant 32 : i32
    }
    %scan3A_72 = arith.constant 16 : i32
    %sub3A = arith.constant 16777 : i32
    %sub3A_73 = arith.constant 0 : i32
    %sub3A_74 = arith.subi %sub3A, %sub3A_73 : i32
    %scan3A_75 = arith.constant 0 : i32
    %scan3A_76 = arith.constant 0 : i32
    %scan3A_77 = arith.constant 0 : i32
    %scan3A_78 = arith.constant 0 : i32
    %scan3A_79 = arith.constant 16 : i32
    %scan3A_80 = arith.addi %scan3A_78, %scan3A_79 : i32
    %scan3A_81 = arith.constant 1 : i32
    %scan3A_82:3 = scf.for %scan3A_720 = %scan3A_78 to %scan3A_80 step %scan3A_81 iter_args(%scan3A_721 = %scan3A_75, %scan3A_722 = %scan3A_76, %scan3A_723 = %scan3A_77) -> (i32, i32, i32)  : i32 {
      %mul3A_724 = arith.constant 16 : i32
      %mul3A_725 = arith.muli %scan3A_720, %mul3A_724 : i32
      %add3A_726 = arith.constant 0 : i32
      %add3A_727 = arith.addi %add3A_726, %mul3A_725 : i32
      %get3A_728 = arith.index_cast %add3A_727 : i32 to index
      %get3A_729 = tpu.vector_load %arg8[%get3A_728] {strides = array<i32>} : memref<512xi32, #tpu.memory_space<vmem>>, vector<16xi32>,
      %reduce_sum3A_730 = arith.constant true
      %reduce_sum3A_731 = vector.broadcast %reduce_sum3A_730 : i1 to vector<16xi1>
      %reduce_sum3A_732 = tpu.scan <sum>, %get3A_729 masked %reduce_sum3A_731 : vector<16xi32>, vector<16xi1> -> vector<16xi32>
      %reduce_sum3A_733 = vector.extract %reduce_sum3A_732[15] : i32 from vector<16xi32>
      %add3A_734 = arith.addi %scan3A_721, %reduce_sum3A_733 : i32
      %lt3A = arith.cmpi slt, %scan3A_721, %sub3A_74 : i32
      %ge3A_735 = arith.cmpi sge, %add3A_734, %sub3A_74 : i32
      %and3A_736 = arith.andi %lt3A, %ge3A_735 : i1
      %select_n3A_737 = arith.select %and3A_736, %scan3A_720, %scan3A_722 : i32
      %select_n3A_738 = arith.select %and3A_736, %scan3A_721, %scan3A_723 : i32
      scf.yield %add3A_734, %select_n3A_737, %select_n3A_738 : i32, i32, i32
    }
    %scan3A_83 = arith.constant 16 : i32
    %mul3A_84 = arith.constant 16 : i32
    %mul3A_85 = arith.muli %scan3A_82#1, %mul3A_84 : i32
    %add3A = arith.constant 0 : i32
    %add3A_86 = arith.addi %add3A, %mul3A_85 : i32
    %get3A = arith.index_cast %add3A_86 : i32 to index
    %get3A_87 = tpu.vector_load %arg8[%get3A] {strides = array<i32>} : memref<512xi32, #tpu.memory_space<vmem>>, vector<16xi32>,
    %broadcast_in_dim3A_88 = arith.constant true
    %broadcast_in_dim3A_89 = vector.broadcast %broadcast_in_dim3A_88 : i1 to vector<16xi1>
    %masked_cumsum3A = tpu.scan <sum>, %get3A_87 masked %broadcast_in_dim3A_89 : vector<16xi32>, vector<16xi1> -> vector<16xi32>
    %add3A_90 = vector.broadcast %scan3A_82#2 : i32 to vector<16xi32>
    %add3A_91 = arith.addi %masked_cumsum3A, %add3A_90 : vector<16xi32>
    %ge3A = vector.broadcast %sub3A_74 : i32 to vector<16xi32>
    %ge3A_92 = arith.cmpi sge, %add3A_91, %ge3A : vector<16xi32>
    %all_reduce_ffs3A = tpu.all_reduce %ge3A_92 {dim = 0 : i64, kind = #tpu.reduction_kind<find_first_set>} : vector<16xi1> -> vector<16xi32>
    %reduce_max3A = arith.constant true
    %reduce_max3A_93 = vector.broadcast %reduce_max3A : i1 to vector<16xi1>
    %reduce_max3A_94 = arith.constant -2147483648 : i32
    %reduce_max3A_95 = vector.broadcast %reduce_max3A_94 : i32 to vector<16xi32>
    %reduce_max3A_96 = arith.xori %all_reduce_ffs3A, %reduce_max3A_95 : vector<16xi32>
    %reduce_max3A_97 = tpu.scan <max>, %reduce_max3A_96 masked %reduce_max3A_93 : vector<16xi32>, vector<16xi1> -> vector<16xi32>
    %reduce_max3A_98 = arith.xori %reduce_max3A_97, %reduce_max3A_95 : vector<16xi32>
    %reduce_max3A_99 = vector.extract %reduce_max3A_98[15] : i32 from vector<16xi32>
    %mul3A_100 = arith.constant 16 : i32
    %mul3A_101 = arith.muli %scan3A_82#1, %mul3A_100 : i32
    %add3A_102 = arith.addi %mul3A_101, %reduce_max3A_99 : i32
    %eq3A = vector.broadcast %reduce_max3A_99 : i32 to vector<16xi32>
    %eq3A_103 = arith.cmpi eq, %iota3A, %eq3A : vector<16xi32>
    %jit3A = arith.constant 0 : i32
    %broadcast_in_dim3A_104 = vector.broadcast %jit3A : i32 to vector<16xi32>
    %select_n3A = arith.select %eq3A_103, %get3A_87, %broadcast_in_dim3A_104 : vector<16xi1>, vector<16xi32>
    %reduce_sum3A = arith.constant true
    %reduce_sum3A_105 = vector.broadcast %reduce_sum3A : i1 to vector<16xi1>
    %reduce_sum3A_106 = tpu.scan <sum>, %select_n3A masked %reduce_sum3A_105 : vector<16xi32>, vector<16xi1> -> vector<16xi32>
    %reduce_sum3A_107 = vector.extract %reduce_sum3A_106[15] : i32 from vector<16xi32>
    %eq3A_108 = vector.broadcast %reduce_max3A_99 : i32 to vector<16xi32>
    %eq3A_109 = arith.cmpi eq, %iota3A, %eq3A_108 : vector<16xi32>
    %jit3A_110 = arith.constant 0 : i32
    %broadcast_in_dim3A_111 = vector.broadcast %jit3A_110 : i32 to vector<16xi32>
    %select_n3A_112 = arith.select %eq3A_109, %add3A_91, %broadcast_in_dim3A_111 : vector<16xi1>, vector<16xi32>
    %reduce_sum3A_113 = arith.constant true
    %reduce_sum3A_114 = vector.broadcast %reduce_sum3A_113 : i1 to vector<16xi1>
    %reduce_sum3A_115 = tpu.scan <sum>, %select_n3A_112 masked %reduce_sum3A_114 : vector<16xi32>, vector<16xi1> -> vector<16xi32>
    %reduce_sum3A_116 = vector.extract %reduce_sum3A_115[15] : i32 from vector<16xi32>
    %sub3A_117 = arith.subi %reduce_sum3A_116, %reduce_sum3A_107 : i32
    %sub3A_118 = arith.constant 16760438 : i32
    %sub3A_119 = arith.constant 0 : i32
    %sub3A_120 = arith.subi %sub3A_118, %sub3A_119 : i32
    %scan3A_121 = arith.constant 0 : i32
    %scan3A_122 = arith.constant 0 : i32
    %scan3A_123 = arith.constant 0 : i32
    %scan3A_124 = arith.constant 0 : i32
    %scan3A_125 = arith.constant 16 : i32
    %scan3A_126 = arith.addi %scan3A_124, %scan3A_125 : i32
    %scan3A_127 = arith.constant 1 : i32
    %scan3A_128:3 = scf.for %scan3A_720 = %scan3A_124 to %scan3A_126 step %scan3A_127 iter_args(%scan3A_721 = %scan3A_121, %scan3A_722 = %scan3A_122, %scan3A_723 = %scan3A_123) -> (i32, i32, i32)  : i32 {
      %mul3A_724 = arith.constant 16 : i32
      %mul3A_725 = arith.muli %scan3A_720, %mul3A_724 : i32
      %add3A_726 = arith.constant 0 : i32
      %add3A_727 = arith.addi %add3A_726, %mul3A_725 : i32
      %get3A_728 = arith.index_cast %add3A_727 : i32 to index
      %get3A_729 = tpu.vector_load %arg8[%get3A_728] {strides = array<i32>} : memref<512xi32, #tpu.memory_space<vmem>>, vector<16xi32>,
      %reduce_sum3A_730 = arith.constant true
      %reduce_sum3A_731 = vector.broadcast %reduce_sum3A_730 : i1 to vector<16xi1>
      %reduce_sum3A_732 = tpu.scan <sum>, %get3A_729 masked %reduce_sum3A_731 : vector<16xi32>, vector<16xi1> -> vector<16xi32>
      %reduce_sum3A_733 = vector.extract %reduce_sum3A_732[15] : i32 from vector<16xi32>
      %add3A_734 = arith.addi %scan3A_721, %reduce_sum3A_733 : i32
      %lt3A = arith.cmpi slt, %scan3A_721, %sub3A_120 : i32
      %ge3A_735 = arith.cmpi sge, %add3A_734, %sub3A_120 : i32
      %and3A_736 = arith.andi %lt3A, %ge3A_735 : i1
      %select_n3A_737 = arith.select %and3A_736, %scan3A_720, %scan3A_722 : i32
      %select_n3A_738 = arith.select %and3A_736, %scan3A_721, %scan3A_723 : i32
      scf.yield %add3A_734, %select_n3A_737, %select_n3A_738 : i32, i32, i32
    }
    %scan3A_129 = arith.constant 16 : i32
    %mul3A_130 = arith.constant 16 : i32
    %mul3A_131 = arith.muli %scan3A_128#1, %mul3A_130 : i32
    %add3A_132 = arith.constant 0 : i32
    %add3A_133 = arith.addi %add3A_132, %mul3A_131 : i32
    %get3A_134 = arith.index_cast %add3A_133 : i32 to index
    %get3A_135 = tpu.vector_load %arg8[%get3A_134] {strides = array<i32>} : memref<512xi32, #tpu.memory_space<vmem>>, vector<16xi32>,
    %broadcast_in_dim3A_136 = arith.constant true
    %broadcast_in_dim3A_137 = vector.broadcast %broadcast_in_dim3A_136 : i1 to vector<16xi1>
    %masked_cumsum3A_138 = tpu.scan <sum>, %get3A_135 masked %broadcast_in_dim3A_137 : vector<16xi32>, vector<16xi1> -> vector<16xi32>
    %add3A_139 = vector.broadcast %scan3A_128#2 : i32 to vector<16xi32>
    %add3A_140 = arith.addi %masked_cumsum3A_138, %add3A_139 : vector<16xi32>
    %ge3A_141 = vector.broadcast %sub3A_120 : i32 to vector<16xi32>
    %ge3A_142 = arith.cmpi sge, %add3A_140, %ge3A_141 : vector<16xi32>
    %all_reduce_ffs3A_143 = tpu.all_reduce %ge3A_142 {dim = 0 : i64, kind = #tpu.reduction_kind<find_first_set>} : vector<16xi1> -> vector<16xi32>
    %reduce_max3A_144 = arith.constant true
    %reduce_max3A_145 = vector.broadcast %reduce_max3A_144 : i1 to vector<16xi1>
    %reduce_max3A_146 = arith.constant -2147483648 : i32
    %reduce_max3A_147 = vector.broadcast %reduce_max3A_146 : i32 to vector<16xi32>
    %reduce_max3A_148 = arith.xori %all_reduce_ffs3A_143, %reduce_max3A_147 : vector<16xi32>
    %reduce_max3A_149 = tpu.scan <max>, %reduce_max3A_148 masked %reduce_max3A_145 : vector<16xi32>, vector<16xi1> -> vector<16xi32>
    %reduce_max3A_150 = arith.xori %reduce_max3A_149, %reduce_max3A_147 : vector<16xi32>
    %reduce_max3A_151 = vector.extract %reduce_max3A_150[15] : i32 from vector<16xi32>
    %mul3A_152 = arith.constant 16 : i32
    %mul3A_153 = arith.muli %scan3A_128#1, %mul3A_152 : i32
    %add3A_154 = arith.addi %mul3A_153, %reduce_max3A_151 : i32
    %eq3A_155 = vector.broadcast %reduce_max3A_151 : i32 to vector<16xi32>
    %eq3A_156 = arith.cmpi eq, %iota3A, %eq3A_155 : vector<16xi32>
    %jit3A_157 = arith.constant 0 : i32
    %broadcast_in_dim3A_158 = vector.broadcast %jit3A_157 : i32 to vector<16xi32>
    %select_n3A_159 = arith.select %eq3A_156, %get3A_135, %broadcast_in_dim3A_158 : vector<16xi1>, vector<16xi32>
    %reduce_sum3A_160 = arith.constant true
    %reduce_sum3A_161 = vector.broadcast %reduce_sum3A_160 : i1 to vector<16xi1>
    %reduce_sum3A_162 = tpu.scan <sum>, %select_n3A_159 masked %reduce_sum3A_161 : vector<16xi32>, vector<16xi1> -> vector<16xi32>
    %reduce_sum3A_163 = vector.extract %reduce_sum3A_162[15] : i32 from vector<16xi32>
    %eq3A_164 = vector.broadcast %reduce_max3A_151 : i32 to vector<16xi32>
    %eq3A_165 = arith.cmpi eq, %iota3A, %eq3A_164 : vector<16xi32>
    %jit3A_166 = arith.constant 0 : i32
    %broadcast_in_dim3A_167 = vector.broadcast %jit3A_166 : i32 to vector<16xi32>
    %select_n3A_168 = arith.select %eq3A_165, %add3A_140, %broadcast_in_dim3A_167 : vector<16xi1>, vector<16xi32>
    %reduce_sum3A_169 = arith.constant true
    %reduce_sum3A_170 = vector.broadcast %reduce_sum3A_169 : i1 to vector<16xi1>
    %reduce_sum3A_171 = tpu.scan <sum>, %select_n3A_168 masked %reduce_sum3A_170 : vector<16xi32>, vector<16xi1> -> vector<16xi32>
    %reduce_sum3A_172 = vector.extract %reduce_sum3A_171[15] : i32 from vector<16xi32>
    %sub3A_173 = arith.subi %reduce_sum3A_172, %reduce_sum3A_163 : i32
    %shift_left3A = arith.constant 0 : i32
    %shift_left3A_174 = arith.constant 8 : i32
    %shift_left3A_175 = arith.shli %shift_left3A, %shift_left3A_174 : i32
    %or3A = arith.ori %shift_left3A_175, %add3A_102 : i32
    %shift_left3A_176 = arith.constant 0 : i32
    %shift_left3A_177 = arith.constant 8 : i32
    %shift_left3A_178 = arith.shli %shift_left3A_176, %shift_left3A_177 : i32
    %or3A_179 = arith.ori %shift_left3A_178, %add3A_154 : i32
    %add3A_180 = arith.constant 0 : i32
    %add3A_181 = arith.addi %add3A_180, %sub3A_117 : i32
    %add3A_182 = arith.constant 0 : i32
    %add3A_183 = arith.addi %add3A_182, %sub3A_173 : i32
    %broadcast_in_dim3A_184 = arith.constant 16 : i32
    %broadcast_in_dim3A_185 = vector.broadcast %broadcast_in_dim3A_184 : i32 to vector<16xi32>
    %broadcast_in_dim3A_186 = arith.constant 24 : i32
    %broadcast_in_dim3A_187 = vector.broadcast %broadcast_in_dim3A_186 : i32 to vector<16xi32>
    %mul3A_188 = arith.constant 256 : i32
    %mul3A_189 = vector.broadcast %mul3A_188 : i32 to vector<16xi32>
    %mul3A_190 = arith.muli %iota3A, %mul3A_189 : vector<16xi32>
    %scan3A_191 = arith.constant 0 : i32
    %scan3A_192 = arith.constant 512 : i32
    %scan3A_193 = arith.addi %scan3A_191, %scan3A_192 : i32
    %scan3A_194 = arith.constant 1 : i32
    scf.for %scan3A_720 = %scan3A_191 to %scan3A_193 step %scan3A_194  : i32 {
      %mul3A_721 = arith.constant 1 : i32
      %mul3A_722 = arith.muli %scan3A_720, %mul3A_721 : i32
      %add3A_723 = arith.constant 0 : i32
      %add3A_724 = arith.addi %add3A_723, %mul3A_722 : i32
      %broadcast_in_dim3A_725 = arith.constant 0 : i32
      %broadcast_in_dim3A_726 = vector.broadcast %broadcast_in_dim3A_725 : i32 to vector<16xi32>
      %mul3A_727 = arith.constant 16 : i32
      %mul3A_728 = arith.muli %add3A_724, %mul3A_727 : i32
      %swap3A_729 = arith.index_cast %mul3A_728 : i32 to index
      %swap3A_730 = tpu.vector_load %arg6[%swap3A_729] {strides = array<i32>} : memref<8192xi32, #tpu.memory_space<vmem>>, vector<16xi32>,
      tpu.vector_store %arg6[%swap3A_729], %broadcast_in_dim3A_726 {strides = array<i32>} : memref<8192xi32, #tpu.memory_space<vmem>>, vector<16xi32>,
    }
    %scan3A_195 = arith.constant 512 : i32
    %mul3A_196 = arith.constant 1048576 : i32
    %mul3A_197 = arith.muli %arg1, %mul3A_196 : i32
    %dma_start3A_198 = arith.constant 0 : i32
    %dma_start3A_199 = tpu.memref_slice %arg5[%dma_start3A_198] : memref<65536xf32, #tpu.memory_space<vmem>> -> memref<32768xf32, #tpu.memory_space<vmem>>
    %dma_start3A_200 = tpu.memref_slice %arg2[%mul3A_197] : memref<16777216xf32, #tpu.memory_space<hbm>> -> memref<32768xf32, #tpu.memory_space<hbm>>
    %dma_start3A_201 = arith.constant 0 : i32
    %dma_start3A_202 = tpu.memref_slice %arg5[%dma_start3A_201] : memref<65536xf32, #tpu.memory_space<vmem>> -> memref<32768xf32, #tpu.memory_space<vmem>>
    %dma_start3A_203 = tpu.memref_slice %arg2[%mul3A_197] : memref<16777216xf32, #tpu.memory_space<hbm>> -> memref<32768xf32, #tpu.memory_space<hbm>>
    tpu.enqueue_dma source(%dma_start3A_203 : memref<32768xf32, #tpu.memory_space<hbm>>) target(%dma_start3A_202 : memref<32768xf32, #tpu.memory_space<vmem>>) target_semaphore(%arg15 : memref<!tpu.dma_semaphore, #tpu.memory_space<semaphore_mem>>)
    %scan3A_204 = arith.constant 0 : i32
    %scan3A_205 = arith.constant 32 : i32
    %scan3A_206 = arith.addi %scan3A_204, %scan3A_205 : i32
    %scan3A_207 = arith.constant 1 : i32
    scf.for %scan3A_720 = %scan3A_204 to %scan3A_206 step %scan3A_207  : i32 {
      %mul3A_721 = arith.constant 1 : i32
      %mul3A_722 = arith.muli %scan3A_720, %mul3A_721 : i32
      %add3A_723 = arith.constant 0 : i32
      %add3A_724 = arith.addi %add3A_723, %mul3A_722 : i32
      %rem3A = arith.constant 2 : i32
      %rem3A_725 = arith.remsi %add3A_724, %rem3A : i32
      %add3A_726 = arith.constant 1 : i32
      %add3A_727 = arith.addi %add3A_724, %add3A_726 : i32
      %lt3A = arith.constant 32 : i32
      %lt3A_728 = arith.cmpi slt, %add3A_727, %lt3A : i32
      %convert_element_type3A_729 = arith.extui %lt3A_728 : i1 to i32
      %cond3A_730 = arith.constant 0 : i32
      %cond3A_731 = arith.cmpi ne, %convert_element_type3A_729, %cond3A_730 : i32
      scf.if %cond3A_731 {
        %add3A_745 = arith.constant 1 : i32
        %add3A_746 = arith.addi %add3A_724, %add3A_745 : i32
        %mul3A_747 = arith.constant 32768 : i32
        %mul3A_748 = arith.muli %add3A_746, %mul3A_747 : i32
        %add3A_749 = arith.addi %mul3A_197, %mul3A_748 : i32
        %sub3A_750 = arith.constant 1 : i32
        %sub3A_751 = arith.subi %sub3A_750, %rem3A_725 : i32
        %mul3A_752 = arith.constant 32768 : i32
        %mul3A_753 = arith.muli %sub3A_751, %mul3A_752 : i32
        %dma_start3A_754 = tpu.memref_slice %arg5[%mul3A_753] : memref<65536xf32, #tpu.memory_space<vmem>> -> memref<32768xf32, #tpu.memory_space<vmem>>
        %dma_start3A_755 = tpu.memref_slice %arg2[%add3A_749] : memref<16777216xf32, #tpu.memory_space<hbm>> -> memref<32768xf32, #tpu.memory_space<hbm>>
        %dma_start3A_756 = tpu.memref_slice %arg5[%mul3A_753] : memref<65536xf32, #tpu.memory_space<vmem>> -> memref<32768xf32, #tpu.memory_space<vmem>>
        %dma_start3A_757 = tpu.memref_slice %arg2[%add3A_749] : memref<16777216xf32, #tpu.memory_space<hbm>> -> memref<32768xf32, #tpu.memory_space<hbm>>
        tpu.enqueue_dma source(%dma_start3A_757 : memref<32768xf32, #tpu.memory_space<hbm>>) target(%dma_start3A_756 : memref<32768xf32, #tpu.memory_space<vmem>>) target_semaphore(%arg15 : memref<!tpu.dma_semaphore, #tpu.memory_space<semaphore_mem>>)
      } else {
      }
      %mul3A_732 = arith.constant 32768 : i32
      %mul3A_733 = arith.muli %add3A_724, %mul3A_732 : i32
      %add3A_734 = arith.addi %mul3A_197, %mul3A_733 : i32
      %mul3A_735 = arith.constant 32768 : i32
      %mul3A_736 = arith.muli %rem3A_725, %mul3A_735 : i32
      %dma_wait3A = tpu.memref_slice %arg5[%mul3A_736] : memref<65536xf32, #tpu.memory_space<vmem>> -> memref<32768xf32, #tpu.memory_space<vmem>>
      %dma_wait3A_737 = tpu.memref_slice %arg2[%add3A_734] : memref<16777216xf32, #tpu.memory_space<hbm>> -> memref<32768xf32, #tpu.memory_space<hbm>>
      %dma_wait3A_738 = tpu.memref_slice %arg5[%mul3A_736] : memref<65536xf32, #tpu.memory_space<vmem>> -> memref<32768xf32, #tpu.memory_space<vmem>>
      %dma_wait3A_739 = tpu.memref_slice %arg2[%add3A_734] : memref<16777216xf32, #tpu.memory_space<hbm>> -> memref<32768xf32, #tpu.memory_space<hbm>>
      tpu.wait_dma2 semaphore(%arg15 : memref<!tpu.dma_semaphore, #tpu.memory_space<semaphore_mem>>) src(%dma_wait3A_739 : memref<32768xf32, #tpu.memory_space<hbm>>) dst(%dma_wait3A_738 : memref<32768xf32, #tpu.memory_space<vmem>>)
      %scan3A_740 = arith.constant 0 : i32
      %scan3A_741 = arith.constant 2048 : i32
      %scan3A_742 = arith.addi %scan3A_740, %scan3A_741 : i32
      %scan3A_743 = arith.constant 1 : i32
      scf.for %scan3A_745 = %scan3A_740 to %scan3A_742 step %scan3A_743  : i32 {
        %mul3A_746 = arith.constant 1 : i32
        %mul3A_747 = arith.muli %scan3A_745, %mul3A_746 : i32
        %add3A_748 = arith.constant 0 : i32
        %add3A_749 = arith.addi %add3A_748, %mul3A_747 : i32
        %mul3A_750 = arith.constant 32768 : i32
        %mul3A_751 = arith.muli %rem3A_725, %mul3A_750 : i32
        %mul3A_752 = arith.constant 16 : i32
        %mul3A_753 = arith.muli %add3A_749, %mul3A_752 : i32
        %add3A_754 = arith.addi %mul3A_751, %mul3A_753 : i32
        %get3A_755 = arith.index_cast %add3A_754 : i32 to index
        %get3A_756 = tpu.vector_load %arg5[%get3A_755] {strides = array<i32>} : memref<65536xf32, #tpu.memory_space<vmem>>, vector<16xf32>,
        %bitcast3A_757 = vector.bitcast %get3A_756 : vector<16xf32> to vector<16xi32>
        %shift_right_arithmetic3A_758 = arith.shrsi %bitcast3A_757, %broadcast_in_dim3A_4 : vector<16xi32>
        %or3A_759 = arith.ori %shift_right_arithmetic3A_758, %broadcast_in_dim3A_6 : vector<16xi32>
        %xor3A_760 = arith.xori %bitcast3A_757, %or3A_759 : vector<16xi32>
        %shift_right_logical3A = arith.shrui %xor3A_760, %broadcast_in_dim3A_185 : vector<16xi32>
        %and3A_761 = arith.andi %shift_right_logical3A, %broadcast_in_dim3A_2 : vector<16xi32>
        %add3A_762 = arith.addi %and3A_761, %mul3A_190 : vector<16xi32>
        %shift_right_logical3A_763 = arith.shrui %xor3A_760, %broadcast_in_dim3A_187 : vector<16xi32>
        %eq3A_764 = vector.broadcast %or3A : i32 to vector<16xi32>
        %eq3A_765 = arith.cmpi eq, %shift_right_logical3A_763, %eq3A_764 : vector<16xi32>
        tpu.vector_store_idx %arg6[%add3A_762], %broadcast_in_dim3A_0 masked %eq3A_765 {add = true} : memref<8192xi32, #tpu.memory_space<vmem>>[vector<16xi32>], vector<16xi32>, vector<16xi1>
        %add3A_766 = arith.constant 4096 : i32
        %add3A_767 = vector.broadcast %add3A_766 : i32 to vector<16xi32>
        %add3A_768 = arith.addi %add3A_762, %add3A_767 : vector<16xi32>
        %eq3A_769 = vector.broadcast %or3A_179 : i32 to vector<16xi32>
        %eq3A_770 = arith.cmpi eq, %shift_right_logical3A_763, %eq3A_769 : vector<16xi32>
        tpu.vector_store_idx %arg6[%add3A_768], %broadcast_in_dim3A_0 masked %eq3A_770 {add = true} : memref<8192xi32, #tpu.memory_space<vmem>>[vector<16xi32>], vector<16xi32>, vector<16xi1>
      }
      %scan3A_744 = arith.constant 2048 : i32
    }
    %scan3A_208 = arith.constant 32 : i32
    %scan3A_209 = arith.constant 0 : i32
    %scan3A_210 = arith.constant 32 : i32
    %scan3A_211 = arith.addi %scan3A_209, %scan3A_210 : i32
    %scan3A_212 = arith.constant 1 : i32
    scf.for %scan3A_720 = %scan3A_209 to %scan3A_211 step %scan3A_212  : i32 {
      %mul3A_721 = arith.constant 1 : i32
      %mul3A_722 = arith.muli %scan3A_720, %mul3A_721 : i32
      %add3A_723 = arith.constant 0 : i32
      %add3A_724 = arith.addi %add3A_723, %mul3A_722 : i32
      %jit3A_725 = arith.constant 16 : i32
      %div3A = arith.divsi %add3A_724, %jit3A_725 : i32
      %sign3A = arith.constant 0 : i32
      %sign3A_726 = arith.cmpi sgt, %add3A_724, %sign3A : i32
      %sign3A_727 = arith.extui %sign3A_726 : i1 to i32
      %sign3A_728 = arith.constant 0 : i32
      %sign3A_729 = arith.cmpi slt, %add3A_724, %sign3A_728 : i32
      %sign3A_730 = arith.extui %sign3A_729 : i1 to i32
      %sign3A_731 = arith.subi %sign3A_727, %sign3A_730 : i32
      %sign3A_732 = arith.constant 0 : i32
      %sign3A_733 = arith.cmpi sgt, %jit3A_725, %sign3A_732 : i32
      %sign3A_734 = arith.extui %sign3A_733 : i1 to i32
      %sign3A_735 = arith.constant 0 : i32
      %sign3A_736 = arith.cmpi slt, %jit3A_725, %sign3A_735 : i32
      %sign3A_737 = arith.extui %sign3A_736 : i1 to i32
      %sign3A_738 = arith.subi %sign3A_734, %sign3A_737 : i32
      %ne3A = arith.cmpi ne, %sign3A_731, %sign3A_738 : i32
      %rem3A = arith.remsi %add3A_724, %jit3A_725 : i32
      %ne3A_739 = arith.constant 0 : i32
      %ne3A_740 = arith.cmpi ne, %rem3A, %ne3A_739 : i32
      %and3A_741 = arith.andi %ne3A, %ne3A_740 : i1
      %sub3A_742 = arith.constant 1 : i32
      %sub3A_743 = arith.subi %div3A, %sub3A_742 : i32
      %select_n3A_744 = arith.select %and3A_741, %sub3A_743, %div3A : i32
      %rem3A_745 = arith.constant 16 : i32
      %rem3A_746 = arith.remsi %add3A_724, %rem3A_745 : i32
      %broadcast_in_dim3A_747 = arith.constant 0 : i32
      %broadcast_in_dim3A_748 = vector.broadcast %broadcast_in_dim3A_747 : i32 to vector<16xi32>
      %scan3A_749 = arith.constant 0 : i32
      %scan3A_750 = arith.constant 16 : i32
      %scan3A_751 = arith.addi %scan3A_749, %scan3A_750 : i32
      %scan3A_752 = arith.constant 1 : i32
      %scan3A_753 = scf.for %scan3A_762 = %scan3A_749 to %scan3A_751 step %scan3A_752 iter_args(%scan3A_763 = %broadcast_in_dim3A_748) -> (vector<16xi32>)  : i32 {
        %mul3A_764 = arith.constant 1 : i32
        %mul3A_765 = arith.muli %scan3A_762, %mul3A_764 : i32
        %add3A_766 = arith.constant 0 : i32
        %add3A_767 = arith.addi %add3A_766, %mul3A_765 : i32
        %mul3A_768 = arith.constant 4096 : i32
        %mul3A_769 = arith.muli %select_n3A_744, %mul3A_768 : i32
        %mul3A_770 = arith.constant 256 : i32
        %mul3A_771 = arith.muli %add3A_767, %mul3A_770 : i32
        %add3A_772 = arith.addi %mul3A_769, %mul3A_771 : i32
        %mul3A_773 = arith.constant 16 : i32
        %mul3A_774 = arith.muli %rem3A_746, %mul3A_773 : i32
        %add3A_775 = arith.addi %add3A_772, %mul3A_774 : i32
        %get3A_776 = arith.index_cast %add3A_775 : i32 to index
        %get3A_777 = tpu.vector_load %arg6[%get3A_776] {strides = array<i32>} : memref<8192xi32, #tpu.memory_space<vmem>>, vector<16xi32>,
        %add3A_778 = arith.addi %scan3A_763, %get3A_777 : vector<16xi32>
        scf.yield %add3A_778 : vector<16xi32>
      }
      %scan3A_754 = arith.constant 16 : i32
      %mul3A_755 = arith.constant 256 : i32
      %mul3A_756 = arith.muli %select_n3A_744, %mul3A_755 : i32
      %mul3A_757 = arith.constant 16 : i32
      %mul3A_758 = arith.muli %rem3A_746, %mul3A_757 : i32
      %add3A_759 = arith.addi %mul3A_756, %mul3A_758 : i32
      %swap3A_760 = arith.index_cast %add3A_759 : i32 to index
      %swap3A_761 = tpu.vector_load %arg7[%swap3A_760] {strides = array<i32>} : memref<512xi32, #tpu.memory_space<vmem>>, vector<16xi32>,
      tpu.vector_store %arg7[%swap3A_760], %scan3A_753 {strides = array<i32>} : memref<512xi32, #tpu.memory_space<vmem>>, vector<16xi32>,
    }
    %scan3A_213 = arith.constant 32 : i32
    %barrier3A_214 = arith.constant 0 : index
    tpu.barrier barrier_id(%barrier3A_214)
    %mul3A_215 = arith.constant 512 : i32
    %mul3A_216 = arith.muli %arg1, %mul3A_215 : i32
    "tpu.region"() ({
      %run_scoped3A = tpu.sem_alloc : memref<!tpu.dma_semaphore, #tpu.memory_space<semaphore_mem>>
      %dma_start3A_720 = tpu.memref_slice %arg13[%mul3A_216] : memref<8192xi32, #tpu.memory_space<vmem_shared>> -> memref<512xi32, #tpu.memory_space<vmem_shared>>
      %dma_start3A_721 = tpu.memref_slice %arg13[%mul3A_216] : memref<8192xi32, #tpu.memory_space<vmem_shared>> -> memref<512xi32, #tpu.memory_space<vmem_shared>>
      tpu.enqueue_dma source(%arg7 : memref<512xi32, #tpu.memory_space<vmem>>) target(%dma_start3A_721 : memref<512xi32, #tpu.memory_space<vmem_shared>>) target_semaphore(%run_scoped3A : memref<!tpu.dma_semaphore, #tpu.memory_space<semaphore_mem>>)
      %dma_wait3A = tpu.memref_slice %arg13[%mul3A_216] : memref<8192xi32, #tpu.memory_space<vmem_shared>> -> memref<512xi32, #tpu.memory_space<vmem_shared>>
      %dma_wait3A_722 = tpu.memref_slice %arg13[%mul3A_216] : memref<8192xi32, #tpu.memory_space<vmem_shared>> -> memref<512xi32, #tpu.memory_space<vmem_shared>>
      tpu.wait_dma2 semaphore(%run_scoped3A : memref<!tpu.dma_semaphore, #tpu.memory_space<semaphore_mem>>) src(%arg7 : memref<512xi32, #tpu.memory_space<vmem>>) dst(%dma_wait3A_722 : memref<512xi32, #tpu.memory_space<vmem_shared>>)
      tpu.yield
    }) : () -> ()
    %barrier3A_217 = arith.constant 0 : index
    tpu.barrier barrier_id(%barrier3A_217)
    %scan3A_218 = arith.constant 0 : i32
    %scan3A_219 = arith.constant 32 : i32
    %scan3A_220 = arith.addi %scan3A_218, %scan3A_219 : i32
    %scan3A_221 = arith.constant 1 : i32
    scf.for %scan3A_720 = %scan3A_218 to %scan3A_220 step %scan3A_221  : i32 {
      %mul3A_721 = arith.constant 1 : i32
      %mul3A_722 = arith.muli %scan3A_720, %mul3A_721 : i32
      %add3A_723 = arith.constant 0 : i32
      %add3A_724 = arith.addi %add3A_723, %mul3A_722 : i32
      %broadcast_in_dim3A_725 = arith.constant 0 : i32
      %broadcast_in_dim3A_726 = vector.broadcast %broadcast_in_dim3A_725 : i32 to vector<16xi32>
      %mul3A_727 = arith.constant 16 : i32
      %mul3A_728 = arith.muli %add3A_724, %mul3A_727 : i32
      %swap3A_729 = arith.index_cast %mul3A_728 : i32 to index
      %swap3A_730 = tpu.vector_load %arg8[%swap3A_729] {strides = array<i32>} : memref<512xi32, #tpu.memory_space<vmem>>, vector<16xi32>,
      tpu.vector_store %arg8[%swap3A_729], %broadcast_in_dim3A_726 {strides = array<i32>} : memref<512xi32, #tpu.memory_space<vmem>>, vector<16xi32>,
    }
    %scan3A_222 = arith.constant 32 : i32
    %scan3A_223 = arith.constant 0 : i32
    %scan3A_224 = arith.constant 16 : i32
    %scan3A_225 = arith.addi %scan3A_223, %scan3A_224 : i32
    %scan3A_226 = arith.constant 1 : i32
    scf.for %scan3A_720 = %scan3A_223 to %scan3A_225 step %scan3A_226  : i32 {
      %mul3A_721 = arith.constant 1 : i32
      %mul3A_722 = arith.muli %scan3A_720, %mul3A_721 : i32
      %add3A_723 = arith.constant 0 : i32
      %add3A_724 = arith.addi %add3A_723, %mul3A_722 : i32
      %mul3A_725 = arith.constant 512 : i32
      %mul3A_726 = arith.muli %add3A_724, %mul3A_725 : i32
      "tpu.region"() ({
        %run_scoped3A = tpu.sem_alloc : memref<!tpu.dma_semaphore, #tpu.memory_space<semaphore_mem>>
        %dma_start3A_732 = tpu.memref_slice %arg13[%mul3A_726] : memref<8192xi32, #tpu.memory_space<vmem_shared>> -> memref<512xi32, #tpu.memory_space<vmem_shared>>
        %dma_start3A_733 = tpu.memref_slice %arg13[%mul3A_726] : memref<8192xi32, #tpu.memory_space<vmem_shared>> -> memref<512xi32, #tpu.memory_space<vmem_shared>>
        tpu.enqueue_dma source(%dma_start3A_733 : memref<512xi32, #tpu.memory_space<vmem_shared>>) target(%arg9 : memref<512xi32, #tpu.memory_space<vmem>>) target_semaphore(%run_scoped3A : memref<!tpu.dma_semaphore, #tpu.memory_space<semaphore_mem>>)
        %dma_wait3A = tpu.memref_slice %arg13[%mul3A_726] : memref<8192xi32, #tpu.memory_space<vmem_shared>> -> memref<512xi32, #tpu.memory_space<vmem_shared>>
        %dma_wait3A_734 = tpu.memref_slice %arg13[%mul3A_726] : memref<8192xi32, #tpu.memory_space<vmem_shared>> -> memref<512xi32, #tpu.memory_space<vmem_shared>>
        tpu.wait_dma2 semaphore(%run_scoped3A : memref<!tpu.dma_semaphore, #tpu.memory_space<semaphore_mem>>) src(%dma_wait3A_734 : memref<512xi32, #tpu.memory_space<vmem_shared>>) dst(%arg9 : memref<512xi32, #tpu.memory_space<vmem>>)
        tpu.yield
      }) : () -> ()
      %scan3A_727 = arith.constant 0 : i32
      %scan3A_728 = arith.constant 32 : i32
      %scan3A_729 = arith.addi %scan3A_727, %scan3A_728 : i32
      %scan3A_730 = arith.constant 1 : i32
      scf.for %scan3A_732 = %scan3A_727 to %scan3A_729 step %scan3A_730  : i32 {
        %mul3A_733 = arith.constant 1 : i32
        %mul3A_734 = arith.muli %scan3A_732, %mul3A_733 : i32
        %add3A_735 = arith.constant 0 : i32
        %add3A_736 = arith.addi %add3A_735, %mul3A_734 : i32
        %mul3A_737 = arith.constant 16 : i32
        %mul3A_738 = arith.muli %add3A_736, %mul3A_737 : i32
        %get3A_739 = arith.index_cast %mul3A_738 : i32 to index
        %get3A_740 = tpu.vector_load %arg8[%get3A_739] {strides = array<i32>} : memref<512xi32, #tpu.memory_space<vmem>>, vector<16xi32>,
        %mul3A_741 = arith.constant 16 : i32
        %mul3A_742 = arith.muli %add3A_736, %mul3A_741 : i32
        %get3A_743 = arith.index_cast %mul3A_742 : i32 to index
        %get3A_744 = tpu.vector_load %arg9[%get3A_743] {strides = array<i32>} : memref<512xi32, #tpu.memory_space<vmem>>, vector<16xi32>,
        %add3A_745 = arith.addi %get3A_740, %get3A_744 : vector<16xi32>
        %mul3A_746 = arith.constant 16 : i32
        %mul3A_747 = arith.muli %add3A_736, %mul3A_746 : i32
        %swap3A_748 = arith.index_cast %mul3A_747 : i32 to index
        %swap3A_749 = tpu.vector_load %arg8[%swap3A_748] {strides = array<i32>} : memref<512xi32, #tpu.memory_space<vmem>>, vector<16xi32>,
        tpu.vector_store %arg8[%swap3A_748], %add3A_745 {strides = array<i32>} : memref<512xi32, #tpu.memory_space<vmem>>, vector<16xi32>,
      }
      %scan3A_731 = arith.constant 32 : i32
    }
    %scan3A_227 = arith.constant 16 : i32
    %sub3A_228 = arith.constant 16777 : i32
    %sub3A_229 = arith.subi %sub3A_228, %add3A_181 : i32
    %scan3A_230 = arith.constant 0 : i32
    %scan3A_231 = arith.constant 0 : i32
    %scan3A_232 = arith.constant 0 : i32
    %scan3A_233 = arith.constant 0 : i32
    %scan3A_234 = arith.constant 16 : i32
    %scan3A_235 = arith.addi %scan3A_233, %scan3A_234 : i32
    %scan3A_236 = arith.constant 1 : i32
    %scan3A_237:3 = scf.for %scan3A_720 = %scan3A_233 to %scan3A_235 step %scan3A_236 iter_args(%scan3A_721 = %scan3A_230, %scan3A_722 = %scan3A_231, %scan3A_723 = %scan3A_232) -> (i32, i32, i32)  : i32 {
      %mul3A_724 = arith.constant 16 : i32
      %mul3A_725 = arith.muli %scan3A_720, %mul3A_724 : i32
      %add3A_726 = arith.constant 0 : i32
      %add3A_727 = arith.addi %add3A_726, %mul3A_725 : i32
      %get3A_728 = arith.index_cast %add3A_727 : i32 to index
      %get3A_729 = tpu.vector_load %arg8[%get3A_728] {strides = array<i32>} : memref<512xi32, #tpu.memory_space<vmem>>, vector<16xi32>,
      %reduce_sum3A_730 = arith.constant true
      %reduce_sum3A_731 = vector.broadcast %reduce_sum3A_730 : i1 to vector<16xi1>
      %reduce_sum3A_732 = tpu.scan <sum>, %get3A_729 masked %reduce_sum3A_731 : vector<16xi32>, vector<16xi1> -> vector<16xi32>
      %reduce_sum3A_733 = vector.extract %reduce_sum3A_732[15] : i32 from vector<16xi32>
      %add3A_734 = arith.addi %scan3A_721, %reduce_sum3A_733 : i32
      %lt3A = arith.cmpi slt, %scan3A_721, %sub3A_229 : i32
      %ge3A_735 = arith.cmpi sge, %add3A_734, %sub3A_229 : i32
      %and3A_736 = arith.andi %lt3A, %ge3A_735 : i1
      %select_n3A_737 = arith.select %and3A_736, %scan3A_720, %scan3A_722 : i32
      %select_n3A_738 = arith.select %and3A_736, %scan3A_721, %scan3A_723 : i32
      scf.yield %add3A_734, %select_n3A_737, %select_n3A_738 : i32, i32, i32
    }
    %scan3A_238 = arith.constant 16 : i32
    %mul3A_239 = arith.constant 16 : i32
    %mul3A_240 = arith.muli %scan3A_237#1, %mul3A_239 : i32
    %add3A_241 = arith.constant 0 : i32
    %add3A_242 = arith.addi %add3A_241, %mul3A_240 : i32
    %get3A_243 = arith.index_cast %add3A_242 : i32 to index
    %get3A_244 = tpu.vector_load %arg8[%get3A_243] {strides = array<i32>} : memref<512xi32, #tpu.memory_space<vmem>>, vector<16xi32>,
    %broadcast_in_dim3A_245 = arith.constant true
    %broadcast_in_dim3A_246 = vector.broadcast %broadcast_in_dim3A_245 : i1 to vector<16xi1>
    %masked_cumsum3A_247 = tpu.scan <sum>, %get3A_244 masked %broadcast_in_dim3A_246 : vector<16xi32>, vector<16xi1> -> vector<16xi32>
    %add3A_248 = vector.broadcast %scan3A_237#2 : i32 to vector<16xi32>
    %add3A_249 = arith.addi %masked_cumsum3A_247, %add3A_248 : vector<16xi32>
    %ge3A_250 = vector.broadcast %sub3A_229 : i32 to vector<16xi32>
    %ge3A_251 = arith.cmpi sge, %add3A_249, %ge3A_250 : vector<16xi32>
    %all_reduce_ffs3A_252 = tpu.all_reduce %ge3A_251 {dim = 0 : i64, kind = #tpu.reduction_kind<find_first_set>} : vector<16xi1> -> vector<16xi32>
    %reduce_max3A_253 = arith.constant true
    %reduce_max3A_254 = vector.broadcast %reduce_max3A_253 : i1 to vector<16xi1>
    %reduce_max3A_255 = arith.constant -2147483648 : i32
    %reduce_max3A_256 = vector.broadcast %reduce_max3A_255 : i32 to vector<16xi32>
    %reduce_max3A_257 = arith.xori %all_reduce_ffs3A_252, %reduce_max3A_256 : vector<16xi32>
    %reduce_max3A_258 = tpu.scan <max>, %reduce_max3A_257 masked %reduce_max3A_254 : vector<16xi32>, vector<16xi1> -> vector<16xi32>
    %reduce_max3A_259 = arith.xori %reduce_max3A_258, %reduce_max3A_256 : vector<16xi32>
    %reduce_max3A_260 = vector.extract %reduce_max3A_259[15] : i32 from vector<16xi32>
    %mul3A_261 = arith.constant 16 : i32
    %mul3A_262 = arith.muli %scan3A_237#1, %mul3A_261 : i32
    %add3A_263 = arith.addi %mul3A_262, %reduce_max3A_260 : i32
    %eq3A_264 = vector.broadcast %reduce_max3A_260 : i32 to vector<16xi32>
    %eq3A_265 = arith.cmpi eq, %iota3A, %eq3A_264 : vector<16xi32>
    %jit3A_266 = arith.constant 0 : i32
    %broadcast_in_dim3A_267 = vector.broadcast %jit3A_266 : i32 to vector<16xi32>
    %select_n3A_268 = arith.select %eq3A_265, %get3A_244, %broadcast_in_dim3A_267 : vector<16xi1>, vector<16xi32>
    %reduce_sum3A_269 = arith.constant true
    %reduce_sum3A_270 = vector.broadcast %reduce_sum3A_269 : i1 to vector<16xi1>
    %reduce_sum3A_271 = tpu.scan <sum>, %select_n3A_268 masked %reduce_sum3A_270 : vector<16xi32>, vector<16xi1> -> vector<16xi32>
    %reduce_sum3A_272 = vector.extract %reduce_sum3A_271[15] : i32 from vector<16xi32>
    %eq3A_273 = vector.broadcast %reduce_max3A_260 : i32 to vector<16xi32>
    %eq3A_274 = arith.cmpi eq, %iota3A, %eq3A_273 : vector<16xi32>
    %jit3A_275 = arith.constant 0 : i32
    %broadcast_in_dim3A_276 = vector.broadcast %jit3A_275 : i32 to vector<16xi32>
    %select_n3A_277 = arith.select %eq3A_274, %add3A_249, %broadcast_in_dim3A_276 : vector<16xi1>, vector<16xi32>
    %reduce_sum3A_278 = arith.constant true
    %reduce_sum3A_279 = vector.broadcast %reduce_sum3A_278 : i1 to vector<16xi1>
    %reduce_sum3A_280 = tpu.scan <sum>, %select_n3A_277 masked %reduce_sum3A_279 : vector<16xi32>, vector<16xi1> -> vector<16xi32>
    %reduce_sum3A_281 = vector.extract %reduce_sum3A_280[15] : i32 from vector<16xi32>
    %sub3A_282 = arith.subi %reduce_sum3A_281, %reduce_sum3A_272 : i32
    %sub3A_283 = arith.constant 16760438 : i32
    %sub3A_284 = arith.subi %sub3A_283, %add3A_183 : i32
    %scan3A_285 = arith.constant 0 : i32
    %scan3A_286 = arith.constant 0 : i32
    %scan3A_287 = arith.constant 0 : i32
    %scan3A_288 = arith.constant 0 : i32
    %scan3A_289 = arith.constant 16 : i32
    %scan3A_290 = arith.addi %scan3A_288, %scan3A_289 : i32
    %scan3A_291 = arith.constant 1 : i32
    %scan3A_292:3 = scf.for %scan3A_720 = %scan3A_288 to %scan3A_290 step %scan3A_291 iter_args(%scan3A_721 = %scan3A_285, %scan3A_722 = %scan3A_286, %scan3A_723 = %scan3A_287) -> (i32, i32, i32)  : i32 {
      %mul3A_724 = arith.constant 16 : i32
      %mul3A_725 = arith.muli %scan3A_720, %mul3A_724 : i32
      %add3A_726 = arith.constant 256 : i32
      %add3A_727 = arith.addi %add3A_726, %mul3A_725 : i32
      %get3A_728 = arith.index_cast %add3A_727 : i32 to index
      %get3A_729 = tpu.vector_load %arg8[%get3A_728] {strides = array<i32>} : memref<512xi32, #tpu.memory_space<vmem>>, vector<16xi32>,
      %reduce_sum3A_730 = arith.constant true
      %reduce_sum3A_731 = vector.broadcast %reduce_sum3A_730 : i1 to vector<16xi1>
      %reduce_sum3A_732 = tpu.scan <sum>, %get3A_729 masked %reduce_sum3A_731 : vector<16xi32>, vector<16xi1> -> vector<16xi32>
      %reduce_sum3A_733 = vector.extract %reduce_sum3A_732[15] : i32 from vector<16xi32>
      %add3A_734 = arith.addi %scan3A_721, %reduce_sum3A_733 : i32
      %lt3A = arith.cmpi slt, %scan3A_721, %sub3A_284 : i32
      %ge3A_735 = arith.cmpi sge, %add3A_734, %sub3A_284 : i32
      %and3A_736 = arith.andi %lt3A, %ge3A_735 : i1
      %select_n3A_737 = arith.select %and3A_736, %scan3A_720, %scan3A_722 : i32
      %select_n3A_738 = arith.select %and3A_736, %scan3A_721, %scan3A_723 : i32
      scf.yield %add3A_734, %select_n3A_737, %select_n3A_738 : i32, i32, i32
    }
    %scan3A_293 = arith.constant 16 : i32
    %mul3A_294 = arith.constant 16 : i32
    %mul3A_295 = arith.muli %scan3A_292#1, %mul3A_294 : i32
    %add3A_296 = arith.constant 256 : i32
    %add3A_297 = arith.addi %add3A_296, %mul3A_295 : i32
    %get3A_298 = arith.index_cast %add3A_297 : i32 to index
    %get3A_299 = tpu.vector_load %arg8[%get3A_298] {strides = array<i32>} : memref<512xi32, #tpu.memory_space<vmem>>, vector<16xi32>,
    %broadcast_in_dim3A_300 = arith.constant true
    %broadcast_in_dim3A_301 = vector.broadcast %broadcast_in_dim3A_300 : i1 to vector<16xi1>
    %masked_cumsum3A_302 = tpu.scan <sum>, %get3A_299 masked %broadcast_in_dim3A_301 : vector<16xi32>, vector<16xi1> -> vector<16xi32>
    %add3A_303 = vector.broadcast %scan3A_292#2 : i32 to vector<16xi32>
    %add3A_304 = arith.addi %masked_cumsum3A_302, %add3A_303 : vector<16xi32>
    %ge3A_305 = vector.broadcast %sub3A_284 : i32 to vector<16xi32>
    %ge3A_306 = arith.cmpi sge, %add3A_304, %ge3A_305 : vector<16xi32>
    %all_reduce_ffs3A_307 = tpu.all_reduce %ge3A_306 {dim = 0 : i64, kind = #tpu.reduction_kind<find_first_set>} : vector<16xi1> -> vector<16xi32>
    %reduce_max3A_308 = arith.constant true
    %reduce_max3A_309 = vector.broadcast %reduce_max3A_308 : i1 to vector<16xi1>
    %reduce_max3A_310 = arith.constant -2147483648 : i32
    %reduce_max3A_311 = vector.broadcast %reduce_max3A_310 : i32 to vector<16xi32>
    %reduce_max3A_312 = arith.xori %all_reduce_ffs3A_307, %reduce_max3A_311 : vector<16xi32>
    %reduce_max3A_313 = tpu.scan <max>, %reduce_max3A_312 masked %reduce_max3A_309 : vector<16xi32>, vector<16xi1> -> vector<16xi32>
    %reduce_max3A_314 = arith.xori %reduce_max3A_313, %reduce_max3A_311 : vector<16xi32>
    %reduce_max3A_315 = vector.extract %reduce_max3A_314[15] : i32 from vector<16xi32>
    %mul3A_316 = arith.constant 16 : i32
    %mul3A_317 = arith.muli %scan3A_292#1, %mul3A_316 : i32
    %add3A_318 = arith.addi %mul3A_317, %reduce_max3A_315 : i32
    %eq3A_319 = vector.broadcast %reduce_max3A_315 : i32 to vector<16xi32>
    %eq3A_320 = arith.cmpi eq, %iota3A, %eq3A_319 : vector<16xi32>
    %jit3A_321 = arith.constant 0 : i32
    %broadcast_in_dim3A_322 = vector.broadcast %jit3A_321 : i32 to vector<16xi32>
    %select_n3A_323 = arith.select %eq3A_320, %get3A_299, %broadcast_in_dim3A_322 : vector<16xi1>, vector<16xi32>
    %reduce_sum3A_324 = arith.constant true
    %reduce_sum3A_325 = vector.broadcast %reduce_sum3A_324 : i1 to vector<16xi1>
    %reduce_sum3A_326 = tpu.scan <sum>, %select_n3A_323 masked %reduce_sum3A_325 : vector<16xi32>, vector<16xi1> -> vector<16xi32>
    %reduce_sum3A_327 = vector.extract %reduce_sum3A_326[15] : i32 from vector<16xi32>
    %eq3A_328 = vector.broadcast %reduce_max3A_315 : i32 to vector<16xi32>
    %eq3A_329 = arith.cmpi eq, %iota3A, %eq3A_328 : vector<16xi32>
    %jit3A_330 = arith.constant 0 : i32
    %broadcast_in_dim3A_331 = vector.broadcast %jit3A_330 : i32 to vector<16xi32>
    %select_n3A_332 = arith.select %eq3A_329, %add3A_304, %broadcast_in_dim3A_331 : vector<16xi1>, vector<16xi32>
    %reduce_sum3A_333 = arith.constant true
    %reduce_sum3A_334 = vector.broadcast %reduce_sum3A_333 : i1 to vector<16xi1>
    %reduce_sum3A_335 = tpu.scan <sum>, %select_n3A_332 masked %reduce_sum3A_334 : vector<16xi32>, vector<16xi1> -> vector<16xi32>
    %reduce_sum3A_336 = vector.extract %reduce_sum3A_335[15] : i32 from vector<16xi32>
    %sub3A_337 = arith.subi %reduce_sum3A_336, %reduce_sum3A_327 : i32
    %shift_left3A_338 = arith.constant 8 : i32
    %shift_left3A_339 = arith.shli %or3A, %shift_left3A_338 : i32
    %or3A_340 = arith.ori %shift_left3A_339, %add3A_263 : i32
    %shift_left3A_341 = arith.constant 8 : i32
    %shift_left3A_342 = arith.shli %or3A_179, %shift_left3A_341 : i32
    %or3A_343 = arith.ori %shift_left3A_342, %add3A_318 : i32
    %add3A_344 = arith.addi %add3A_181, %sub3A_282 : i32
    %add3A_345 = arith.addi %add3A_183, %sub3A_337 : i32
    %broadcast_in_dim3A_346 = arith.constant 8 : i32
    %broadcast_in_dim3A_347 = vector.broadcast %broadcast_in_dim3A_346 : i32 to vector<16xi32>
    %broadcast_in_dim3A_348 = arith.constant 16 : i32
    %broadcast_in_dim3A_349 = vector.broadcast %broadcast_in_dim3A_348 : i32 to vector<16xi32>
    %mul3A_350 = arith.constant 256 : i32
    %mul3A_351 = vector.broadcast %mul3A_350 : i32 to vector<16xi32>
    %mul3A_352 = arith.muli %iota3A, %mul3A_351 : vector<16xi32>
    %scan3A_353 = arith.constant 0 : i32
    %scan3A_354 = arith.constant 512 : i32
    %scan3A_355 = arith.addi %scan3A_353, %scan3A_354 : i32
    %scan3A_356 = arith.constant 1 : i32
    scf.for %scan3A_720 = %scan3A_353 to %scan3A_355 step %scan3A_356  : i32 {
      %mul3A_721 = arith.constant 1 : i32
      %mul3A_722 = arith.muli %scan3A_720, %mul3A_721 : i32
      %add3A_723 = arith.constant 0 : i32
      %add3A_724 = arith.addi %add3A_723, %mul3A_722 : i32
      %broadcast_in_dim3A_725 = arith.constant 0 : i32
      %broadcast_in_dim3A_726 = vector.broadcast %broadcast_in_dim3A_725 : i32 to vector<16xi32>
      %mul3A_727 = arith.constant 16 : i32
      %mul3A_728 = arith.muli %add3A_724, %mul3A_727 : i32
      %swap3A_729 = arith.index_cast %mul3A_728 : i32 to index
      %swap3A_730 = tpu.vector_load %arg6[%swap3A_729] {strides = array<i32>} : memref<8192xi32, #tpu.memory_space<vmem>>, vector<16xi32>,
      tpu.vector_store %arg6[%swap3A_729], %broadcast_in_dim3A_726 {strides = array<i32>} : memref<8192xi32, #tpu.memory_space<vmem>>, vector<16xi32>,
    }
    %scan3A_357 = arith.constant 512 : i32
    %mul3A_358 = arith.constant 1048576 : i32
    %mul3A_359 = arith.muli %arg1, %mul3A_358 : i32
    %dma_start3A_360 = arith.constant 0 : i32
    %dma_start3A_361 = tpu.memref_slice %arg5[%dma_start3A_360] : memref<65536xf32, #tpu.memory_space<vmem>> -> memref<32768xf32, #tpu.memory_space<vmem>>
    %dma_start3A_362 = tpu.memref_slice %arg2[%mul3A_359] : memref<16777216xf32, #tpu.memory_space<hbm>> -> memref<32768xf32, #tpu.memory_space<hbm>>
    %dma_start3A_363 = arith.constant 0 : i32
    %dma_start3A_364 = tpu.memref_slice %arg5[%dma_start3A_363] : memref<65536xf32, #tpu.memory_space<vmem>> -> memref<32768xf32, #tpu.memory_space<vmem>>
    %dma_start3A_365 = tpu.memref_slice %arg2[%mul3A_359] : memref<16777216xf32, #tpu.memory_space<hbm>> -> memref<32768xf32, #tpu.memory_space<hbm>>
    tpu.enqueue_dma source(%dma_start3A_365 : memref<32768xf32, #tpu.memory_space<hbm>>) target(%dma_start3A_364 : memref<32768xf32, #tpu.memory_space<vmem>>) target_semaphore(%arg15 : memref<!tpu.dma_semaphore, #tpu.memory_space<semaphore_mem>>)
    %scan3A_366 = arith.constant 0 : i32
    %scan3A_367 = arith.constant 32 : i32
    %scan3A_368 = arith.addi %scan3A_366, %scan3A_367 : i32
    %scan3A_369 = arith.constant 1 : i32
    scf.for %scan3A_720 = %scan3A_366 to %scan3A_368 step %scan3A_369  : i32 {
      %mul3A_721 = arith.constant 1 : i32
      %mul3A_722 = arith.muli %scan3A_720, %mul3A_721 : i32
      %add3A_723 = arith.constant 0 : i32
      %add3A_724 = arith.addi %add3A_723, %mul3A_722 : i32
      %rem3A = arith.constant 2 : i32
      %rem3A_725 = arith.remsi %add3A_724, %rem3A : i32
      %add3A_726 = arith.constant 1 : i32
      %add3A_727 = arith.addi %add3A_724, %add3A_726 : i32
      %lt3A = arith.constant 32 : i32
      %lt3A_728 = arith.cmpi slt, %add3A_727, %lt3A : i32
      %convert_element_type3A_729 = arith.extui %lt3A_728 : i1 to i32
      %cond3A_730 = arith.constant 0 : i32
      %cond3A_731 = arith.cmpi ne, %convert_element_type3A_729, %cond3A_730 : i32
      scf.if %cond3A_731 {
        %add3A_745 = arith.constant 1 : i32
        %add3A_746 = arith.addi %add3A_724, %add3A_745 : i32
        %mul3A_747 = arith.constant 32768 : i32
        %mul3A_748 = arith.muli %add3A_746, %mul3A_747 : i32
        %add3A_749 = arith.addi %mul3A_359, %mul3A_748 : i32
        %sub3A_750 = arith.constant 1 : i32
        %sub3A_751 = arith.subi %sub3A_750, %rem3A_725 : i32
        %mul3A_752 = arith.constant 32768 : i32
        %mul3A_753 = arith.muli %sub3A_751, %mul3A_752 : i32
        %dma_start3A_754 = tpu.memref_slice %arg5[%mul3A_753] : memref<65536xf32, #tpu.memory_space<vmem>> -> memref<32768xf32, #tpu.memory_space<vmem>>
        %dma_start3A_755 = tpu.memref_slice %arg2[%add3A_749] : memref<16777216xf32, #tpu.memory_space<hbm>> -> memref<32768xf32, #tpu.memory_space<hbm>>
        %dma_start3A_756 = tpu.memref_slice %arg5[%mul3A_753] : memref<65536xf32, #tpu.memory_space<vmem>> -> memref<32768xf32, #tpu.memory_space<vmem>>
        %dma_start3A_757 = tpu.memref_slice %arg2[%add3A_749] : memref<16777216xf32, #tpu.memory_space<hbm>> -> memref<32768xf32, #tpu.memory_space<hbm>>
        tpu.enqueue_dma source(%dma_start3A_757 : memref<32768xf32, #tpu.memory_space<hbm>>) target(%dma_start3A_756 : memref<32768xf32, #tpu.memory_space<vmem>>) target_semaphore(%arg15 : memref<!tpu.dma_semaphore, #tpu.memory_space<semaphore_mem>>)
      } else {
      }
      %mul3A_732 = arith.constant 32768 : i32
      %mul3A_733 = arith.muli %add3A_724, %mul3A_732 : i32
      %add3A_734 = arith.addi %mul3A_359, %mul3A_733 : i32
      %mul3A_735 = arith.constant 32768 : i32
      %mul3A_736 = arith.muli %rem3A_725, %mul3A_735 : i32
      %dma_wait3A = tpu.memref_slice %arg5[%mul3A_736] : memref<65536xf32, #tpu.memory_space<vmem>> -> memref<32768xf32, #tpu.memory_space<vmem>>
      %dma_wait3A_737 = tpu.memref_slice %arg2[%add3A_734] : memref<16777216xf32, #tpu.memory_space<hbm>> -> memref<32768xf32, #tpu.memory_space<hbm>>
      %dma_wait3A_738 = tpu.memref_slice %arg5[%mul3A_736] : memref<65536xf32, #tpu.memory_space<vmem>> -> memref<32768xf32, #tpu.memory_space<vmem>>
      %dma_wait3A_739 = tpu.memref_slice %arg2[%add3A_734] : memref<16777216xf32, #tpu.memory_space<hbm>> -> memref<32768xf32, #tpu.memory_space<hbm>>
      tpu.wait_dma2 semaphore(%arg15 : memref<!tpu.dma_semaphore, #tpu.memory_space<semaphore_mem>>) src(%dma_wait3A_739 : memref<32768xf32, #tpu.memory_space<hbm>>) dst(%dma_wait3A_738 : memref<32768xf32, #tpu.memory_space<vmem>>)
      %scan3A_740 = arith.constant 0 : i32
      %scan3A_741 = arith.constant 2048 : i32
      %scan3A_742 = arith.addi %scan3A_740, %scan3A_741 : i32
      %scan3A_743 = arith.constant 1 : i32
      scf.for %scan3A_745 = %scan3A_740 to %scan3A_742 step %scan3A_743  : i32 {
        %mul3A_746 = arith.constant 1 : i32
        %mul3A_747 = arith.muli %scan3A_745, %mul3A_746 : i32
        %add3A_748 = arith.constant 0 : i32
        %add3A_749 = arith.addi %add3A_748, %mul3A_747 : i32
        %mul3A_750 = arith.constant 32768 : i32
        %mul3A_751 = arith.muli %rem3A_725, %mul3A_750 : i32
        %mul3A_752 = arith.constant 16 : i32
        %mul3A_753 = arith.muli %add3A_749, %mul3A_752 : i32
        %add3A_754 = arith.addi %mul3A_751, %mul3A_753 : i32
        %get3A_755 = arith.index_cast %add3A_754 : i32 to index
        %get3A_756 = tpu.vector_load %arg5[%get3A_755] {strides = array<i32>} : memref<65536xf32, #tpu.memory_space<vmem>>, vector<16xf32>,
        %bitcast3A_757 = vector.bitcast %get3A_756 : vector<16xf32> to vector<16xi32>
        %shift_right_arithmetic3A_758 = arith.shrsi %bitcast3A_757, %broadcast_in_dim3A_4 : vector<16xi32>
        %or3A_759 = arith.ori %shift_right_arithmetic3A_758, %broadcast_in_dim3A_6 : vector<16xi32>
        %xor3A_760 = arith.xori %bitcast3A_757, %or3A_759 : vector<16xi32>
        %shift_right_logical3A = arith.shrui %xor3A_760, %broadcast_in_dim3A_347 : vector<16xi32>
        %and3A_761 = arith.andi %shift_right_logical3A, %broadcast_in_dim3A_2 : vector<16xi32>
        %add3A_762 = arith.addi %and3A_761, %mul3A_352 : vector<16xi32>
        %shift_right_logical3A_763 = arith.shrui %xor3A_760, %broadcast_in_dim3A_349 : vector<16xi32>
        %eq3A_764 = vector.broadcast %or3A_340 : i32 to vector<16xi32>
        %eq3A_765 = arith.cmpi eq, %shift_right_logical3A_763, %eq3A_764 : vector<16xi32>
        tpu.vector_store_idx %arg6[%add3A_762], %broadcast_in_dim3A_0 masked %eq3A_765 {add = true} : memref<8192xi32, #tpu.memory_space<vmem>>[vector<16xi32>], vector<16xi32>, vector<16xi1>
        %add3A_766 = arith.constant 4096 : i32
        %add3A_767 = vector.broadcast %add3A_766 : i32 to vector<16xi32>
        %add3A_768 = arith.addi %add3A_762, %add3A_767 : vector<16xi32>
        %eq3A_769 = vector.broadcast %or3A_343 : i32 to vector<16xi32>
        %eq3A_770 = arith.cmpi eq, %shift_right_logical3A_763, %eq3A_769 : vector<16xi32>
        tpu.vector_store_idx %arg6[%add3A_768], %broadcast_in_dim3A_0 masked %eq3A_770 {add = true} : memref<8192xi32, #tpu.memory_space<vmem>>[vector<16xi32>], vector<16xi32>, vector<16xi1>
      }
      %scan3A_744 = arith.constant 2048 : i32
    }
    %scan3A_370 = arith.constant 32 : i32
    %scan3A_371 = arith.constant 0 : i32
    %scan3A_372 = arith.constant 32 : i32
    %scan3A_373 = arith.addi %scan3A_371, %scan3A_372 : i32
    %scan3A_374 = arith.constant 1 : i32
    scf.for %scan3A_720 = %scan3A_371 to %scan3A_373 step %scan3A_374  : i32 {
      %mul3A_721 = arith.constant 1 : i32
      %mul3A_722 = arith.muli %scan3A_720, %mul3A_721 : i32
      %add3A_723 = arith.constant 0 : i32
      %add3A_724 = arith.addi %add3A_723, %mul3A_722 : i32
      %jit3A_725 = arith.constant 16 : i32
      %div3A = arith.divsi %add3A_724, %jit3A_725 : i32
      %sign3A = arith.constant 0 : i32
      %sign3A_726 = arith.cmpi sgt, %add3A_724, %sign3A : i32
      %sign3A_727 = arith.extui %sign3A_726 : i1 to i32
      %sign3A_728 = arith.constant 0 : i32
      %sign3A_729 = arith.cmpi slt, %add3A_724, %sign3A_728 : i32
      %sign3A_730 = arith.extui %sign3A_729 : i1 to i32
      %sign3A_731 = arith.subi %sign3A_727, %sign3A_730 : i32
      %sign3A_732 = arith.constant 0 : i32
      %sign3A_733 = arith.cmpi sgt, %jit3A_725, %sign3A_732 : i32
      %sign3A_734 = arith.extui %sign3A_733 : i1 to i32
      %sign3A_735 = arith.constant 0 : i32
      %sign3A_736 = arith.cmpi slt, %jit3A_725, %sign3A_735 : i32
      %sign3A_737 = arith.extui %sign3A_736 : i1 to i32
      %sign3A_738 = arith.subi %sign3A_734, %sign3A_737 : i32
      %ne3A = arith.cmpi ne, %sign3A_731, %sign3A_738 : i32
      %rem3A = arith.remsi %add3A_724, %jit3A_725 : i32
      %ne3A_739 = arith.constant 0 : i32
      %ne3A_740 = arith.cmpi ne, %rem3A, %ne3A_739 : i32
      %and3A_741 = arith.andi %ne3A, %ne3A_740 : i1
      %sub3A_742 = arith.constant 1 : i32
      %sub3A_743 = arith.subi %div3A, %sub3A_742 : i32
      %select_n3A_744 = arith.select %and3A_741, %sub3A_743, %div3A : i32
      %rem3A_745 = arith.constant 16 : i32
      %rem3A_746 = arith.remsi %add3A_724, %rem3A_745 : i32
      %broadcast_in_dim3A_747 = arith.constant 0 : i32
      %broadcast_in_dim3A_748 = vector.broadcast %broadcast_in_dim3A_747 : i32 to vector<16xi32>
      %scan3A_749 = arith.constant 0 : i32
      %scan3A_750 = arith.constant 16 : i32
      %scan3A_751 = arith.addi %scan3A_749, %scan3A_750 : i32
      %scan3A_752 = arith.constant 1 : i32
      %scan3A_753 = scf.for %scan3A_762 = %scan3A_749 to %scan3A_751 step %scan3A_752 iter_args(%scan3A_763 = %broadcast_in_dim3A_748) -> (vector<16xi32>)  : i32 {
        %mul3A_764 = arith.constant 1 : i32
        %mul3A_765 = arith.muli %scan3A_762, %mul3A_764 : i32
        %add3A_766 = arith.constant 0 : i32
        %add3A_767 = arith.addi %add3A_766, %mul3A_765 : i32
        %mul3A_768 = arith.constant 4096 : i32
        %mul3A_769 = arith.muli %select_n3A_744, %mul3A_768 : i32
        %mul3A_770 = arith.constant 256 : i32
        %mul3A_771 = arith.muli %add3A_767, %mul3A_770 : i32
        %add3A_772 = arith.addi %mul3A_769, %mul3A_771 : i32
        %mul3A_773 = arith.constant 16 : i32
        %mul3A_774 = arith.muli %rem3A_746, %mul3A_773 : i32
        %add3A_775 = arith.addi %add3A_772, %mul3A_774 : i32
        %get3A_776 = arith.index_cast %add3A_775 : i32 to index
        %get3A_777 = tpu.vector_load %arg6[%get3A_776] {strides = array<i32>} : memref<8192xi32, #tpu.memory_space<vmem>>, vector<16xi32>,
        %add3A_778 = arith.addi %scan3A_763, %get3A_777 : vector<16xi32>
        scf.yield %add3A_778 : vector<16xi32>
      }
      %scan3A_754 = arith.constant 16 : i32
      %mul3A_755 = arith.constant 256 : i32
      %mul3A_756 = arith.muli %select_n3A_744, %mul3A_755 : i32
      %mul3A_757 = arith.constant 16 : i32
      %mul3A_758 = arith.muli %rem3A_746, %mul3A_757 : i32
      %add3A_759 = arith.addi %mul3A_756, %mul3A_758 : i32
      %swap3A_760 = arith.index_cast %add3A_759 : i32 to index
      %swap3A_761 = tpu.vector_load %arg7[%swap3A_760] {strides = array<i32>} : memref<512xi32, #tpu.memory_space<vmem>>, vector<16xi32>,
      tpu.vector_store %arg7[%swap3A_760], %scan3A_753 {strides = array<i32>} : memref<512xi32, #tpu.memory_space<vmem>>, vector<16xi32>,
    }
    %scan3A_375 = arith.constant 32 : i32
    %barrier3A_376 = arith.constant 0 : index
    tpu.barrier barrier_id(%barrier3A_376)
    %mul3A_377 = arith.constant 512 : i32
    %mul3A_378 = arith.muli %arg1, %mul3A_377 : i32
    "tpu.region"() ({
      %run_scoped3A = tpu.sem_alloc : memref<!tpu.dma_semaphore, #tpu.memory_space<semaphore_mem>>
      %dma_start3A_720 = tpu.memref_slice %arg13[%mul3A_378] : memref<8192xi32, #tpu.memory_space<vmem_shared>> -> memref<512xi32, #tpu.memory_space<vmem_shared>>
      %dma_start3A_721 = tpu.memref_slice %arg13[%mul3A_378] : memref<8192xi32, #tpu.memory_space<vmem_shared>> -> memref<512xi32, #tpu.memory_space<vmem_shared>>
      tpu.enqueue_dma source(%arg7 : memref<512xi32, #tpu.memory_space<vmem>>) target(%dma_start3A_721 : memref<512xi32, #tpu.memory_space<vmem_shared>>) target_semaphore(%run_scoped3A : memref<!tpu.dma_semaphore, #tpu.memory_space<semaphore_mem>>)
      %dma_wait3A = tpu.memref_slice %arg13[%mul3A_378] : memref<8192xi32, #tpu.memory_space<vmem_shared>> -> memref<512xi32, #tpu.memory_space<vmem_shared>>
      %dma_wait3A_722 = tpu.memref_slice %arg13[%mul3A_378] : memref<8192xi32, #tpu.memory_space<vmem_shared>> -> memref<512xi32, #tpu.memory_space<vmem_shared>>
      tpu.wait_dma2 semaphore(%run_scoped3A : memref<!tpu.dma_semaphore, #tpu.memory_space<semaphore_mem>>) src(%arg7 : memref<512xi32, #tpu.memory_space<vmem>>) dst(%dma_wait3A_722 : memref<512xi32, #tpu.memory_space<vmem_shared>>)
      tpu.yield
    }) : () -> ()
    %barrier3A_379 = arith.constant 0 : index
    tpu.barrier barrier_id(%barrier3A_379)
    %scan3A_380 = arith.constant 0 : i32
    %scan3A_381 = arith.constant 32 : i32
    %scan3A_382 = arith.addi %scan3A_380, %scan3A_381 : i32
    %scan3A_383 = arith.constant 1 : i32
    scf.for %scan3A_720 = %scan3A_380 to %scan3A_382 step %scan3A_383  : i32 {
      %mul3A_721 = arith.constant 1 : i32
      %mul3A_722 = arith.muli %scan3A_720, %mul3A_721 : i32
      %add3A_723 = arith.constant 0 : i32
      %add3A_724 = arith.addi %add3A_723, %mul3A_722 : i32
      %broadcast_in_dim3A_725 = arith.constant 0 : i32
      %broadcast_in_dim3A_726 = vector.broadcast %broadcast_in_dim3A_725 : i32 to vector<16xi32>
      %mul3A_727 = arith.constant 16 : i32
      %mul3A_728 = arith.muli %add3A_724, %mul3A_727 : i32
      %swap3A_729 = arith.index_cast %mul3A_728 : i32 to index
      %swap3A_730 = tpu.vector_load %arg8[%swap3A_729] {strides = array<i32>} : memref<512xi32, #tpu.memory_space<vmem>>, vector<16xi32>,
      tpu.vector_store %arg8[%swap3A_729], %broadcast_in_dim3A_726 {strides = array<i32>} : memref<512xi32, #tpu.memory_space<vmem>>, vector<16xi32>,
    }
    %scan3A_384 = arith.constant 32 : i32
    %scan3A_385 = arith.constant 0 : i32
    %scan3A_386 = arith.constant 16 : i32
    %scan3A_387 = arith.addi %scan3A_385, %scan3A_386 : i32
    %scan3A_388 = arith.constant 1 : i32
    scf.for %scan3A_720 = %scan3A_385 to %scan3A_387 step %scan3A_388  : i32 {
      %mul3A_721 = arith.constant 1 : i32
      %mul3A_722 = arith.muli %scan3A_720, %mul3A_721 : i32
      %add3A_723 = arith.constant 0 : i32
      %add3A_724 = arith.addi %add3A_723, %mul3A_722 : i32
      %mul3A_725 = arith.constant 512 : i32
      %mul3A_726 = arith.muli %add3A_724, %mul3A_725 : i32
      "tpu.region"() ({
        %run_scoped3A = tpu.sem_alloc : memref<!tpu.dma_semaphore, #tpu.memory_space<semaphore_mem>>
        %dma_start3A_732 = tpu.memref_slice %arg13[%mul3A_726] : memref<8192xi32, #tpu.memory_space<vmem_shared>> -> memref<512xi32, #tpu.memory_space<vmem_shared>>
        %dma_start3A_733 = tpu.memref_slice %arg13[%mul3A_726] : memref<8192xi32, #tpu.memory_space<vmem_shared>> -> memref<512xi32, #tpu.memory_space<vmem_shared>>
        tpu.enqueue_dma source(%dma_start3A_733 : memref<512xi32, #tpu.memory_space<vmem_shared>>) target(%arg9 : memref<512xi32, #tpu.memory_space<vmem>>) target_semaphore(%run_scoped3A : memref<!tpu.dma_semaphore, #tpu.memory_space<semaphore_mem>>)
        %dma_wait3A = tpu.memref_slice %arg13[%mul3A_726] : memref<8192xi32, #tpu.memory_space<vmem_shared>> -> memref<512xi32, #tpu.memory_space<vmem_shared>>
        %dma_wait3A_734 = tpu.memref_slice %arg13[%mul3A_726] : memref<8192xi32, #tpu.memory_space<vmem_shared>> -> memref<512xi32, #tpu.memory_space<vmem_shared>>
        tpu.wait_dma2 semaphore(%run_scoped3A : memref<!tpu.dma_semaphore, #tpu.memory_space<semaphore_mem>>) src(%dma_wait3A_734 : memref<512xi32, #tpu.memory_space<vmem_shared>>) dst(%arg9 : memref<512xi32, #tpu.memory_space<vmem>>)
        tpu.yield
      }) : () -> ()
      %scan3A_727 = arith.constant 0 : i32
      %scan3A_728 = arith.constant 32 : i32
      %scan3A_729 = arith.addi %scan3A_727, %scan3A_728 : i32
      %scan3A_730 = arith.constant 1 : i32
      scf.for %scan3A_732 = %scan3A_727 to %scan3A_729 step %scan3A_730  : i32 {
        %mul3A_733 = arith.constant 1 : i32
        %mul3A_734 = arith.muli %scan3A_732, %mul3A_733 : i32
        %add3A_735 = arith.constant 0 : i32
        %add3A_736 = arith.addi %add3A_735, %mul3A_734 : i32
        %mul3A_737 = arith.constant 16 : i32
        %mul3A_738 = arith.muli %add3A_736, %mul3A_737 : i32
        %get3A_739 = arith.index_cast %mul3A_738 : i32 to index
        %get3A_740 = tpu.vector_load %arg8[%get3A_739] {strides = array<i32>} : memref<512xi32, #tpu.memory_space<vmem>>, vector<16xi32>,
        %mul3A_741 = arith.constant 16 : i32
        %mul3A_742 = arith.muli %add3A_736, %mul3A_741 : i32
        %get3A_743 = arith.index_cast %mul3A_742 : i32 to index
        %get3A_744 = tpu.vector_load %arg9[%get3A_743] {strides = array<i32>} : memref<512xi32, #tpu.memory_space<vmem>>, vector<16xi32>,
        %add3A_745 = arith.addi %get3A_740, %get3A_744 : vector<16xi32>
        %mul3A_746 = arith.constant 16 : i32
        %mul3A_747 = arith.muli %add3A_736, %mul3A_746 : i32
        %swap3A_748 = arith.index_cast %mul3A_747 : i32 to index
        %swap3A_749 = tpu.vector_load %arg8[%swap3A_748] {strides = array<i32>} : memref<512xi32, #tpu.memory_space<vmem>>, vector<16xi32>,
        tpu.vector_store %arg8[%swap3A_748], %add3A_745 {strides = array<i32>} : memref<512xi32, #tpu.memory_space<vmem>>, vector<16xi32>,
      }
      %scan3A_731 = arith.constant 32 : i32
    }
    %scan3A_389 = arith.constant 16 : i32
    %sub3A_390 = arith.constant 16777 : i32
    %sub3A_391 = arith.subi %sub3A_390, %add3A_344 : i32
    %scan3A_392 = arith.constant 0 : i32
    %scan3A_393 = arith.constant 0 : i32
    %scan3A_394 = arith.constant 0 : i32
    %scan3A_395 = arith.constant 0 : i32
    %scan3A_396 = arith.constant 16 : i32
    %scan3A_397 = arith.addi %scan3A_395, %scan3A_396 : i32
    %scan3A_398 = arith.constant 1 : i32
    %scan3A_399:3 = scf.for %scan3A_720 = %scan3A_395 to %scan3A_397 step %scan3A_398 iter_args(%scan3A_721 = %scan3A_392, %scan3A_722 = %scan3A_393, %scan3A_723 = %scan3A_394) -> (i32, i32, i32)  : i32 {
      %mul3A_724 = arith.constant 16 : i32
      %mul3A_725 = arith.muli %scan3A_720, %mul3A_724 : i32
      %add3A_726 = arith.constant 0 : i32
      %add3A_727 = arith.addi %add3A_726, %mul3A_725 : i32
      %get3A_728 = arith.index_cast %add3A_727 : i32 to index
      %get3A_729 = tpu.vector_load %arg8[%get3A_728] {strides = array<i32>} : memref<512xi32, #tpu.memory_space<vmem>>, vector<16xi32>,
      %reduce_sum3A_730 = arith.constant true
      %reduce_sum3A_731 = vector.broadcast %reduce_sum3A_730 : i1 to vector<16xi1>
      %reduce_sum3A_732 = tpu.scan <sum>, %get3A_729 masked %reduce_sum3A_731 : vector<16xi32>, vector<16xi1> -> vector<16xi32>
      %reduce_sum3A_733 = vector.extract %reduce_sum3A_732[15] : i32 from vector<16xi32>
      %add3A_734 = arith.addi %scan3A_721, %reduce_sum3A_733 : i32
      %lt3A = arith.cmpi slt, %scan3A_721, %sub3A_391 : i32
      %ge3A_735 = arith.cmpi sge, %add3A_734, %sub3A_391 : i32
      %and3A_736 = arith.andi %lt3A, %ge3A_735 : i1
      %select_n3A_737 = arith.select %and3A_736, %scan3A_720, %scan3A_722 : i32
      %select_n3A_738 = arith.select %and3A_736, %scan3A_721, %scan3A_723 : i32
      scf.yield %add3A_734, %select_n3A_737, %select_n3A_738 : i32, i32, i32
    }
    %scan3A_400 = arith.constant 16 : i32
    %mul3A_401 = arith.constant 16 : i32
    %mul3A_402 = arith.muli %scan3A_399#1, %mul3A_401 : i32
    %add3A_403 = arith.constant 0 : i32
    %add3A_404 = arith.addi %add3A_403, %mul3A_402 : i32
    %get3A_405 = arith.index_cast %add3A_404 : i32 to index
    %get3A_406 = tpu.vector_load %arg8[%get3A_405] {strides = array<i32>} : memref<512xi32, #tpu.memory_space<vmem>>, vector<16xi32>,
    %broadcast_in_dim3A_407 = arith.constant true
    %broadcast_in_dim3A_408 = vector.broadcast %broadcast_in_dim3A_407 : i1 to vector<16xi1>
    %masked_cumsum3A_409 = tpu.scan <sum>, %get3A_406 masked %broadcast_in_dim3A_408 : vector<16xi32>, vector<16xi1> -> vector<16xi32>
    %add3A_410 = vector.broadcast %scan3A_399#2 : i32 to vector<16xi32>
    %add3A_411 = arith.addi %masked_cumsum3A_409, %add3A_410 : vector<16xi32>
    %ge3A_412 = vector.broadcast %sub3A_391 : i32 to vector<16xi32>
    %ge3A_413 = arith.cmpi sge, %add3A_411, %ge3A_412 : vector<16xi32>
    %all_reduce_ffs3A_414 = tpu.all_reduce %ge3A_413 {dim = 0 : i64, kind = #tpu.reduction_kind<find_first_set>} : vector<16xi1> -> vector<16xi32>
    %reduce_max3A_415 = arith.constant true
    %reduce_max3A_416 = vector.broadcast %reduce_max3A_415 : i1 to vector<16xi1>
    %reduce_max3A_417 = arith.constant -2147483648 : i32
    %reduce_max3A_418 = vector.broadcast %reduce_max3A_417 : i32 to vector<16xi32>
    %reduce_max3A_419 = arith.xori %all_reduce_ffs3A_414, %reduce_max3A_418 : vector<16xi32>
    %reduce_max3A_420 = tpu.scan <max>, %reduce_max3A_419 masked %reduce_max3A_416 : vector<16xi32>, vector<16xi1> -> vector<16xi32>
    %reduce_max3A_421 = arith.xori %reduce_max3A_420, %reduce_max3A_418 : vector<16xi32>
    %reduce_max3A_422 = vector.extract %reduce_max3A_421[15] : i32 from vector<16xi32>
    %mul3A_423 = arith.constant 16 : i32
    %mul3A_424 = arith.muli %scan3A_399#1, %mul3A_423 : i32
    %add3A_425 = arith.addi %mul3A_424, %reduce_max3A_422 : i32
    %eq3A_426 = vector.broadcast %reduce_max3A_422 : i32 to vector<16xi32>
    %eq3A_427 = arith.cmpi eq, %iota3A, %eq3A_426 : vector<16xi32>
    %jit3A_428 = arith.constant 0 : i32
    %broadcast_in_dim3A_429 = vector.broadcast %jit3A_428 : i32 to vector<16xi32>
    %select_n3A_430 = arith.select %eq3A_427, %get3A_406, %broadcast_in_dim3A_429 : vector<16xi1>, vector<16xi32>
    %reduce_sum3A_431 = arith.constant true
    %reduce_sum3A_432 = vector.broadcast %reduce_sum3A_431 : i1 to vector<16xi1>
    %reduce_sum3A_433 = tpu.scan <sum>, %select_n3A_430 masked %reduce_sum3A_432 : vector<16xi32>, vector<16xi1> -> vector<16xi32>
    %reduce_sum3A_434 = vector.extract %reduce_sum3A_433[15] : i32 from vector<16xi32>
    %eq3A_435 = vector.broadcast %reduce_max3A_422 : i32 to vector<16xi32>
    %eq3A_436 = arith.cmpi eq, %iota3A, %eq3A_435 : vector<16xi32>
    %jit3A_437 = arith.constant 0 : i32
    %broadcast_in_dim3A_438 = vector.broadcast %jit3A_437 : i32 to vector<16xi32>
    %select_n3A_439 = arith.select %eq3A_436, %add3A_411, %broadcast_in_dim3A_438 : vector<16xi1>, vector<16xi32>
    %reduce_sum3A_440 = arith.constant true
    %reduce_sum3A_441 = vector.broadcast %reduce_sum3A_440 : i1 to vector<16xi1>
    %reduce_sum3A_442 = tpu.scan <sum>, %select_n3A_439 masked %reduce_sum3A_441 : vector<16xi32>, vector<16xi1> -> vector<16xi32>
    %reduce_sum3A_443 = vector.extract %reduce_sum3A_442[15] : i32 from vector<16xi32>
    %sub3A_444 = arith.subi %reduce_sum3A_443, %reduce_sum3A_434 : i32
    %sub3A_445 = arith.constant 16760438 : i32
    %sub3A_446 = arith.subi %sub3A_445, %add3A_345 : i32
    %scan3A_447 = arith.constant 0 : i32
    %scan3A_448 = arith.constant 0 : i32
    %scan3A_449 = arith.constant 0 : i32
    %scan3A_450 = arith.constant 0 : i32
    %scan3A_451 = arith.constant 16 : i32
    %scan3A_452 = arith.addi %scan3A_450, %scan3A_451 : i32
    %scan3A_453 = arith.constant 1 : i32
    %scan3A_454:3 = scf.for %scan3A_720 = %scan3A_450 to %scan3A_452 step %scan3A_453 iter_args(%scan3A_721 = %scan3A_447, %scan3A_722 = %scan3A_448, %scan3A_723 = %scan3A_449) -> (i32, i32, i32)  : i32 {
      %mul3A_724 = arith.constant 16 : i32
      %mul3A_725 = arith.muli %scan3A_720, %mul3A_724 : i32
      %add3A_726 = arith.constant 256 : i32
      %add3A_727 = arith.addi %add3A_726, %mul3A_725 : i32
      %get3A_728 = arith.index_cast %add3A_727 : i32 to index
      %get3A_729 = tpu.vector_load %arg8[%get3A_728] {strides = array<i32>} : memref<512xi32, #tpu.memory_space<vmem>>, vector<16xi32>,
      %reduce_sum3A_730 = arith.constant true
      %reduce_sum3A_731 = vector.broadcast %reduce_sum3A_730 : i1 to vector<16xi1>
      %reduce_sum3A_732 = tpu.scan <sum>, %get3A_729 masked %reduce_sum3A_731 : vector<16xi32>, vector<16xi1> -> vector<16xi32>
      %reduce_sum3A_733 = vector.extract %reduce_sum3A_732[15] : i32 from vector<16xi32>
      %add3A_734 = arith.addi %scan3A_721, %reduce_sum3A_733 : i32
      %lt3A = arith.cmpi slt, %scan3A_721, %sub3A_446 : i32
      %ge3A_735 = arith.cmpi sge, %add3A_734, %sub3A_446 : i32
      %and3A_736 = arith.andi %lt3A, %ge3A_735 : i1
      %select_n3A_737 = arith.select %and3A_736, %scan3A_720, %scan3A_722 : i32
      %select_n3A_738 = arith.select %and3A_736, %scan3A_721, %scan3A_723 : i32
      scf.yield %add3A_734, %select_n3A_737, %select_n3A_738 : i32, i32, i32
    }
    %scan3A_455 = arith.constant 16 : i32
    %mul3A_456 = arith.constant 16 : i32
    %mul3A_457 = arith.muli %scan3A_454#1, %mul3A_456 : i32
    %add3A_458 = arith.constant 256 : i32
    %add3A_459 = arith.addi %add3A_458, %mul3A_457 : i32
    %get3A_460 = arith.index_cast %add3A_459 : i32 to index
    %get3A_461 = tpu.vector_load %arg8[%get3A_460] {strides = array<i32>} : memref<512xi32, #tpu.memory_space<vmem>>, vector<16xi32>,
    %broadcast_in_dim3A_462 = arith.constant true
    %broadcast_in_dim3A_463 = vector.broadcast %broadcast_in_dim3A_462 : i1 to vector<16xi1>
    %masked_cumsum3A_464 = tpu.scan <sum>, %get3A_461 masked %broadcast_in_dim3A_463 : vector<16xi32>, vector<16xi1> -> vector<16xi32>
    %add3A_465 = vector.broadcast %scan3A_454#2 : i32 to vector<16xi32>
    %add3A_466 = arith.addi %masked_cumsum3A_464, %add3A_465 : vector<16xi32>
    %ge3A_467 = vector.broadcast %sub3A_446 : i32 to vector<16xi32>
    %ge3A_468 = arith.cmpi sge, %add3A_466, %ge3A_467 : vector<16xi32>
    %all_reduce_ffs3A_469 = tpu.all_reduce %ge3A_468 {dim = 0 : i64, kind = #tpu.reduction_kind<find_first_set>} : vector<16xi1> -> vector<16xi32>
    %reduce_max3A_470 = arith.constant true
    %reduce_max3A_471 = vector.broadcast %reduce_max3A_470 : i1 to vector<16xi1>
    %reduce_max3A_472 = arith.constant -2147483648 : i32
    %reduce_max3A_473 = vector.broadcast %reduce_max3A_472 : i32 to vector<16xi32>
    %reduce_max3A_474 = arith.xori %all_reduce_ffs3A_469, %reduce_max3A_473 : vector<16xi32>
    %reduce_max3A_475 = tpu.scan <max>, %reduce_max3A_474 masked %reduce_max3A_471 : vector<16xi32>, vector<16xi1> -> vector<16xi32>
    %reduce_max3A_476 = arith.xori %reduce_max3A_475, %reduce_max3A_473 : vector<16xi32>
    %reduce_max3A_477 = vector.extract %reduce_max3A_476[15] : i32 from vector<16xi32>
    %mul3A_478 = arith.constant 16 : i32
    %mul3A_479 = arith.muli %scan3A_454#1, %mul3A_478 : i32
    %add3A_480 = arith.addi %mul3A_479, %reduce_max3A_477 : i32
    %eq3A_481 = vector.broadcast %reduce_max3A_477 : i32 to vector<16xi32>
    %eq3A_482 = arith.cmpi eq, %iota3A, %eq3A_481 : vector<16xi32>
    %jit3A_483 = arith.constant 0 : i32
    %broadcast_in_dim3A_484 = vector.broadcast %jit3A_483 : i32 to vector<16xi32>
    %select_n3A_485 = arith.select %eq3A_482, %get3A_461, %broadcast_in_dim3A_484 : vector<16xi1>, vector<16xi32>
    %reduce_sum3A_486 = arith.constant true
    %reduce_sum3A_487 = vector.broadcast %reduce_sum3A_486 : i1 to vector<16xi1>
    %reduce_sum3A_488 = tpu.scan <sum>, %select_n3A_485 masked %reduce_sum3A_487 : vector<16xi32>, vector<16xi1> -> vector<16xi32>
    %reduce_sum3A_489 = vector.extract %reduce_sum3A_488[15] : i32 from vector<16xi32>
    %eq3A_490 = vector.broadcast %reduce_max3A_477 : i32 to vector<16xi32>
    %eq3A_491 = arith.cmpi eq, %iota3A, %eq3A_490 : vector<16xi32>
    %jit3A_492 = arith.constant 0 : i32
    %broadcast_in_dim3A_493 = vector.broadcast %jit3A_492 : i32 to vector<16xi32>
    %select_n3A_494 = arith.select %eq3A_491, %add3A_466, %broadcast_in_dim3A_493 : vector<16xi1>, vector<16xi32>
    %reduce_sum3A_495 = arith.constant true
    %reduce_sum3A_496 = vector.broadcast %reduce_sum3A_495 : i1 to vector<16xi1>
    %reduce_sum3A_497 = tpu.scan <sum>, %select_n3A_494 masked %reduce_sum3A_496 : vector<16xi32>, vector<16xi1> -> vector<16xi32>
    %reduce_sum3A_498 = vector.extract %reduce_sum3A_497[15] : i32 from vector<16xi32>
    %sub3A_499 = arith.subi %reduce_sum3A_498, %reduce_sum3A_489 : i32
    %shift_left3A_500 = arith.constant 8 : i32
    %shift_left3A_501 = arith.shli %or3A_340, %shift_left3A_500 : i32
    %or3A_502 = arith.ori %shift_left3A_501, %add3A_425 : i32
    %shift_left3A_503 = arith.constant 8 : i32
    %shift_left3A_504 = arith.shli %or3A_343, %shift_left3A_503 : i32
    %or3A_505 = arith.ori %shift_left3A_504, %add3A_480 : i32
    %add3A_506 = arith.addi %add3A_344, %sub3A_444 : i32
    %add3A_507 = arith.addi %add3A_345, %sub3A_499 : i32
    %broadcast_in_dim3A_508 = arith.constant 0 : i32
    %broadcast_in_dim3A_509 = vector.broadcast %broadcast_in_dim3A_508 : i32 to vector<16xi32>
    %broadcast_in_dim3A_510 = arith.constant 8 : i32
    %broadcast_in_dim3A_511 = vector.broadcast %broadcast_in_dim3A_510 : i32 to vector<16xi32>
    %mul3A_512 = arith.constant 256 : i32
    %mul3A_513 = vector.broadcast %mul3A_512 : i32 to vector<16xi32>
    %mul3A_514 = arith.muli %iota3A, %mul3A_513 : vector<16xi32>
    %scan3A_515 = arith.constant 0 : i32
    %scan3A_516 = arith.constant 512 : i32
    %scan3A_517 = arith.addi %scan3A_515, %scan3A_516 : i32
    %scan3A_518 = arith.constant 1 : i32
    scf.for %scan3A_720 = %scan3A_515 to %scan3A_517 step %scan3A_518  : i32 {
      %mul3A_721 = arith.constant 1 : i32
      %mul3A_722 = arith.muli %scan3A_720, %mul3A_721 : i32
      %add3A_723 = arith.constant 0 : i32
      %add3A_724 = arith.addi %add3A_723, %mul3A_722 : i32
      %broadcast_in_dim3A_725 = arith.constant 0 : i32
      %broadcast_in_dim3A_726 = vector.broadcast %broadcast_in_dim3A_725 : i32 to vector<16xi32>
      %mul3A_727 = arith.constant 16 : i32
      %mul3A_728 = arith.muli %add3A_724, %mul3A_727 : i32
      %swap3A_729 = arith.index_cast %mul3A_728 : i32 to index
      %swap3A_730 = tpu.vector_load %arg6[%swap3A_729] {strides = array<i32>} : memref<8192xi32, #tpu.memory_space<vmem>>, vector<16xi32>,
      tpu.vector_store %arg6[%swap3A_729], %broadcast_in_dim3A_726 {strides = array<i32>} : memref<8192xi32, #tpu.memory_space<vmem>>, vector<16xi32>,
    }
    %scan3A_519 = arith.constant 512 : i32
    %mul3A_520 = arith.constant 1048576 : i32
    %mul3A_521 = arith.muli %arg1, %mul3A_520 : i32
    %dma_start3A_522 = arith.constant 0 : i32
    %dma_start3A_523 = tpu.memref_slice %arg5[%dma_start3A_522] : memref<65536xf32, #tpu.memory_space<vmem>> -> memref<32768xf32, #tpu.memory_space<vmem>>
    %dma_start3A_524 = tpu.memref_slice %arg2[%mul3A_521] : memref<16777216xf32, #tpu.memory_space<hbm>> -> memref<32768xf32, #tpu.memory_space<hbm>>
    %dma_start3A_525 = arith.constant 0 : i32
    %dma_start3A_526 = tpu.memref_slice %arg5[%dma_start3A_525] : memref<65536xf32, #tpu.memory_space<vmem>> -> memref<32768xf32, #tpu.memory_space<vmem>>
    %dma_start3A_527 = tpu.memref_slice %arg2[%mul3A_521] : memref<16777216xf32, #tpu.memory_space<hbm>> -> memref<32768xf32, #tpu.memory_space<hbm>>
    tpu.enqueue_dma source(%dma_start3A_527 : memref<32768xf32, #tpu.memory_space<hbm>>) target(%dma_start3A_526 : memref<32768xf32, #tpu.memory_space<vmem>>) target_semaphore(%arg15 : memref<!tpu.dma_semaphore, #tpu.memory_space<semaphore_mem>>)
    %scan3A_528 = arith.constant 0 : i32
    %scan3A_529 = arith.constant 32 : i32
    %scan3A_530 = arith.addi %scan3A_528, %scan3A_529 : i32
    %scan3A_531 = arith.constant 1 : i32
    scf.for %scan3A_720 = %scan3A_528 to %scan3A_530 step %scan3A_531  : i32 {
      %mul3A_721 = arith.constant 1 : i32
      %mul3A_722 = arith.muli %scan3A_720, %mul3A_721 : i32
      %add3A_723 = arith.constant 0 : i32
      %add3A_724 = arith.addi %add3A_723, %mul3A_722 : i32
      %rem3A = arith.constant 2 : i32
      %rem3A_725 = arith.remsi %add3A_724, %rem3A : i32
      %add3A_726 = arith.constant 1 : i32
      %add3A_727 = arith.addi %add3A_724, %add3A_726 : i32
      %lt3A = arith.constant 32 : i32
      %lt3A_728 = arith.cmpi slt, %add3A_727, %lt3A : i32
      %convert_element_type3A_729 = arith.extui %lt3A_728 : i1 to i32
      %cond3A_730 = arith.constant 0 : i32
      %cond3A_731 = arith.cmpi ne, %convert_element_type3A_729, %cond3A_730 : i32
      scf.if %cond3A_731 {
        %add3A_745 = arith.constant 1 : i32
        %add3A_746 = arith.addi %add3A_724, %add3A_745 : i32
        %mul3A_747 = arith.constant 32768 : i32
        %mul3A_748 = arith.muli %add3A_746, %mul3A_747 : i32
        %add3A_749 = arith.addi %mul3A_521, %mul3A_748 : i32
        %sub3A_750 = arith.constant 1 : i32
        %sub3A_751 = arith.subi %sub3A_750, %rem3A_725 : i32
        %mul3A_752 = arith.constant 32768 : i32
        %mul3A_753 = arith.muli %sub3A_751, %mul3A_752 : i32
        %dma_start3A_754 = tpu.memref_slice %arg5[%mul3A_753] : memref<65536xf32, #tpu.memory_space<vmem>> -> memref<32768xf32, #tpu.memory_space<vmem>>
        %dma_start3A_755 = tpu.memref_slice %arg2[%add3A_749] : memref<16777216xf32, #tpu.memory_space<hbm>> -> memref<32768xf32, #tpu.memory_space<hbm>>
        %dma_start3A_756 = tpu.memref_slice %arg5[%mul3A_753] : memref<65536xf32, #tpu.memory_space<vmem>> -> memref<32768xf32, #tpu.memory_space<vmem>>
        %dma_start3A_757 = tpu.memref_slice %arg2[%add3A_749] : memref<16777216xf32, #tpu.memory_space<hbm>> -> memref<32768xf32, #tpu.memory_space<hbm>>
        tpu.enqueue_dma source(%dma_start3A_757 : memref<32768xf32, #tpu.memory_space<hbm>>) target(%dma_start3A_756 : memref<32768xf32, #tpu.memory_space<vmem>>) target_semaphore(%arg15 : memref<!tpu.dma_semaphore, #tpu.memory_space<semaphore_mem>>)
      } else {
      }
      %mul3A_732 = arith.constant 32768 : i32
      %mul3A_733 = arith.muli %add3A_724, %mul3A_732 : i32
      %add3A_734 = arith.addi %mul3A_521, %mul3A_733 : i32
      %mul3A_735 = arith.constant 32768 : i32
      %mul3A_736 = arith.muli %rem3A_725, %mul3A_735 : i32
      %dma_wait3A = tpu.memref_slice %arg5[%mul3A_736] : memref<65536xf32, #tpu.memory_space<vmem>> -> memref<32768xf32, #tpu.memory_space<vmem>>
      %dma_wait3A_737 = tpu.memref_slice %arg2[%add3A_734] : memref<16777216xf32, #tpu.memory_space<hbm>> -> memref<32768xf32, #tpu.memory_space<hbm>>
      %dma_wait3A_738 = tpu.memref_slice %arg5[%mul3A_736] : memref<65536xf32, #tpu.memory_space<vmem>> -> memref<32768xf32, #tpu.memory_space<vmem>>
      %dma_wait3A_739 = tpu.memref_slice %arg2[%add3A_734] : memref<16777216xf32, #tpu.memory_space<hbm>> -> memref<32768xf32, #tpu.memory_space<hbm>>
      tpu.wait_dma2 semaphore(%arg15 : memref<!tpu.dma_semaphore, #tpu.memory_space<semaphore_mem>>) src(%dma_wait3A_739 : memref<32768xf32, #tpu.memory_space<hbm>>) dst(%dma_wait3A_738 : memref<32768xf32, #tpu.memory_space<vmem>>)
      %scan3A_740 = arith.constant 0 : i32
      %scan3A_741 = arith.constant 2048 : i32
      %scan3A_742 = arith.addi %scan3A_740, %scan3A_741 : i32
      %scan3A_743 = arith.constant 1 : i32
      scf.for %scan3A_745 = %scan3A_740 to %scan3A_742 step %scan3A_743  : i32 {
        %mul3A_746 = arith.constant 1 : i32
        %mul3A_747 = arith.muli %scan3A_745, %mul3A_746 : i32
        %add3A_748 = arith.constant 0 : i32
        %add3A_749 = arith.addi %add3A_748, %mul3A_747 : i32
        %mul3A_750 = arith.constant 32768 : i32
        %mul3A_751 = arith.muli %rem3A_725, %mul3A_750 : i32
        %mul3A_752 = arith.constant 16 : i32
        %mul3A_753 = arith.muli %add3A_749, %mul3A_752 : i32
        %add3A_754 = arith.addi %mul3A_751, %mul3A_753 : i32
        %get3A_755 = arith.index_cast %add3A_754 : i32 to index
        %get3A_756 = tpu.vector_load %arg5[%get3A_755] {strides = array<i32>} : memref<65536xf32, #tpu.memory_space<vmem>>, vector<16xf32>,
        %bitcast3A_757 = vector.bitcast %get3A_756 : vector<16xf32> to vector<16xi32>
        %shift_right_arithmetic3A_758 = arith.shrsi %bitcast3A_757, %broadcast_in_dim3A_4 : vector<16xi32>
        %or3A_759 = arith.ori %shift_right_arithmetic3A_758, %broadcast_in_dim3A_6 : vector<16xi32>
        %xor3A_760 = arith.xori %bitcast3A_757, %or3A_759 : vector<16xi32>
        %shift_right_logical3A = arith.shrui %xor3A_760, %broadcast_in_dim3A_509 : vector<16xi32>
        %and3A_761 = arith.andi %shift_right_logical3A, %broadcast_in_dim3A_2 : vector<16xi32>
        %add3A_762 = arith.addi %and3A_761, %mul3A_514 : vector<16xi32>
        %shift_right_logical3A_763 = arith.shrui %xor3A_760, %broadcast_in_dim3A_511 : vector<16xi32>
        %eq3A_764 = vector.broadcast %or3A_502 : i32 to vector<16xi32>
        %eq3A_765 = arith.cmpi eq, %shift_right_logical3A_763, %eq3A_764 : vector<16xi32>
        tpu.vector_store_idx %arg6[%add3A_762], %broadcast_in_dim3A_0 masked %eq3A_765 {add = true} : memref<8192xi32, #tpu.memory_space<vmem>>[vector<16xi32>], vector<16xi32>, vector<16xi1>
        %add3A_766 = arith.constant 4096 : i32
        %add3A_767 = vector.broadcast %add3A_766 : i32 to vector<16xi32>
        %add3A_768 = arith.addi %add3A_762, %add3A_767 : vector<16xi32>
        %eq3A_769 = vector.broadcast %or3A_505 : i32 to vector<16xi32>
        %eq3A_770 = arith.cmpi eq, %shift_right_logical3A_763, %eq3A_769 : vector<16xi32>
        tpu.vector_store_idx %arg6[%add3A_768], %broadcast_in_dim3A_0 masked %eq3A_770 {add = true} : memref<8192xi32, #tpu.memory_space<vmem>>[vector<16xi32>], vector<16xi32>, vector<16xi1>
      }
      %scan3A_744 = arith.constant 2048 : i32
    }
    %scan3A_532 = arith.constant 32 : i32
    %scan3A_533 = arith.constant 0 : i32
    %scan3A_534 = arith.constant 32 : i32
    %scan3A_535 = arith.addi %scan3A_533, %scan3A_534 : i32
    %scan3A_536 = arith.constant 1 : i32
    scf.for %scan3A_720 = %scan3A_533 to %scan3A_535 step %scan3A_536  : i32 {
      %mul3A_721 = arith.constant 1 : i32
      %mul3A_722 = arith.muli %scan3A_720, %mul3A_721 : i32
      %add3A_723 = arith.constant 0 : i32
      %add3A_724 = arith.addi %add3A_723, %mul3A_722 : i32
      %jit3A_725 = arith.constant 16 : i32
      %div3A = arith.divsi %add3A_724, %jit3A_725 : i32
      %sign3A = arith.constant 0 : i32
      %sign3A_726 = arith.cmpi sgt, %add3A_724, %sign3A : i32
      %sign3A_727 = arith.extui %sign3A_726 : i1 to i32
      %sign3A_728 = arith.constant 0 : i32
      %sign3A_729 = arith.cmpi slt, %add3A_724, %sign3A_728 : i32
      %sign3A_730 = arith.extui %sign3A_729 : i1 to i32
      %sign3A_731 = arith.subi %sign3A_727, %sign3A_730 : i32
      %sign3A_732 = arith.constant 0 : i32
      %sign3A_733 = arith.cmpi sgt, %jit3A_725, %sign3A_732 : i32
      %sign3A_734 = arith.extui %sign3A_733 : i1 to i32
      %sign3A_735 = arith.constant 0 : i32
      %sign3A_736 = arith.cmpi slt, %jit3A_725, %sign3A_735 : i32
      %sign3A_737 = arith.extui %sign3A_736 : i1 to i32
      %sign3A_738 = arith.subi %sign3A_734, %sign3A_737 : i32
      %ne3A = arith.cmpi ne, %sign3A_731, %sign3A_738 : i32
      %rem3A = arith.remsi %add3A_724, %jit3A_725 : i32
      %ne3A_739 = arith.constant 0 : i32
      %ne3A_740 = arith.cmpi ne, %rem3A, %ne3A_739 : i32
      %and3A_741 = arith.andi %ne3A, %ne3A_740 : i1
      %sub3A_742 = arith.constant 1 : i32
      %sub3A_743 = arith.subi %div3A, %sub3A_742 : i32
      %select_n3A_744 = arith.select %and3A_741, %sub3A_743, %div3A : i32
      %rem3A_745 = arith.constant 16 : i32
      %rem3A_746 = arith.remsi %add3A_724, %rem3A_745 : i32
      %broadcast_in_dim3A_747 = arith.constant 0 : i32
      %broadcast_in_dim3A_748 = vector.broadcast %broadcast_in_dim3A_747 : i32 to vector<16xi32>
      %scan3A_749 = arith.constant 0 : i32
      %scan3A_750 = arith.constant 16 : i32
      %scan3A_751 = arith.addi %scan3A_749, %scan3A_750 : i32
      %scan3A_752 = arith.constant 1 : i32
      %scan3A_753 = scf.for %scan3A_762 = %scan3A_749 to %scan3A_751 step %scan3A_752 iter_args(%scan3A_763 = %broadcast_in_dim3A_748) -> (vector<16xi32>)  : i32 {
        %mul3A_764 = arith.constant 1 : i32
        %mul3A_765 = arith.muli %scan3A_762, %mul3A_764 : i32
        %add3A_766 = arith.constant 0 : i32
        %add3A_767 = arith.addi %add3A_766, %mul3A_765 : i32
        %mul3A_768 = arith.constant 4096 : i32
        %mul3A_769 = arith.muli %select_n3A_744, %mul3A_768 : i32
        %mul3A_770 = arith.constant 256 : i32
        %mul3A_771 = arith.muli %add3A_767, %mul3A_770 : i32
        %add3A_772 = arith.addi %mul3A_769, %mul3A_771 : i32
        %mul3A_773 = arith.constant 16 : i32
        %mul3A_774 = arith.muli %rem3A_746, %mul3A_773 : i32
        %add3A_775 = arith.addi %add3A_772, %mul3A_774 : i32
        %get3A_776 = arith.index_cast %add3A_775 : i32 to index
        %get3A_777 = tpu.vector_load %arg6[%get3A_776] {strides = array<i32>} : memref<8192xi32, #tpu.memory_space<vmem>>, vector<16xi32>,
        %add3A_778 = arith.addi %scan3A_763, %get3A_777 : vector<16xi32>
        scf.yield %add3A_778 : vector<16xi32>
      }
      %scan3A_754 = arith.constant 16 : i32
      %mul3A_755 = arith.constant 256 : i32
      %mul3A_756 = arith.muli %select_n3A_744, %mul3A_755 : i32
      %mul3A_757 = arith.constant 16 : i32
      %mul3A_758 = arith.muli %rem3A_746, %mul3A_757 : i32
      %add3A_759 = arith.addi %mul3A_756, %mul3A_758 : i32
      %swap3A_760 = arith.index_cast %add3A_759 : i32 to index
      %swap3A_761 = tpu.vector_load %arg7[%swap3A_760] {strides = array<i32>} : memref<512xi32, #tpu.memory_space<vmem>>, vector<16xi32>,
      tpu.vector_store %arg7[%swap3A_760], %scan3A_753 {strides = array<i32>} : memref<512xi32, #tpu.memory_space<vmem>>, vector<16xi32>,
    }
    %scan3A_537 = arith.constant 32 : i32
    %barrier3A_538 = arith.constant 0 : index
    tpu.barrier barrier_id(%barrier3A_538)
    %mul3A_539 = arith.constant 512 : i32
    %mul3A_540 = arith.muli %arg1, %mul3A_539 : i32
    "tpu.region"() ({
      %run_scoped3A = tpu.sem_alloc : memref<!tpu.dma_semaphore, #tpu.memory_space<semaphore_mem>>
      %dma_start3A_720 = tpu.memref_slice %arg13[%mul3A_540] : memref<8192xi32, #tpu.memory_space<vmem_shared>> -> memref<512xi32, #tpu.memory_space<vmem_shared>>
      %dma_start3A_721 = tpu.memref_slice %arg13[%mul3A_540] : memref<8192xi32, #tpu.memory_space<vmem_shared>> -> memref<512xi32, #tpu.memory_space<vmem_shared>>
      tpu.enqueue_dma source(%arg7 : memref<512xi32, #tpu.memory_space<vmem>>) target(%dma_start3A_721 : memref<512xi32, #tpu.memory_space<vmem_shared>>) target_semaphore(%run_scoped3A : memref<!tpu.dma_semaphore, #tpu.memory_space<semaphore_mem>>)
      %dma_wait3A = tpu.memref_slice %arg13[%mul3A_540] : memref<8192xi32, #tpu.memory_space<vmem_shared>> -> memref<512xi32, #tpu.memory_space<vmem_shared>>
      %dma_wait3A_722 = tpu.memref_slice %arg13[%mul3A_540] : memref<8192xi32, #tpu.memory_space<vmem_shared>> -> memref<512xi32, #tpu.memory_space<vmem_shared>>
      tpu.wait_dma2 semaphore(%run_scoped3A : memref<!tpu.dma_semaphore, #tpu.memory_space<semaphore_mem>>) src(%arg7 : memref<512xi32, #tpu.memory_space<vmem>>) dst(%dma_wait3A_722 : memref<512xi32, #tpu.memory_space<vmem_shared>>)
      tpu.yield
    }) : () -> ()
    %barrier3A_541 = arith.constant 0 : index
    tpu.barrier barrier_id(%barrier3A_541)
    %scan3A_542 = arith.constant 0 : i32
    %scan3A_543 = arith.constant 32 : i32
    %scan3A_544 = arith.addi %scan3A_542, %scan3A_543 : i32
    %scan3A_545 = arith.constant 1 : i32
    scf.for %scan3A_720 = %scan3A_542 to %scan3A_544 step %scan3A_545  : i32 {
      %mul3A_721 = arith.constant 1 : i32
      %mul3A_722 = arith.muli %scan3A_720, %mul3A_721 : i32
      %add3A_723 = arith.constant 0 : i32
      %add3A_724 = arith.addi %add3A_723, %mul3A_722 : i32
      %broadcast_in_dim3A_725 = arith.constant 0 : i32
      %broadcast_in_dim3A_726 = vector.broadcast %broadcast_in_dim3A_725 : i32 to vector<16xi32>
      %mul3A_727 = arith.constant 16 : i32
      %mul3A_728 = arith.muli %add3A_724, %mul3A_727 : i32
      %swap3A_729 = arith.index_cast %mul3A_728 : i32 to index
      %swap3A_730 = tpu.vector_load %arg8[%swap3A_729] {strides = array<i32>} : memref<512xi32, #tpu.memory_space<vmem>>, vector<16xi32>,
      tpu.vector_store %arg8[%swap3A_729], %broadcast_in_dim3A_726 {strides = array<i32>} : memref<512xi32, #tpu.memory_space<vmem>>, vector<16xi32>,
    }
    %scan3A_546 = arith.constant 32 : i32
    %scan3A_547 = arith.constant 0 : i32
    %scan3A_548 = arith.constant 16 : i32
    %scan3A_549 = arith.addi %scan3A_547, %scan3A_548 : i32
    %scan3A_550 = arith.constant 1 : i32
    scf.for %scan3A_720 = %scan3A_547 to %scan3A_549 step %scan3A_550  : i32 {
      %mul3A_721 = arith.constant 1 : i32
      %mul3A_722 = arith.muli %scan3A_720, %mul3A_721 : i32
      %add3A_723 = arith.constant 0 : i32
      %add3A_724 = arith.addi %add3A_723, %mul3A_722 : i32
      %mul3A_725 = arith.constant 512 : i32
      %mul3A_726 = arith.muli %add3A_724, %mul3A_725 : i32
      "tpu.region"() ({
        %run_scoped3A = tpu.sem_alloc : memref<!tpu.dma_semaphore, #tpu.memory_space<semaphore_mem>>
        %dma_start3A_732 = tpu.memref_slice %arg13[%mul3A_726] : memref<8192xi32, #tpu.memory_space<vmem_shared>> -> memref<512xi32, #tpu.memory_space<vmem_shared>>
        %dma_start3A_733 = tpu.memref_slice %arg13[%mul3A_726] : memref<8192xi32, #tpu.memory_space<vmem_shared>> -> memref<512xi32, #tpu.memory_space<vmem_shared>>
        tpu.enqueue_dma source(%dma_start3A_733 : memref<512xi32, #tpu.memory_space<vmem_shared>>) target(%arg9 : memref<512xi32, #tpu.memory_space<vmem>>) target_semaphore(%run_scoped3A : memref<!tpu.dma_semaphore, #tpu.memory_space<semaphore_mem>>)
        %dma_wait3A = tpu.memref_slice %arg13[%mul3A_726] : memref<8192xi32, #tpu.memory_space<vmem_shared>> -> memref<512xi32, #tpu.memory_space<vmem_shared>>
        %dma_wait3A_734 = tpu.memref_slice %arg13[%mul3A_726] : memref<8192xi32, #tpu.memory_space<vmem_shared>> -> memref<512xi32, #tpu.memory_space<vmem_shared>>
        tpu.wait_dma2 semaphore(%run_scoped3A : memref<!tpu.dma_semaphore, #tpu.memory_space<semaphore_mem>>) src(%dma_wait3A_734 : memref<512xi32, #tpu.memory_space<vmem_shared>>) dst(%arg9 : memref<512xi32, #tpu.memory_space<vmem>>)
        tpu.yield
      }) : () -> ()
      %scan3A_727 = arith.constant 0 : i32
      %scan3A_728 = arith.constant 32 : i32
      %scan3A_729 = arith.addi %scan3A_727, %scan3A_728 : i32
      %scan3A_730 = arith.constant 1 : i32
      scf.for %scan3A_732 = %scan3A_727 to %scan3A_729 step %scan3A_730  : i32 {
        %mul3A_733 = arith.constant 1 : i32
        %mul3A_734 = arith.muli %scan3A_732, %mul3A_733 : i32
        %add3A_735 = arith.constant 0 : i32
        %add3A_736 = arith.addi %add3A_735, %mul3A_734 : i32
        %mul3A_737 = arith.constant 16 : i32
        %mul3A_738 = arith.muli %add3A_736, %mul3A_737 : i32
        %get3A_739 = arith.index_cast %mul3A_738 : i32 to index
        %get3A_740 = tpu.vector_load %arg8[%get3A_739] {strides = array<i32>} : memref<512xi32, #tpu.memory_space<vmem>>, vector<16xi32>,
        %mul3A_741 = arith.constant 16 : i32
        %mul3A_742 = arith.muli %add3A_736, %mul3A_741 : i32
        %get3A_743 = arith.index_cast %mul3A_742 : i32 to index
        %get3A_744 = tpu.vector_load %arg9[%get3A_743] {strides = array<i32>} : memref<512xi32, #tpu.memory_space<vmem>>, vector<16xi32>,
        %add3A_745 = arith.addi %get3A_740, %get3A_744 : vector<16xi32>
        %mul3A_746 = arith.constant 16 : i32
        %mul3A_747 = arith.muli %add3A_736, %mul3A_746 : i32
        %swap3A_748 = arith.index_cast %mul3A_747 : i32 to index
        %swap3A_749 = tpu.vector_load %arg8[%swap3A_748] {strides = array<i32>} : memref<512xi32, #tpu.memory_space<vmem>>, vector<16xi32>,
        tpu.vector_store %arg8[%swap3A_748], %add3A_745 {strides = array<i32>} : memref<512xi32, #tpu.memory_space<vmem>>, vector<16xi32>,
      }
      %scan3A_731 = arith.constant 32 : i32
    }
    %scan3A_551 = arith.constant 16 : i32
    %sub3A_552 = arith.constant 16777 : i32
    %sub3A_553 = arith.subi %sub3A_552, %add3A_506 : i32
    %scan3A_554 = arith.constant 0 : i32
    %scan3A_555 = arith.constant 0 : i32
    %scan3A_556 = arith.constant 0 : i32
    %scan3A_557 = arith.constant 0 : i32
    %scan3A_558 = arith.constant 16 : i32
    %scan3A_559 = arith.addi %scan3A_557, %scan3A_558 : i32
    %scan3A_560 = arith.constant 1 : i32
    %scan3A_561:3 = scf.for %scan3A_720 = %scan3A_557 to %scan3A_559 step %scan3A_560 iter_args(%scan3A_721 = %scan3A_554, %scan3A_722 = %scan3A_555, %scan3A_723 = %scan3A_556) -> (i32, i32, i32)  : i32 {
      %mul3A_724 = arith.constant 16 : i32
      %mul3A_725 = arith.muli %scan3A_720, %mul3A_724 : i32
      %add3A_726 = arith.constant 0 : i32
      %add3A_727 = arith.addi %add3A_726, %mul3A_725 : i32
      %get3A_728 = arith.index_cast %add3A_727 : i32 to index
      %get3A_729 = tpu.vector_load %arg8[%get3A_728] {strides = array<i32>} : memref<512xi32, #tpu.memory_space<vmem>>, vector<16xi32>,
      %reduce_sum3A_730 = arith.constant true
      %reduce_sum3A_731 = vector.broadcast %reduce_sum3A_730 : i1 to vector<16xi1>
      %reduce_sum3A_732 = tpu.scan <sum>, %get3A_729 masked %reduce_sum3A_731 : vector<16xi32>, vector<16xi1> -> vector<16xi32>
      %reduce_sum3A_733 = vector.extract %reduce_sum3A_732[15] : i32 from vector<16xi32>
      %add3A_734 = arith.addi %scan3A_721, %reduce_sum3A_733 : i32
      %lt3A = arith.cmpi slt, %scan3A_721, %sub3A_553 : i32
      %ge3A_735 = arith.cmpi sge, %add3A_734, %sub3A_553 : i32
      %and3A_736 = arith.andi %lt3A, %ge3A_735 : i1
      %select_n3A_737 = arith.select %and3A_736, %scan3A_720, %scan3A_722 : i32
      %select_n3A_738 = arith.select %and3A_736, %scan3A_721, %scan3A_723 : i32
      scf.yield %add3A_734, %select_n3A_737, %select_n3A_738 : i32, i32, i32
    }
    %scan3A_562 = arith.constant 16 : i32
    %mul3A_563 = arith.constant 16 : i32
    %mul3A_564 = arith.muli %scan3A_561#1, %mul3A_563 : i32
    %add3A_565 = arith.constant 0 : i32
    %add3A_566 = arith.addi %add3A_565, %mul3A_564 : i32
    %get3A_567 = arith.index_cast %add3A_566 : i32 to index
    %get3A_568 = tpu.vector_load %arg8[%get3A_567] {strides = array<i32>} : memref<512xi32, #tpu.memory_space<vmem>>, vector<16xi32>,
    %broadcast_in_dim3A_569 = arith.constant true
    %broadcast_in_dim3A_570 = vector.broadcast %broadcast_in_dim3A_569 : i1 to vector<16xi1>
    %masked_cumsum3A_571 = tpu.scan <sum>, %get3A_568 masked %broadcast_in_dim3A_570 : vector<16xi32>, vector<16xi1> -> vector<16xi32>
    %add3A_572 = vector.broadcast %scan3A_561#2 : i32 to vector<16xi32>
    %add3A_573 = arith.addi %masked_cumsum3A_571, %add3A_572 : vector<16xi32>
    %ge3A_574 = vector.broadcast %sub3A_553 : i32 to vector<16xi32>
    %ge3A_575 = arith.cmpi sge, %add3A_573, %ge3A_574 : vector<16xi32>
    %all_reduce_ffs3A_576 = tpu.all_reduce %ge3A_575 {dim = 0 : i64, kind = #tpu.reduction_kind<find_first_set>} : vector<16xi1> -> vector<16xi32>
    %reduce_max3A_577 = arith.constant true
    %reduce_max3A_578 = vector.broadcast %reduce_max3A_577 : i1 to vector<16xi1>
    %reduce_max3A_579 = arith.constant -2147483648 : i32
    %reduce_max3A_580 = vector.broadcast %reduce_max3A_579 : i32 to vector<16xi32>
    %reduce_max3A_581 = arith.xori %all_reduce_ffs3A_576, %reduce_max3A_580 : vector<16xi32>
    %reduce_max3A_582 = tpu.scan <max>, %reduce_max3A_581 masked %reduce_max3A_578 : vector<16xi32>, vector<16xi1> -> vector<16xi32>
    %reduce_max3A_583 = arith.xori %reduce_max3A_582, %reduce_max3A_580 : vector<16xi32>
    %reduce_max3A_584 = vector.extract %reduce_max3A_583[15] : i32 from vector<16xi32>
    %mul3A_585 = arith.constant 16 : i32
    %mul3A_586 = arith.muli %scan3A_561#1, %mul3A_585 : i32
    %add3A_587 = arith.addi %mul3A_586, %reduce_max3A_584 : i32
    %eq3A_588 = vector.broadcast %reduce_max3A_584 : i32 to vector<16xi32>
    %eq3A_589 = arith.cmpi eq, %iota3A, %eq3A_588 : vector<16xi32>
    %jit3A_590 = arith.constant 0 : i32
    %broadcast_in_dim3A_591 = vector.broadcast %jit3A_590 : i32 to vector<16xi32>
    %select_n3A_592 = arith.select %eq3A_589, %get3A_568, %broadcast_in_dim3A_591 : vector<16xi1>, vector<16xi32>
    %reduce_sum3A_593 = arith.constant true
    %reduce_sum3A_594 = vector.broadcast %reduce_sum3A_593 : i1 to vector<16xi1>
    %reduce_sum3A_595 = tpu.scan <sum>, %select_n3A_592 masked %reduce_sum3A_594 : vector<16xi32>, vector<16xi1> -> vector<16xi32>
    %reduce_sum3A_596 = vector.extract %reduce_sum3A_595[15] : i32 from vector<16xi32>
    %eq3A_597 = vector.broadcast %reduce_max3A_584 : i32 to vector<16xi32>
    %eq3A_598 = arith.cmpi eq, %iota3A, %eq3A_597 : vector<16xi32>
    %jit3A_599 = arith.constant 0 : i32
    %broadcast_in_dim3A_600 = vector.broadcast %jit3A_599 : i32 to vector<16xi32>
    %select_n3A_601 = arith.select %eq3A_598, %add3A_573, %broadcast_in_dim3A_600 : vector<16xi1>, vector<16xi32>
    %reduce_sum3A_602 = arith.constant true
    %reduce_sum3A_603 = vector.broadcast %reduce_sum3A_602 : i1 to vector<16xi1>
    %reduce_sum3A_604 = tpu.scan <sum>, %select_n3A_601 masked %reduce_sum3A_603 : vector<16xi32>, vector<16xi1> -> vector<16xi32>
    %reduce_sum3A_605 = vector.extract %reduce_sum3A_604[15] : i32 from vector<16xi32>
    %sub3A_606 = arith.subi %reduce_sum3A_605, %reduce_sum3A_596 : i32
    %sub3A_607 = arith.constant 16760438 : i32
    %sub3A_608 = arith.subi %sub3A_607, %add3A_507 : i32
    %scan3A_609 = arith.constant 0 : i32
    %scan3A_610 = arith.constant 0 : i32
    %scan3A_611 = arith.constant 0 : i32
    %scan3A_612 = arith.constant 0 : i32
    %scan3A_613 = arith.constant 16 : i32
    %scan3A_614 = arith.addi %scan3A_612, %scan3A_613 : i32
    %scan3A_615 = arith.constant 1 : i32
    %scan3A_616:3 = scf.for %scan3A_720 = %scan3A_612 to %scan3A_614 step %scan3A_615 iter_args(%scan3A_721 = %scan3A_609, %scan3A_722 = %scan3A_610, %scan3A_723 = %scan3A_611) -> (i32, i32, i32)  : i32 {
      %mul3A_724 = arith.constant 16 : i32
      %mul3A_725 = arith.muli %scan3A_720, %mul3A_724 : i32
      %add3A_726 = arith.constant 256 : i32
      %add3A_727 = arith.addi %add3A_726, %mul3A_725 : i32
      %get3A_728 = arith.index_cast %add3A_727 : i32 to index
      %get3A_729 = tpu.vector_load %arg8[%get3A_728] {strides = array<i32>} : memref<512xi32, #tpu.memory_space<vmem>>, vector<16xi32>,
      %reduce_sum3A_730 = arith.constant true
      %reduce_sum3A_731 = vector.broadcast %reduce_sum3A_730 : i1 to vector<16xi1>
      %reduce_sum3A_732 = tpu.scan <sum>, %get3A_729 masked %reduce_sum3A_731 : vector<16xi32>, vector<16xi1> -> vector<16xi32>
      %reduce_sum3A_733 = vector.extract %reduce_sum3A_732[15] : i32 from vector<16xi32>
      %add3A_734 = arith.addi %scan3A_721, %reduce_sum3A_733 : i32
      %lt3A = arith.cmpi slt, %scan3A_721, %sub3A_608 : i32
      %ge3A_735 = arith.cmpi sge, %add3A_734, %sub3A_608 : i32
      %and3A_736 = arith.andi %lt3A, %ge3A_735 : i1
      %select_n3A_737 = arith.select %and3A_736, %scan3A_720, %scan3A_722 : i32
      %select_n3A_738 = arith.select %and3A_736, %scan3A_721, %scan3A_723 : i32
      scf.yield %add3A_734, %select_n3A_737, %select_n3A_738 : i32, i32, i32
    }
    %scan3A_617 = arith.constant 16 : i32
    %mul3A_618 = arith.constant 16 : i32
    %mul3A_619 = arith.muli %scan3A_616#1, %mul3A_618 : i32
    %add3A_620 = arith.constant 256 : i32
    %add3A_621 = arith.addi %add3A_620, %mul3A_619 : i32
    %get3A_622 = arith.index_cast %add3A_621 : i32 to index
    %get3A_623 = tpu.vector_load %arg8[%get3A_622] {strides = array<i32>} : memref<512xi32, #tpu.memory_space<vmem>>, vector<16xi32>,
    %broadcast_in_dim3A_624 = arith.constant true
    %broadcast_in_dim3A_625 = vector.broadcast %broadcast_in_dim3A_624 : i1 to vector<16xi1>
    %masked_cumsum3A_626 = tpu.scan <sum>, %get3A_623 masked %broadcast_in_dim3A_625 : vector<16xi32>, vector<16xi1> -> vector<16xi32>
    %add3A_627 = vector.broadcast %scan3A_616#2 : i32 to vector<16xi32>
    %add3A_628 = arith.addi %masked_cumsum3A_626, %add3A_627 : vector<16xi32>
    %ge3A_629 = vector.broadcast %sub3A_608 : i32 to vector<16xi32>
    %ge3A_630 = arith.cmpi sge, %add3A_628, %ge3A_629 : vector<16xi32>
    %all_reduce_ffs3A_631 = tpu.all_reduce %ge3A_630 {dim = 0 : i64, kind = #tpu.reduction_kind<find_first_set>} : vector<16xi1> -> vector<16xi32>
    %reduce_max3A_632 = arith.constant true
    %reduce_max3A_633 = vector.broadcast %reduce_max3A_632 : i1 to vector<16xi1>
    %reduce_max3A_634 = arith.constant -2147483648 : i32
    %reduce_max3A_635 = vector.broadcast %reduce_max3A_634 : i32 to vector<16xi32>
    %reduce_max3A_636 = arith.xori %all_reduce_ffs3A_631, %reduce_max3A_635 : vector<16xi32>
    %reduce_max3A_637 = tpu.scan <max>, %reduce_max3A_636 masked %reduce_max3A_633 : vector<16xi32>, vector<16xi1> -> vector<16xi32>
    %reduce_max3A_638 = arith.xori %reduce_max3A_637, %reduce_max3A_635 : vector<16xi32>
    %reduce_max3A_639 = vector.extract %reduce_max3A_638[15] : i32 from vector<16xi32>
    %mul3A_640 = arith.constant 16 : i32
    %mul3A_641 = arith.muli %scan3A_616#1, %mul3A_640 : i32
    %add3A_642 = arith.addi %mul3A_641, %reduce_max3A_639 : i32
    %eq3A_643 = vector.broadcast %reduce_max3A_639 : i32 to vector<16xi32>
    %eq3A_644 = arith.cmpi eq, %iota3A, %eq3A_643 : vector<16xi32>
    %jit3A_645 = arith.constant 0 : i32
    %broadcast_in_dim3A_646 = vector.broadcast %jit3A_645 : i32 to vector<16xi32>
    %select_n3A_647 = arith.select %eq3A_644, %get3A_623, %broadcast_in_dim3A_646 : vector<16xi1>, vector<16xi32>
    %reduce_sum3A_648 = arith.constant true
    %reduce_sum3A_649 = vector.broadcast %reduce_sum3A_648 : i1 to vector<16xi1>
    %reduce_sum3A_650 = tpu.scan <sum>, %select_n3A_647 masked %reduce_sum3A_649 : vector<16xi32>, vector<16xi1> -> vector<16xi32>
    %reduce_sum3A_651 = vector.extract %reduce_sum3A_650[15] : i32 from vector<16xi32>
    %eq3A_652 = vector.broadcast %reduce_max3A_639 : i32 to vector<16xi32>
    %eq3A_653 = arith.cmpi eq, %iota3A, %eq3A_652 : vector<16xi32>
    %jit3A_654 = arith.constant 0 : i32
    %broadcast_in_dim3A_655 = vector.broadcast %jit3A_654 : i32 to vector<16xi32>
    %select_n3A_656 = arith.select %eq3A_653, %add3A_628, %broadcast_in_dim3A_655 : vector<16xi1>, vector<16xi32>
    %reduce_sum3A_657 = arith.constant true
    %reduce_sum3A_658 = vector.broadcast %reduce_sum3A_657 : i1 to vector<16xi1>
    %reduce_sum3A_659 = tpu.scan <sum>, %select_n3A_656 masked %reduce_sum3A_658 : vector<16xi32>, vector<16xi1> -> vector<16xi32>
    %reduce_sum3A_660 = vector.extract %reduce_sum3A_659[15] : i32 from vector<16xi32>
    %sub3A_661 = arith.subi %reduce_sum3A_660, %reduce_sum3A_651 : i32
    %shift_left3A_662 = arith.constant 8 : i32
    %shift_left3A_663 = arith.shli %or3A_502, %shift_left3A_662 : i32
    %or3A_664 = arith.ori %shift_left3A_663, %add3A_587 : i32
    %shift_left3A_665 = arith.constant 8 : i32
    %shift_left3A_666 = arith.shli %or3A_505, %shift_left3A_665 : i32
    %or3A_667 = arith.ori %shift_left3A_666, %add3A_642 : i32
    %add3A_668 = arith.addi %add3A_506, %sub3A_606 : i32
    %add3A_669 = arith.addi %add3A_507, %sub3A_661 : i32
    %broadcast_in_dim3A_670 = arith.constant 0.000000e+00 : f32
    %broadcast_in_dim3A_671 = vector.broadcast %broadcast_in_dim3A_670 : f32 to vector<16xf32>
    %scan3A_672 = arith.constant 0 : i32
    %scan3A_673 = arith.constant 16 : i32
    %scan3A_674 = arith.addi %scan3A_672, %scan3A_673 : i32
    %scan3A_675 = arith.constant 1 : i32
    %scan3A_676:2 = scf.for %scan3A_720 = %scan3A_672 to %scan3A_674 step %scan3A_675 iter_args(%scan3A_721 = %broadcast_in_dim3A_671, %scan3A_722 = %broadcast_in_dim3A_671) -> (vector<16xf32>, vector<16xf32>)  : i32 {
      %mul3A_723 = arith.constant 1 : i32
      %mul3A_724 = arith.muli %scan3A_720, %mul3A_723 : i32
      %add3A_725 = arith.constant 0 : i32
      %add3A_726 = arith.addi %add3A_725, %mul3A_724 : i32
      %mul3A_727 = arith.constant 32 : i32
      %mul3A_728 = arith.muli %add3A_726, %mul3A_727 : i32
      "tpu.region"() ({
        %run_scoped3A = tpu.sem_alloc : memref<!tpu.dma_semaphore, #tpu.memory_space<semaphore_mem>>
        %dma_start3A_735 = tpu.memref_slice %arg14[%mul3A_728] : memref<512xf32, #tpu.memory_space<vmem_shared>> -> memref<32xf32, #tpu.memory_space<vmem_shared>>
        %dma_start3A_736 = tpu.memref_slice %arg14[%mul3A_728] : memref<512xf32, #tpu.memory_space<vmem_shared>> -> memref<32xf32, #tpu.memory_space<vmem_shared>>
        tpu.enqueue_dma source(%dma_start3A_736 : memref<32xf32, #tpu.memory_space<vmem_shared>>) target(%arg11 : memref<32xf32, #tpu.memory_space<vmem>>) target_semaphore(%run_scoped3A : memref<!tpu.dma_semaphore, #tpu.memory_space<semaphore_mem>>)
        %dma_wait3A = tpu.memref_slice %arg14[%mul3A_728] : memref<512xf32, #tpu.memory_space<vmem_shared>> -> memref<32xf32, #tpu.memory_space<vmem_shared>>
        %dma_wait3A_737 = tpu.memref_slice %arg14[%mul3A_728] : memref<512xf32, #tpu.memory_space<vmem_shared>> -> memref<32xf32, #tpu.memory_space<vmem_shared>>
        tpu.wait_dma2 semaphore(%run_scoped3A : memref<!tpu.dma_semaphore, #tpu.memory_space<semaphore_mem>>) src(%dma_wait3A_737 : memref<32xf32, #tpu.memory_space<vmem_shared>>) dst(%arg11 : memref<32xf32, #tpu.memory_space<vmem>>)
        tpu.yield
      }) : () -> ()
      %get3A_729 = arith.constant 0 : index
      %get3A_730 = tpu.vector_load %arg11[%get3A_729] {strides = array<i32>} : memref<32xf32, #tpu.memory_space<vmem>>, vector<16xf32>,
      %add3A_731 = arith.addf %scan3A_721, %get3A_730 : vector<16xf32>
      %get3A_732 = arith.constant 16 : index
      %get3A_733 = tpu.vector_load %arg11[%get3A_732] {strides = array<i32>} : memref<32xf32, #tpu.memory_space<vmem>>, vector<16xf32>,
      %add3A_734 = arith.addf %scan3A_722, %get3A_733 : vector<16xf32>
      scf.yield %add3A_731, %add3A_734 : vector<16xf32>, vector<16xf32>
    }
    %scan3A_677 = arith.constant 16 : i32
    %reduce_sum3A_678 = arith.constant true
    %reduce_sum3A_679 = vector.broadcast %reduce_sum3A_678 : i1 to vector<16xi1>
    %reduce_sum3A_680 = tpu.scan <sum>, %scan3A_676#0 masked %reduce_sum3A_679 : vector<16xf32>, vector<16xi1> -> vector<16xf32>
    %reduce_sum3A_681 = vector.extract %reduce_sum3A_680[15] : f32 from vector<16xf32>
    %reduce_sum3A_682 = arith.constant true
    %reduce_sum3A_683 = vector.broadcast %reduce_sum3A_682 : i1 to vector<16xi1>
    %reduce_sum3A_684 = tpu.scan <sum>, %scan3A_676#1 masked %reduce_sum3A_683 : vector<16xf32>, vector<16xi1> -> vector<16xf32>
    %reduce_sum3A_685 = vector.extract %reduce_sum3A_684[15] : f32 from vector<16xf32>
    %eq3A_686 = arith.constant 0 : i32
    %eq3A_687 = vector.broadcast %eq3A_686 : i32 to vector<16xi32>
    %eq3A_688 = arith.cmpi eq, %iota3A, %eq3A_687 : vector<16xi32>
    %eq3A_689 = arith.constant 1 : i32
    %eq3A_690 = vector.broadcast %eq3A_689 : i32 to vector<16xi32>
    %eq3A_691 = arith.cmpi eq, %iota3A, %eq3A_690 : vector<16xi32>
    %jit3A_692 = arith.constant 0 : i32
    %broadcast_in_dim3A_693 = vector.broadcast %or3A_664 : i32 to vector<16xi32>
    %broadcast_in_dim3A_694 = vector.broadcast %jit3A_692 : i32 to vector<16xi32>
    %select_n3A_695 = arith.select %eq3A_691, %broadcast_in_dim3A_693, %broadcast_in_dim3A_694 : vector<16xi1>, vector<16xi32>
    %broadcast_in_dim3A_696 = vector.broadcast %or3A_667 : i32 to vector<16xi32>
    %select_n3A_697 = arith.select %eq3A_688, %broadcast_in_dim3A_696, %select_n3A_695 : vector<16xi1>, vector<16xi32>
    %shift_right_arithmetic3A = arith.shrsi %select_n3A_697, %broadcast_in_dim3A_4 : vector<16xi32>
    %not3A = arith.constant dense<-1> : vector<16xi32>
    %not3A_698 = arith.xori %shift_right_arithmetic3A, %not3A : vector<16xi32>
    %and3A = arith.andi %broadcast_in_dim3A_8, %not3A_698 : vector<16xi32>
    %xor3A = arith.xori %broadcast_in_dim3A_6, %and3A : vector<16xi32>
    %xor3A_699 = arith.xori %select_n3A_697, %xor3A : vector<16xi32>
    %bitcast3A = vector.bitcast %xor3A_699 : vector<16xi32> to vector<16xf32>
    %le3A = arith.constant 1 : i32
    %le3A_700 = vector.broadcast %le3A : i32 to vector<16xi32>
    %le3A_701 = arith.cmpi sle, %iota3A, %le3A_700 : vector<16xi32>
    %jit3A_702 = arith.constant 0.000000e+00 : f32
    %broadcast_in_dim3A_703 = vector.broadcast %jit3A_702 : f32 to vector<16xf32>
    %select_n3A_704 = arith.select %le3A_701, %bitcast3A, %broadcast_in_dim3A_703 : vector<16xi1>, vector<16xf32>
    %eq3A_705 = arith.constant 2 : i32
    %eq3A_706 = vector.broadcast %eq3A_705 : i32 to vector<16xi32>
    %eq3A_707 = arith.cmpi eq, %iota3A, %eq3A_706 : vector<16xi32>
    %broadcast_in_dim3A_708 = vector.broadcast %reduce_sum3A_681 : f32 to vector<16xf32>
    %select_n3A_709 = arith.select %eq3A_707, %broadcast_in_dim3A_708, %select_n3A_704 : vector<16xi1>, vector<16xf32>
    %eq3A_710 = arith.constant 3 : i32
    %eq3A_711 = vector.broadcast %eq3A_710 : i32 to vector<16xi32>
    %eq3A_712 = arith.cmpi eq, %iota3A, %eq3A_711 : vector<16xi32>
    %broadcast_in_dim3A_713 = vector.broadcast %reduce_sum3A_685 : f32 to vector<16xf32>
    %select_n3A_714 = arith.select %eq3A_712, %broadcast_in_dim3A_713, %select_n3A_709 : vector<16xi1>, vector<16xf32>
    %swap3A_715 = arith.constant 0 : index
    %swap3A_716 = tpu.vector_load %arg12[%swap3A_715] {strides = array<i32>} : memref<16xf32, #tpu.memory_space<vmem>>, vector<16xf32>,
    tpu.vector_store %arg12[%swap3A_715], %select_n3A_714 {strides = array<i32>} : memref<16xf32, #tpu.memory_space<vmem>>, vector<16xf32>,
    %eq3A_717 = arith.constant 0 : i32
    %eq3A_718 = arith.cmpi eq, %arg1, %eq3A_717 : i32
    %convert_element_type3A = arith.extui %eq3A_718 : i1 to i32
    %cond3A = arith.constant 0 : i32
    %cond3A_719 = arith.cmpi ne, %convert_element_type3A, %cond3A : i32
    scf.if %cond3A_719 {
      "tpu.region"() ({
        %run_scoped3A = tpu.sem_alloc : memref<!tpu.dma_semaphore, #tpu.memory_space<semaphore_mem>>
        tpu.enqueue_dma source(%arg12 : memref<16xf32, #tpu.memory_space<vmem>>) target(%arg4 : memref<16xf32, #tpu.memory_space<hbm>>) target_semaphore(%run_scoped3A : memref<!tpu.dma_semaphore, #tpu.memory_space<semaphore_mem>>)
        tpu.wait_dma2 semaphore(%run_scoped3A : memref<!tpu.dma_semaphore, #tpu.memory_space<semaphore_mem>>) src(%arg12 : memref<16xf32, #tpu.memory_space<vmem>>) dst(%arg4 : memref<16xf32, #tpu.memory_space<hbm>>)
        tpu.yield
      }) : () -> ()
    } else {
    }
    return
  }
}

</mosaic_0001>

<sc_bundles>
// kernel: kernel.3.cloned.1.call-start
scs
__scs_entry_jumppad:
0x0: {  	(pc) =	sbr.rel $0x88, $3  }
0x1: {  	(tag) =	ssettag $0x0;
	lr =	simm.s32 $0x1  }
0x2: {  	[smem:$0x3F9F] =	sst lr;
	_ =	strace $0xD0000000  }
0x3: {  	_ = 	snop  }
0x4: {  	_ = 	snop  }
0x5: {  	_ = 	snop  }
0x6: {  	_ = 	snop  }
0x7: {  	_ = 	snop  }
__scs_overlays_trampoline_lowered:
0x8: {  	[smem:$0x3FAE] =	sst s0  }
0x9: {  	[smem:$0x3FAF] =	sst s1  }
0xa: {  	[smem:$0x3FB0] =	sst s2  }
0xb: {  	[smem:$0x3FB1] =	sst s3  }
0xc: {  	[smem:$0x3FB2] =	sst s4  }
0xd: {  	[smem:$0x3FB3] =	sst s5  }
0xe: {  	[smem:$0x3FB4] =	sst s6  }
0xf: {  	[smem:$0x3FB5] =	sst s7  }
0x10: {  	[smem:$0x3FB6] =	sst s8  }
0x11: {  	[smem:$0x3FB7] =	sst s9;
	s0 =	simm.s32 @!p0 $0x0  }
0x12: {  	s1 =	sld [smem:$0x3F9D];
	s0 =	simm.s32 @p0 $0x1  }
0x13: {  	[smem:$0x3FB8] =	sst s0;
	s0 =	simm.s32 @!p1 $0x0  }
0x14: {  	s2 =	sld [smem:$0x3F9C];
	s0 =	simm.s32 @p1 $0x1  }
0x15: {  	[smem:$0x3FB9] =	sst s0;
	s0 =	simm.s32 @!p2 $0x0  }
0x16: {  	s3 =	sld [smem:$0x3FDB];
	s0 =	simm.s32 @p2 $0x1  }
0x17: {  	s4 =	simm.s32 $0x1BF5;
	[smem:$0x3FBB] =	sst s0  }
0x18: {  	s0 =	sld [smem:$0x3F9E];
	_ =	swait.ge [sflag:s4], $0x0  }
0x19: {  	s7 =	sld [smem:$0x3F9F]  }
0x1a: {  	s8 =	sadd.s32 $0xFFFFE003, lr  }
0x1b: {  	s9 =	sadd.s32 $0xFFFFFEF7, lr;
	s5 =	simm.s32 $0xFFFFFFFF;
	p2 =	slt.u32 s8, $0xFFFFF086  }
0x1c: {  	p1 =	slt.u32 s9, $0xF7A;
	s5 =	simm.s32 @!p2 $0x0  }
0x1d: {  	s5 =	simm.s32 @p1 $0x1;
	p0 =	seq.s32 s7, s2  }
0x1e: {  	s7 =	smul.u32 @!p0 $0xF7A, s2;
	p2 =	seq.s32 @!p0 s5, $0x0  }
0x1f: {  	s9 =	smul.u32 $0xF7A, s1;
	s8 =	simm.s32 @!p0 $0x1BF5;
	p2 =	por !p2, p0  }
0x20: {  	[sflag:s8] =	ssyncset.s32 @!p0 $0xFFFFF086;
	s6 =	sadd.s32 @!p0 s3, s7;
	s7 =	simm.s32 @!p0 $0x108  }
0x21: {  	s3 =	sadd.s32 s3, s9;
	s6 =	sadd.s32 @!p0 $0x88, s6;
	s7 =	simm.s32 @p2 $0x1082  }
0x22: {  	[simem:s7], [sflag:s8] =	dma.local @!p0 [hbm:s6], $0xF7A  }
0x23: {  	s9 =	sor.u32 $0xD0000000, s2;
	s6 =	simm.s32 $0x108;
	_ =	swait.ge @!p0 [sflag:s8], $0x0  }
0x24: {  	s3 =	sadd.s32 $0x88, s3;
	s6 =	simm.s32 @!p1 $0x1082;
	[sflag:s4] =	ssyncset.s32 $0xFFFFF086  }
0x25: {  	[simem:s6], [sflag:s4] =	dma.local [hbm:s3], $0xF7A  }
0x26: {  	[smem:$0x3F9F] =	sst s1;
	(tag) =	ssettag s2;
	_ =	strace s9  }
0x27: {  	s1 =	sld [smem:$0x3FAF]  }
0x28: {  	s2 =	sld [smem:$0x3FB0]  }
0x29: {  	s4 =	sld [smem:$0x3FB2]  }
0x2a: {  	p0 =	seq.s32 s5, $0x0;
	s5 =	sld [smem:$0x3FB3]  }
0x2b: {  	s6 =	sld [smem:$0x3FB4]  }
0x2c: {  	s7 =	sld [smem:$0x3FB5]  }
0x2d: {  	s3 =	simm.s32 $0x108;
	s8 =	sld [smem:$0x3FB6]  }
0x2e: {  	s3 =	simm.s32 @!p0 $0x1082;
	s9 =	sld [smem:$0x3FB7]  }
0x2f: {  	lr =	sadd.s32 s0, s3;
	s0 =	sld [smem:$0x3FAE]  }
0x30: {  	s3 =	sld [smem:$0x3FB1]  }
0x31: {  	[smem:$0x3FBA] =	sst s10  }
0x32: {  	s10 =	sld [smem:$0x3FB8];
	_ =	sdelay $0x3  }
0x33: {  	p0 =	seq.s32 s10, $0x1;
	s10 =	sld [smem:$0x3FBA];
	_ =	sdelay $0x3  }
0x34: {  	[smem:$0x3FBA] =	sst s10  }
0x35: {  	s10 =	sld [smem:$0x3FB9];
	_ =	sdelay $0x3  }
0x36: {  	p1 =	seq.s32 s10, $0x1;
	s10 =	sld [smem:$0x3FBA];
	_ =	sdelay $0x3  }
0x37: {  	[smem:$0x3FBA] =	sst s10  }
0x38: {  	s10 =	sld [smem:$0x3FBB]  }
0x39: {  	_ = 	snop;
	(pc) =	sbr.ind lr, $3  }
0x3a: {  	_ = 	snop  }
0x3b: {  	_ = 	snop  }
0x3c: {  	p2 =	seq.s32 s10, $0x1;
	s10 =	sld [smem:$0x3FBA]  }
0x3d: {  	_ =	shalt  }
0x3e: {  	_ =	shalt  }
0x3f: {  	_ =	shalt  }
0x40: {  	_ =	shalt  }
0x41: {  	_ =	shalt  }
0x42: {  	_ =	shalt  }
0x43: {  	_ =	shalt  }
0x44: {  	_ =	shalt  }
0x45: {  	_ =	shalt  }
0x46: {  	_ =	shalt  }
0x47: {  	_ =	shalt  }
0x48: {  	_ =	shalt  }
0x49: {  	_ =	shalt  }
0x4a: {  	_ =	shalt  }
0x4b: {  	_ =	shalt  }
0x4c: {  	_ =	shalt  }
0x4d: {  	_ =	shalt  }
0x4e: {  	_ =	shalt  }
0x4f: {  	_ =	shalt  }
0x50: {  	_ =	shalt  }
0x51: {  	_ =	shalt  }
0x52: {  	_ =	shalt  }
0x53: {  	_ =	shalt  }
0x54: {  	_ =	shalt  }
0x55: {  	_ =	shalt  }
0x56: {  	_ =	shalt  }
0x57: {  	_ =	shalt  }
0x58: {  	_ =	shalt  }
0x59: {  	_ =	shalt  }
0x5a: {  	_ =	shalt  }
0x5b: {  	_ =	shalt  }
0x5c: {  	_ =	shalt  }
0x5d: {  	_ =	shalt  }
0x5e: {  	_ =	shalt  }
0x5f: {  	_ =	shalt  }
0x60: {  	_ =	shalt  }
0x61: {  	_ =	shalt  }
0x62: {  	_ =	shalt  }
0x63: {  	_ =	shalt  }
0x64: {  	_ =	shalt  }
0x65: {  	_ =	shalt  }
0x66: {  	_ =	shalt  }
0x67: {  	_ =	shalt  }
0x68: {  	_ =	shalt  }
0x69: {  	_ =	shalt  }
0x6a: {  	_ =	shalt  }
0x6b: {  	_ =	shalt  }
0x6c: {  	_ =	shalt  }
0x6d: {  	_ =	shalt  }
0x6e: {  	_ =	shalt  }
0x6f: {  	_ =	shalt  }
0x70: {  	_ =	shalt  }
0x71: {  	_ =	shalt  }
0x72: {  	_ =	shalt  }
0x73: {  	_ =	shalt  }
0x74: {  	_ =	shalt  }
0x75: {  	_ =	shalt  }
0x76: {  	_ =	shalt  }
0x77: {  	_ =	shalt  }
0x78: {  	_ =	shalt  }
0x79: {  	_ =	shalt  }
0x7a: {  	_ =	shalt  }
0x7b: {  	_ =	shalt  }
0x7c: {  	_ =	shalt  }
0x7d: {  	_ =	shalt  }
0x7e: {  	_ =	shalt  }
0x7f: {  	_ =	shalt  }
0x80: {  	_ =	shalt  }
0x81: {  	_ =	shalt  }
0x82: {  	_ =	shalt  }
0x83: {  	_ =	shalt  }
0x84: {  	_ =	shalt  }
0x85: {  	_ =	shalt  }
0x86: {  	_ =	shalt  }
0x87: {  	_ =	shalt  }
.Lfunc_end0:
.L_simem_size_0:
called_computation.1_lowered:
.L_overlay_start_0:
0x88: {  	s0 =	sld [smem:$0x3FD9]  }
0x89: {  	s1 =	sld [smem:$0x3FFE];
	_ =	sdelay $0x3  }
0x8a: {  	s0 =	sadd.s32 s1, s0  }
0x8b: {  	[smem:$0x3FC6] =	sst s0  }
0x8c: {  	_ = 	snop  }
0x8d: {  	(tm) =	ssettm $0x1  }
0x8e: {  	s15 =	sld [smem:$0x3FFB];
	_ =	sdelay $0x3  }
0x8f: {  	_ =	strace s15  }
0x90: {  	s0 =	sld [smem:$0x3FFC];
	_ =	sdelay $0x3  }
0x91: {  	_ =	strace s0  }
0x92: {  	s0 =	sld [smem:$0x3FFD];
	_ =	sdelay $0x3  }
0x93: {  	_ =	strace s0  }
0x94: {  	_ =	strace $0x8FFFFFFF  }
0x95: {  	s16 =	sld [smem:$0x3FDB];
	_ =	sdelay $0x1  }
0x96: {  	s17 =	simm.s32 $_scs_section_size  }
0x97: {  	s2 =	simm.s32 $_size__tile_overlayer_lowered;
	s3 =	simm.s32 $_tile_overlayer_lowered  }
0x98: {  	s20 =	simm.s32 $0x1BFF;
	s19 =	sshll.u32 s3, $0x1;
	s0 =	sadd.s32 s17, s16  }
0x99: {  	s4 =	simm.s32 $0x0;
	s18 =	sshll.u32 s2, $0x1;
	s2 =	sadd.s32 s19, s0  }
0x9a: {  	[timem:s4], [sflag:s20] =	dma.local [hbm:s2], s18  }
0x9b: {  	_ =	swait.ge [sflag:s20], s18  }
0x9c: {  	s1 =	ssub.s32 $0x0, s18;
	[sflag:s20] =	ssyncset.done $0x0  }
0x9d: {  	[sflag:s20] =	ssyncadd.s32 s1;
	_ =	sdelay $0x1  }
0x9e: {  	s21 =	simm.s32 $0x1B8B  }
0x9f: {  	_ =	swait.ge [sflag:s21], $0x1  }
0xa0: {  	[sflag:s21] =	ssyncset.done $0x0  }
0xa1: {  	s23 =	simm.s32 $0x1B8E;
	s22 =	sld [smem:$0x3FFE];
	[sflag:s21] =	ssyncadd.s32 $0xFFFFFFFF  }
0xa2: {  	s24 =	simm.s32 $execute0_lowered;
	[smem:$0x3FD2] =	sst s23  }
0xa3: {  	s2 =	sshll.u32 s24, $0x1;
	_ =	strace $0x80000049;
	[dreg:$0x1] =	wrdreg $0xFFFFFFFF  }
0xa4: {  	s25 =	simm.s32 $_size_execute0_lowered;
	s0 =	sadd.s32 s0, s2;
	[dreg:$0x0] =	wrdreg $0x0  }
0xa5: {  	s2 =	sshll.u32 s25, $0x1;
	[dreg:$0x2] =	wrdreg s0  }
0xa6: {  	[dreg:$0x3] =	wrdreg s2  }
0xa7: {  	[dreg:$0x4] =	wrdreg $0xC0  }
0xa8: {  	_ =	task [dreg:s4], $0x5FFFF  }
0xa9: {  	[dreg:$0x1] =	wrdreg $0xFFFFFFFF  }
0xaa: {  	[dreg:$0x0] =	wrdreg $0x60  }
0xab: {  	[dreg:$0x2] =	wrdreg s22  }
0xac: {  	[dreg:$0x3] =	wrdreg $0x129800  }
0xad: {  	[dreg:$0x4] =	wrdreg $0x127800  }
0xae: {  	[dreg:$0x5] =	wrdreg $0x9  }
0xaf: {  	_ =	task.clear_ibuf [dreg:s4], $0x6FFFF;
	_ =	strace $0x90000049  }
0xb0: {  	s26 =	simm.s32 $0x9;
	_ =	strace $0x8000004B  }
0xb1: {  	_ =	swait.ge [sflag:s26], $0x1  }
0xb2: {  	[sflag:s26] =	ssyncadd.s32 $0xFFFFFFFF  }
0xb3: {  	_ =	strace $0x9000004B  }
0xb4: {  	_ =	sfence  }
0xb5: {  	s28 =	sld [smem:$0x0];
	_ =	sdelay $0x1  }
0xb6: {  	s29 =	srdreg.scid  }
0xb7: {  	s30 =	sshll.u32 s29, $0xD;
	s31 =	sshrl.u32 s29, $0x2  }
0xb8: {  	s1 =	sand.u32 $0x1, s29;
	s2 =	sand.u32 $0x4000, s30;
	s0 =	sadd.s32 s31, s28  }
0xb9: {  	s1 =	sor.u32 s2, s1;
	s0 =	sshll.u32 s0, $0x11  }
0xba: {  	s0 =	sor.u32 s0, s1  }
0xbb: {  	s0 =	sadd.s32 $0x8F2B, s0  }
0xbc: {  	[sflag:s0] =	ssyncadd.remote.s32 $0x1  }
0xbd: {  	_ =	sfence.sel $0xFFFF  }
0xbe: {  	[dreg:$0x0] =	wrdreg $0xFFFFFFFF;
	(pc) =	sbr.abs _section_cstart, $3  }
0xbf: {  	[dreg:$0x1] =	wrdreg $0xFFFFFFFF  }
0xc0: {  	_ =	task.clear_ibuf [dreg:s4], $0x2FFFF;
	_ =	strace $0x9FFFFFFF  }
0xc1: {  	(tm) =	ssettm $0x7FFFFFFF  }
tec
execute0_lowered:
.L_overlay_start_1:
0x0: {  	(tag) =	ssettag $0x1  }
0x1: {  	s2 =	rddreg [dreg:$0x0]  }
0x2: {  	s3 =	rddreg [dreg:$0x1]  }
0x3: {  	s4 =	rddreg [dreg:$0x2]  }
0x4: {  	s0 =	rddreg [dreg:$0x3];
	s6 =	simm.s32 $0x0;
	s1 =	stileid.u32  }
0x5: {  	v0 =	vimm.f32 $0.0e+00;
	s8 =	simm.s32 $0x1;
	[smem:$0x7FF] =	sst s6;
	s5 =	sshll.u32 s1, $0xF  }
0x6: {  	s9 =	simm.s32 $0x0;
	_ =	strace $0x8000004A;
	s5 =	sadd.s32 s5, s2;
	[tilespmem:$0x12600] =	vst v0  }
0x7: {  	[tilespmem:$0x12610] =	vst v0;
	s7 =	sadd.s32 $0x200C00, s5;
	s5 =	sadd.s32 $0xC00, s2;
	s2 =	sadd.s32 $0x280C00, s2  }
0x8: {  	[tilespmem:s6], [sflag:$0x1] =	stream.linear.gather [hbm4b:s7+s6], $0x8000, $0x38;
	[tilespmem:$0x129A0] =	vst v63  }
.LBB2_1:
0x9: {  	s10 =	smov.u32 s9;
	p0 =	seq.s32 s9, $0x7  }
0xa: {  	s9 =	sadd.s32 $0x1, s9;
	s10 =	sshll.u32 @!p0 s10, $0xF  }
0xb: {  	s12 =	sshll.u32 @!p0 s9, $0xC;
	s11 =	sxor.u32 @!p0 $0xFFFFFFFF, s10  }
0xc: {  	s13 =	simm.s32 @!p0 $0x0;
	s12 =	sadd.s32 @!p0 s12, s7;
	s11 =	sand.u32 @!p0 $0x8000, s11  }
0xd: {  	[tilespmem:s11], [sflag:$0x1] =	stream.linear.gather @!p0 [hbm4b:s12+s13], $0x8000, $0x38;
	[tilespmem:$0x129A0] =	vst v63  }
0xe: {  	s10 =	simm.s32 @p0 $0x38000;
	_ =	swait.ge [sflag:s8], $0x8000  }
0xf: {  	s30 =	sadd.s32 $0x0, s10;
	[sflag:s8] =	ssyncset.done $0x0  }
0x10: {  	s31 =	sand.u32 $0x70, s6;
	s11 =	sand.u32 $0xFF80, s30;
	[sflag:s8] =	ssyncadd.s32 $0xFFFF8000  }
0x11: {  	s12 =	sor.u32 s31, s11;
	v0 =	vld [tilespmem:$0x12600]  }
0x12: {  	v2 =	vld [tilespmem:s12+$0x0]  }
0x13: {  	s11 =	simm.s32 $0x10;
	v1 =	vld [tilespmem:$0x12610]  }
.LBB2_2:
0x14: {  	s12 =	sadd.s32 s11, s10;
	p0 =	sne.s32 s11, $0x7FF0  }
.Ltmp0:
0x15: {  	s13 =	smov.u32 s11;
	s11 =	sadd.s32 $0x10, s11;
	(pc) =	sbr.rel @p0 .LBB2_2-.Ltmp0, $4  }
0x16: {  	s12 =	sand.u32 $0xFF80, s12;
	s13 =	sand.u32 $0x70, s13  }
0x17: {  	s12 =	sor.u32 s13, s12;
	v3 =	vand.u32 $0x7FFFFFFF, v2;
	v4 =	vmul.f32 v2, v2  }
0x18: {  	v2 =	vld [tilespmem:s12+$0x0];
	v0 =	vadd.f32 v3, v0  }
0x19: {  	v1 =	vadd.f32 v4, v1  }
0x1a: {  	_ =	sdelay $0x1  }
0x1b: {  	p0 =	sne.s32 s9, $0x8  }
.Ltmp1:
0x1c: {  	v3 =	vand.u32 $0x7FFFFFFF, v2;
	v63 =	vmul.f32 v2, v2;
	(pc) =	sbr.rel @p0 .LBB2_1-.Ltmp1, $4  }
0x1d: {  	v0 =	vadd.f32 v3, v0  }
0x1e: {  	v1 =	vadd.f32 v63, v1  }
0x1f: {  	[tilespmem:$0x12600] =	vst v0  }
0x20: {  	[tilespmem:$0x12610] =	vst v1  }
0x21: {  	s6 =	sshll.u32 s1, $0x5;
	[bflag:$0x0] =	sbarrier.arrive $0xFFFF  }
0x22: {  	s7 =	simm.s32 $0x12600;
	s31 =	simm.s32 $0x2;
	s6 =	sadd.s32 s6, s3  }
0x23: {  	[spmem:s6] =	stream.linear.scatter [tilespmem:s7], [sflag:$0x2], $0x20, $0x38;
	[tilespmem:$0x129A0] =	vst v63  }
0x24: {  	_ =	swait.ge [sflag:s31], $0x20  }
0x25: {  	[sflag:s31] =	ssyncset.done $0x0  }
0x26: {  	[sflag:s31] =	ssyncadd.s32 $0xFFFFFFE0  }
0x27: {  	v0 =	vimm.s32 $0x0;
	s6 =	simm.s32 $0x40;
	s7 =	simm.s32 $0x0;
	[bflag:$0x0] =	sbarrier.arrive $0xFFFF  }
.LBB2_5:
0x28: {  	p0 =	sne.s32 s6, $0x7FC0;
	[tilespmem:s7+$0x10000] =	vst v0;
	s7 =	smov.u32 s6;
	s6 =	sadd.s32 $0x40, s6  }
.Ltmp2:
0x29: {  	(pc) =	sbr.rel @p0 .LBB2_5-.Ltmp2, $2  }
0x2a: {  	_ =	sdelay $0x2  }
0x2b: {  	s7 =	sshra.s32 s7, $0x2  }
0x2c: {  	s6 =	sshll.u32 s1, $0x11  }
0x2d: {  	[tilespmem:s7+$0x10000] =	vst v0;
	s7 =	simm.s32 $0x0;
	s9 =	simm.s32 $0x1;
	s10 =	simm.s32 $0x10000  }
0x2e: {  	v0 =	vlaneseq.u32;
	s11 =	simm.s32 $0x0;
	s8 =	sadd.s32 s5, s6;
	s6 =	sshll.u32 s1, $0x14  }
0x2f: {  	v1 =	vimm.s32 $0x1;
	v0 =	vmul.u32 $0x100, v0;
	[tilespmem:s7], [sflag:$0x1] =	stream.linear.gather [hbm4b:s8+s7], $0x8000, $0x38;
	[tilespmem:$0x129A0] =	vst v63  }
.LBB2_7:
0x30: {  	s12 =	smov.u32 s11  }
0x31: {  	s11 =	sadd.s32 $0x1, s11;
	p0 =	seq.s32 s12, $0x1F  }
0x32: {  	s13 =	sshll.u32 @!p0 s11, $0xF  }
0x33: {  	s12 =	sshll.u32 @!p0 s12, $0xF;
	s13 =	sadd.s32 @!p0 s6, s13  }
0x34: {  	s15 =	simm.s32 @!p0 $0x0;
	s14 =	sxor.u32 @!p0 $0xFFFFFFFF, s12;
	s13 =	sshrl.u32 @!p0 s13, $0x3  }
0x35: {  	s12 =	simm.s32 @p0 $0xF8000;
	s14 =	sand.u32 @!p0 $0x8000, s14;
	s13 =	sadd.s32 @!p0 s5, s13  }
0x36: {  	[tilespmem:s14], [sflag:$0x1] =	stream.linear.gather @!p0 [hbm4b:s13+s15], $0x8000, $0x38;
	[tilespmem:$0x129A0] =	vst v63  }
0x37: {  	s30 =	sadd.s32 $0x0, s12;
	_ =	swait.ge [sflag:s9], $0x8000  }
0x38: {  	s31 =	sand.u32 $0x70, s7;
	s13 =	sand.u32 $0xFF80, s30;
	[sflag:s9] =	ssyncset.done $0x0  }
0x39: {  	s13 =	sor.u32 s31, s13;
	[sflag:s9] =	ssyncadd.s32 $0xFFFF8000  }
0x3a: {  	v2 =	vld [tilespmem:s13+$0x0];
	_ =	sdelay $0x4  }
0x3b: {  	v3 =	vshra.s32 v2, $0x1F  }
0x3c: {  	v3 =	vor.u32 $0x80000000, v3  }
0x3d: {  	v2 =	vxor.u32 v2, v3  }
0x3e: {  	v2 =	vshrl.u32 v2, $0x18  }
0x3f: {  	v3 =	vand.u32 $0x80, v2  }
0x40: {  	v2 =	vand.u32 $0x7F, v2;
	v3 =	vor.u32 v0, v3  }
0x41: {  	v2 =	vor.u32 v2, v3;
	_ =	sdelay $0x2  }
0x42: {  	s15 =	sadd.s32 $0x10, s12;
	s14 =	simm.s32 $0x20;
	s13 =	simm.s32 $0x10  }
.LBB2_8:
0x43: {  	p0 =	seq.s32 s14, $0x7FF0;
	s15 =	sand.u32 $0xFF80, s15;
	s13 =	sand.u32 $0x70, s13  }
0x44: {  	s15 =	sor.u32 s13, s15;
	[tilespmem:v2+s10+$0x0] =	vst.idx.add.s32.msk $0xffff, v1;
	s13 =	smov.u32 s14  }
0x45: {  	v2 =	vld [tilespmem:s15+$0x0];
	_ =	sdelay $0x4  }
0x46: {  	v3 =	vshra.s32 v2, $0x1F  }
0x47: {  	v3 =	vor.u32 $0x80000000, v3  }
0x48: {  	v2 =	vxor.u32 v2, v3  }
0x49: {  	v2 =	vshrl.u32 v2, $0x18  }
0x4a: {  	v3 =	vand.u32 $0x80, v2  }
.Ltmp3:
0x4b: {  	v2 =	vand.u32 $0x7F, v2;
	v3 =	vor.u32 v0, v3;
	(pc) =	sbr.rel @!p0 .LBB2_8-.Ltmp3, $2  }
0x4c: {  	v2 =	vor.u32 v2, v3;
	_ =	sdelay $0x2  }
0x4d: {  	s14 =	sadd.s32 $0x10, s14;
	s15 =	sadd.s32 s13, s12  }
0x4e: {  	_ =	sdelay $0x2  }
0x4f: {  	s12 =	sand.u32 $0xFF80, s15;
	s13 =	sand.u32 $0x70, s13  }
0x50: {  	[tilespmem:v2+s10+$0x0] =	vst.idx.add.s32.msk $0xffff, v1;
	s12 =	sor.u32 s13, s12  }
0x51: {  	v2 =	vld [tilespmem:s12+$0x0];
	_ =	sdelay $0x4  }
0x52: {  	v3 =	vshra.s32 v2, $0x1F  }
0x53: {  	v3 =	vor.u32 $0x80000000, v3  }
0x54: {  	v2 =	vxor.u32 v2, v3  }
0x55: {  	v2 =	vshrl.u32 v2, $0x18  }
0x56: {  	v3 =	vand.u32 $0x80, v2  }
0x57: {  	v2 =	vand.u32 $0x7F, v2;
	v3 =	vor.u32 v0, v3  }
0x58: {  	p0 =	seq.s32 s11, $0x20;
	v2 =	vor.u32 v2, v3  }
.Ltmp4:
0x59: {  	_ = 	snop;
	(pc) =	sbr.rel @!p0 .LBB2_7-.Ltmp4, $2  }
0x5a: {  	_ =	sdelay $0x2  }
0x5b: {  	[tilespmem:v2+s10+$0x0] =	vst.idx.add.s32.msk $0xffff, v1  }
0x5c: {  	s7 =	simm.s32 $0x0  }
0x5d: {  	s7 =	sand.u32 $0xF0, s7  }
0x5e: {  	v0 =	vld [tilespmem:s7+$0x10000]  }
0x5f: {  	v1 =	vld [tilespmem:s7+$0x10100]  }
0x60: {  	v2 =	vld [tilespmem:s7+$0x10200]  }
0x61: {  	v3 =	vld [tilespmem:s7+$0x10300]  }
0x62: {  	v4 =	vld [tilespmem:s7+$0x10400]  }
0x63: {  	v5 =	vld [tilespmem:s7+$0x10500]  }
0x64: {  	v0 =	vadd.s32 v0, v1;
	v1 =	vld [tilespmem:s7+$0x10600]  }
0x65: {  	v0 =	vadd.s32 v0, v2;
	v2 =	vld [tilespmem:s7+$0x10700]  }
0x66: {  	v0 =	vadd.s32 v0, v3;
	v3 =	vld [tilespmem:s7+$0x10800]  }
0x67: {  	v0 =	vadd.s32 v0, v4;
	v4 =	vld [tilespmem:s7+$0x10900]  }
0x68: {  	v0 =	vadd.s32 v0, v5;
	v5 =	vld [tilespmem:s7+$0x10A00]  }
0x69: {  	v6 =	vld [tilespmem:s7+$0x10B00];
	v0 =	vadd.s32 v0, v1  }
0x6a: {  	v1 =	vld [tilespmem:s7+$0x10C00];
	v0 =	vadd.s32 v0, v2  }
0x6b: {  	v2 =	vld [tilespmem:s7+$0x10D00];
	v0 =	vadd.s32 v0, v3  }
0x6c: {  	s9 =	simm.s32 $0x10;
	v3 =	vld [tilespmem:s7+$0x10E00];
	v0 =	vadd.s32 v0, v4  }
0x6d: {  	s9 =	sand.u32 $0xF0, s9;
	v4 =	vld [tilespmem:s7+$0x10F00];
	v5 =	vadd.s32 v0, v5  }
0x6e: {  	s10 =	simm.s32 $0x20;
	v0 =	vld [tilespmem:s9+$0x10000];
	v5 =	vadd.s32 v5, v6  }
.LBB2_11:
0x6f: {  	p0 =	sne.s32 s10, $0xF0;
	v6 =	vld [tilespmem:s9+$0x10100];
	v1 =	vadd.s32 v5, v1  }
0x70: {  	v5 =	vld [tilespmem:s9+$0x10200];
	v1 =	vadd.s32 v1, v2  }
0x71: {  	v2 =	vld [tilespmem:s9+$0x10300];
	v1 =	vadd.s32 v1, v3  }
0x72: {  	v3 =	vld [tilespmem:s9+$0x10400];
	v1 =	vadd.s32 v1, v4  }
0x73: {  	v4 =	vld [tilespmem:s9+$0x10500];
	[tilespmem:s7+$0x12000] =	vst v1;
	s7 =	smov.u32 s9  }
0x74: {  	v0 =	vadd.s32 v0, v6;
	v1 =	vld [tilespmem:s7+$0x10600]  }
0x75: {  	v0 =	vadd.s32 v0, v5;
	v5 =	vld [tilespmem:s7+$0x10700]  }
0x76: {  	v0 =	vadd.s32 v0, v2;
	v2 =	vld [tilespmem:s7+$0x10800]  }
0x77: {  	v0 =	vadd.s32 v0, v3;
	v3 =	vld [tilespmem:s7+$0x10900]  }
0x78: {  	v0 =	vadd.s32 v0, v4;
	v4 =	vld [tilespmem:s7+$0x10A00]  }
0x79: {  	v0 =	vadd.s32 v0, v1;
	v6 =	vld [tilespmem:s7+$0x10B00]  }
.Ltmp5:
0x7a: {  	v0 =	vadd.s32 v0, v5;
	v1 =	vld [tilespmem:s7+$0x10C00];
	(pc) =	sbr.rel @p0 .LBB2_11-.Ltmp5, $4  }
0x7b: {  	v0 =	vadd.s32 v0, v2;
	v2 =	vld [tilespmem:s7+$0x10D00]  }
0x7c: {  	v0 =	vadd.s32 v0, v3;
	v3 =	vld [tilespmem:s7+$0x10E00]  }
0x7d: {  	s9 =	sand.u32 $0xF0, s10;
	v5 =	vadd.s32 v0, v4;
	v4 =	vld [tilespmem:s7+$0x10F00]  }
0x7e: {  	s10 =	sadd.s32 $0x10, s10;
	v0 =	vld [tilespmem:s9+$0x10000];
	v5 =	vadd.s32 v5, v6  }
0x7f: {  	v6 =	vld [tilespmem:s9+$0x10100];
	v1 =	vadd.s32 v5, v1  }
0x80: {  	v50 =	vld [tilespmem:s9+$0x10200];
	v1 =	vadd.s32 v1, v2  }
0x81: {  	v51 =	vld [tilespmem:s9+$0x10300];
	v1 =	vadd.s32 v1, v3  }
0x82: {  	v52 =	vld [tilespmem:s9+$0x10400];
	v1 =	vadd.s32 v1, v4  }
0x83: {  	v53 =	vld [tilespmem:s9+$0x10500];
	[tilespmem:s7+$0x12000] =	vst v1  }
0x84: {  	v0 =	vadd.s32 v0, v6;
	v1 =	vld [tilespmem:s9+$0x10600]  }
0x85: {  	v54 =	vld [tilespmem:s9+$0x10700];
	v0 =	vadd.s32 v0, v50  }
0x86: {  	v55 =	vld [tilespmem:s9+$0x10800];
	v0 =	vadd.s32 v0, v51  }
0x87: {  	v56 =	vld [tilespmem:s9+$0x10900];
	v0 =	vadd.s32 v0, v52  }
0x88: {  	v57 =	vld [tilespmem:s9+$0x10A00];
	v0 =	vadd.s32 v0, v53  }
0x89: {  	v58 =	vld [tilespmem:s9+$0x10B00];
	v0 =	vadd.s32 v0, v1  }
0x8a: {  	v59 =	vld [tilespmem:s9+$0x10C00];
	v0 =	vadd.s32 v0, v54  }
0x8b: {  	v60 =	vld [tilespmem:s9+$0x10D00];
	v0 =	vadd.s32 v0, v55  }
0x8c: {  	v61 =	vld [tilespmem:s9+$0x10E00];
	v0 =	vadd.s32 v0, v56  }
0x8d: {  	v62 =	vld [tilespmem:s9+$0x10F00];
	v0 =	vadd.s32 v0, v57  }
0x8e: {  	v0 =	vadd.s32 v0, v58  }
0x8f: {  	v0 =	vadd.s32 v0, v59  }
0x90: {  	v0 =	vadd.s32 v0, v60  }
0x91: {  	v0 =	vadd.s32 v0, v61  }
0x92: {  	v0 =	vadd.s32 v0, v62  }
0x93: {  	s30 =	sshll.u32 s1, $0x9;
	s31 =	simm.s32 $0x12000;
	[tilespmem:s9+$0x12000] =	vst v0  }
0x94: {  	s7 =	sadd.s32 s30, s4;
	s9 =	simm.s32 $0x2;
	[bflag:$0x0] =	sbarrier.arrive $0xFFFF  }
0x95: {  	[spmem:s7] =	stream.linear.scatter [tilespmem:s31], [sflag:$0x2], $0x200, $0x38;
	[tilespmem:$0x129A0] =	vst v63  }
0x96: {  	_ =	swait.ge [sflag:s9], $0x200  }
0x97: {  	[sflag:s9] =	ssyncset.done $0x0  }
0x98: {  	[sflag:s9] =	ssyncadd.s32 $0xFFFFFE00  }
0x99: {  	v63 =	vimm.s32 $0x0;
	[bflag:$0x0] =	sbarrier.arrive $0xFFFF  }
0x9a: {  	[tilespmem:$0x12200] =	vst v63  }
0x9b: {  	[tilespmem:$0x12210] =	vst v63  }
0x9c: {  	[tilespmem:$0x12220] =	vst v63  }
0x9d: {  	[tilespmem:$0x12230] =	vst v63  }
0x9e: {  	[tilespmem:$0x12240] =	vst v63  }
0x9f: {  	[tilespmem:$0x12250] =	vst v63  }
0xa0: {  	[tilespmem:$0x12260] =	vst v63  }
0xa1: {  	[tilespmem:$0x12270] =	vst v63  }
0xa2: {  	[tilespmem:$0x12280] =	vst v63  }
0xa3: {  	[tilespmem:$0x12290] =	vst v63  }
0xa4: {  	[tilespmem:$0x122A0] =	vst v63  }
0xa5: {  	[tilespmem:$0x122B0] =	vst v63  }
0xa6: {  	[tilespmem:$0x122C0] =	vst v63  }
0xa7: {  	[tilespmem:$0x122D0] =	vst v63  }
0xa8: {  	[tilespmem:$0x122E0] =	vst v63  }
0xa9: {  	[tilespmem:$0x122F0] =	vst v63  }
0xaa: {  	[tilespmem:$0x12300] =	vst v63  }
0xab: {  	[tilespmem:$0x12310] =	vst v63  }
0xac: {  	[tilespmem:$0x12320] =	vst v63  }
0xad: {  	[tilespmem:$0x12330] =	vst v63  }
0xae: {  	[tilespmem:$0x12340] =	vst v63  }
0xaf: {  	[tilespmem:$0x12350] =	vst v63  }
0xb0: {  	[tilespmem:$0x12360] =	vst v63  }
0xb1: {  	[tilespmem:$0x12370] =	vst v63  }
0xb2: {  	[tilespmem:$0x12380] =	vst v63  }
0xb3: {  	[tilespmem:$0x12390] =	vst v63  }
0xb4: {  	[tilespmem:$0x123A0] =	vst v63  }
0xb5: {  	[tilespmem:$0x123B0] =	vst v63  }
0xb6: {  	[tilespmem:$0x123C0] =	vst v63  }
0xb7: {  	[tilespmem:$0x123D0] =	vst v63  }
0xb8: {  	[tilespmem:$0x123E0] =	vst v63  }
0xb9: {  	s10 =	simm.s32 $0x0;
	s11 =	simm.s32 $0x12400;
	[tilespmem:$0x123F0] =	vst v63  }
.LBB2_13:
0xba: {  	s12 =	sshll.u32 s10, $0x9  }
0xbb: {  	s12 =	sand.u32 $0x3FFFFE00, s12  }
0xbc: {  	s12 =	sadd.s32 s12, s4  }
0xbd: {  	[tilespmem:s11], [sflag:$0x2] =	stream.linear.gather [spmem:s12], $0x200, $0x38;
	[tilespmem:$0x129A0] =	vst v63  }
0xbe: {  	_ =	swait.ge [sflag:s9], $0x200  }
0xbf: {  	[sflag:s9] =	ssyncset.done $0x0  }
0xc0: {  	s12 =	simm.s32 $0x0;
	[sflag:s9] =	ssyncadd.s32 $0xFFFFFE00  }
0xc1: {  	s13 =	simm.s32 $0x40;
	v0 =	vld [tilespmem:s12+$0x12400]  }
.LBB2_14:
0xc2: {  	p0 =	sne.s32 s13, $0x7C0;
	v1 =	vld [tilespmem:s12+$0x12200];
	_ =	sdelay $0x1  }
.Ltmp6:
0xc3: {  	(pc) =	sbr.rel @p0 .LBB2_14-.Ltmp6, $3  }
0xc4: {  	_ =	sdelay $0x1  }
0xc5: {  	s14 =	sshra.s32 s13, $0x2;
	v1 =	vadd.s32 v1, v0  }
0xc6: {  	s13 =	sadd.s32 $0x40, s13;
	v0 =	vld [tilespmem:s14+$0x12400];
	[tilespmem:s12+$0x12200] =	vst v1;
	s12 =	smov.u32 s14  }
0xc7: {  	v1 =	vld [tilespmem:s12+$0x12200];
	s10 =	sadd.s32 $0x1, s10  }
0xc8: {  	p0 =	sne.s32 s10, $0x10  }
.Ltmp7:
0xc9: {  	_ = 	snop;
	(pc) =	sbr.rel @p0 .LBB2_13-.Ltmp7, $3  }
0xca: {  	_ =	sdelay $0x1  }
0xcb: {  	v0 =	vadd.s32 v1, v0  }
0xcc: {  	[tilespmem:s12+$0x12200] =	vst v0  }
0xcd: {  	s9 =	simm.s32 $0x12200  }
0xce: {  	v0 =	vld [tilespmem:s9+$0x0];
	_ =	sdelay $0x4  }
0xcf: {  	(xrf0) =	vadd.scan.msk.s32 $0xffff, v0;
	_ =	sdelay $0x5  }
0xd0: {  	v0, _, _ =	vpop (xrf0)  }
0xd1: {  	(v2sf) =	vpush v0, $0xF;
	_ =	sdelay $0x1  }
0xd2: {  	s28 =	simm.s32 $0x12210  }
0xd3: {  	v0 =	vld [tilespmem:s28+$0x0]  }
0xd4: {  	s29 =	simm.s32 $0x12220  }
0xd5: {  	v1 =	vld [tilespmem:s29+$0x0];
	_ =	sdelay $0x2  }
0xd6: {  	(xrf0) =	vadd.scan.msk.s32 $0xffff, v0;
	_ =	sdelay $0x1  }
0xd7: {  	(xrf0) =	vadd.scan.msk.s32 $0xffff, v1;
	_ =	sdelay $0x2  }
0xd8: {  	s30 =	simm.s32 $0x12230  }
0xd9: {  	v2 =	vld [tilespmem:s30+$0x0];
	v1, _, _ =	vpop (xrf0)  }
0xda: {  	s10 =	spop (v2sf);
	(v2sf) =	vpush v1, $0xF  }
0xdb: {  	v1, _, _ =	vpop (xrf0)  }
0xdc: {  	(v2sf) =	vpush v1, $0xF;
	_ =	sdelay $0x1  }
0xdd: {  	s31 =	simm.s32 $0x12240;
	(xrf0) =	vadd.scan.msk.s32 $0xffff, v2  }
0xde: {  	v0 =	vld [tilespmem:s31+$0x0]  }
0xdf: {  	s16 =	simm.s32 $0x1  }
0xe0: {  	s13 =	simm.s32 $0x2;
	s15 =	simm.s32 $0x3;
	s14 =	simm.s32 $0x4  }
0xe1: {  	s17 =	simm.s32 $0x5;
	s19 =	simm.s32 $0x12250;
	p1 =	por $0x1, $0x1  }
0xe2: {  	s12 =	simm.s32 $0x0;
	s18 =	simm.s32 $0x0;
	s11 =	sadd.s32 $0x0, s10  }
0xe3: {  	s9 =	simm.s32 $0x0;
	(xrf0) =	vadd.scan.msk.s32 $0xffff, v0;
	v0, _, _ =	vpop (xrf0);
	s10 =	simm.s32 $0x0;
	p2 =	sgt.s32 s11, $0x4188  }
.LBB2_17:
0xe4: {  	p0 =	sne.s32 s17, $0xF;
	p1 =	por !p1, !p2;
	s20 =	smov.u32 s17  }
0xe5: {  	v1 =	vld [tilespmem:s19+$0x0];
	(v2sf) =	vpush v0, $0xF;
	s17 =	sadd.s32 $0x1, s17;
	s21 =	smov.u32 s12;
	s12 =	smov.u32 s11  }
.Ltmp8:
0xe6: {  	p1 =	por !p1, !p1;
	(pc) =	sbr.rel @p0 .LBB2_17-.Ltmp8, $4  }
0xe7: {  	s9 =	smov.u32 @p1 s18;
	s10 =	smov.u32 @p1 s21;
	s18 =	smov.u32 s16  }
0xe8: {  	s16 =	smov.u32 s13;
	s13 =	smov.u32 s15;
	s21 =	spop (v2sf)  }
0xe9: {  	s15 =	smov.u32 s14;
	s14 =	smov.u32 s20;
	s11 =	sadd.s32 s11, s21  }
0xea: {  	s19 =	sadd.s32 $0x10, s19;
	p1 =	slt.s32 s12, $0x4189;
	(xrf0) =	vadd.scan.msk.s32 $0xffff, v1;
	v0, _, _ =	vpop (xrf0);
	p2 =	sgt.s32 s11, $0x4188  }
0xeb: {  	_ =	sdelay $0x4  }
0xec: {  	(v2sf) =	vpush v0, $0xF;
	v0, _, _ =	vpop (xrf0)  }
0xed: {  	(v2sf) =	vpush v0, $0xF;
	_ =	sdelay $0x7  }
0xee: {  	s17 =	spop (v2sf)  }
0xef: {  	s17 =	sadd.s32 s11, s17  }
0xf0: {  	p0 =	por !p1, !p2;
	p2 =	slt.s32 s11, $0x4189;
	p3 =	sgt.s32 s17, $0x4188  }
0xf1: {  	p0 =	por !p0, !p0;
	p1 =	por !p2, !p3  }
0xf2: {  	s9 =	smov.u32 @p0 s18;
	p1 =	por !p1, !p1;
	s19 =	spop (v2sf)  }
0xf3: {  	p4 =	slt.s32 s17, $0x4189;
	s9 =	smov.u32 @p1 s16;
	s18 =	sadd.s32 s17, s19  }
0xf4: {  	p3 =	sgt.s32 s18, $0x4188;
	p5 =	slt.s32 s18, $0x4189;
	s23 =	spop (v2sf)  }
0xf5: {  	p2 =	por !p4, !p3;
	s16 =	sadd.s32 s18, s23;
	s24 =	spop (v2sf)  }
0xf6: {  	p2 =	por !p2, !p2;
	p4 =	sgt.s32 s16, $0x4188;
	s19 =	sadd.s32 s16, s24  }
0xf7: {  	p6 =	slt.s32 s16, $0x4189;
	p3 =	por !p5, !p4;
	p5 =	sgt.s32 s19, $0x4188  }
0xf8: {  	s9 =	smov.u32 @p2 s13;
	p4 =	por !p3, !p3;
	p5 =	por !p6, !p5  }
0xf9: {  	s9 =	smov.u32 @p4 s15;
	p3 =	por !p5, !p5  }
0xfa: {  	s9 =	smov.u32 @p3 s14  }
0xfb: {  	s9 =	sshll.u32 s9, $0x4  }
0xfc: {  	s25 =	simm.s32 $0x12200;
	v1 =	vld [tilespmem:s9+$0x12200]  }
0xfd: {  	v0 =	vld [tilespmem:s25+$0x0];
	_ =	sdelay $0x3  }
0xfe: {  	(xrf0) =	vadd.scan.msk.s32 $0xffff, v1  }
0xff: {  	(xrf0) =	vadd.scan.msk.s32 $0xffff, v0;
	_ =	sdelay $0x4  }
0x100: {  	v0, _, _ =	vpop (xrf0)  }
0x101: {  	v2, _, _ =	vpop (xrf0)  }
0x102: {  	s26 =	simm.s32 $0x12210;
	(v2sf) =	vpush v2, $0xF  }
0x103: {  	v2 =	vld [tilespmem:s26+$0x0]  }
0x104: {  	s28 =	simm.s32 $0x12220  }
0x105: {  	v3 =	vld [tilespmem:s28+$0x0];
	_ =	sdelay $0x2  }
0x106: {  	s29 =	simm.s32 $0x12230;
	(xrf0) =	vadd.scan.msk.s32 $0xffff, v2  }
0x107: {  	v4 =	vld [tilespmem:s29+$0x0]  }
0x108: {  	(xrf0) =	vadd.scan.msk.s32 $0xffff, v3  }
0x109: {  	s10 =	smov.u32 @p0 s12  }
0x10a: {  	s10 =	smov.u32 @p1 s11  }
0x10b: {  	s10 =	smov.u32 @p2 s17  }
0x10c: {  	s10 =	smov.u32 @p4 s18;
	(xrf0) =	vadd.scan.msk.s32 $0xffff, v4;
	v4, _, _ =	vpop (xrf0)  }
0x10d: {  	s10 =	smov.u32 @p3 s16;
	(v2sf) =	vpush v4, $0xF  }
0x10e: {  	v3 =	vadd.s32 s10, v0;
	v0, _, _ =	vpop (xrf0)  }
0x10f: {  	s31 =	spop (v2sf);
	(v2sf) =	vpush v0, $0xF;
	_ =	sdelay $0x1  }
0x110: {  	s30 =	simm.s32 $0x12240  }
0x111: {  	v2 =	vld [tilespmem:s30+$0x0]  }
0x112: {  	s20 =	simm.s32 $0x0  }
0x113: {  	s12 =	simm.s32 $0x2;
	s11 =	simm.s32 $0x0;
	p1 =	por $0x1, $0x1  }
0x114: {  	s17 =	simm.s32 $0x1;
	s13 =	simm.s32 $0x3;
	s18 =	simm.s32 $0x5  }
0x115: {  	s15 =	simm.s32 $0x0;
	s19 =	simm.s32 $0x12250;
	vm0 =	vgt.s32 v3, $0x4188;
	s10 =	sadd.s32 $0x0, s31  }
0x116: {  	s14 =	simm.s32 $0x4;
	s16 =	simm.s32 $0x0;
	(xrf0) =	vadd.scan.msk.s32 $0xffff, v2;
	v4 =	vmctz.xlane vm0;
	v0, _, _ =	vpop (xrf0);
	p2 =	sgt.s32 s10, $0xFFBE75  }
.LBB2_19:
0x117: {  	p0 =	sne.s32 s18, $0xF;
	p1 =	por !p1, !p2;
	s21 =	smov.u32 s18  }
0x118: {  	v2 =	vld [tilespmem:s19+$0x0];
	(v2sf) =	vpush v0, $0xF;
	s18 =	sadd.s32 $0x1, s18;
	s22 =	smov.u32 s16;
	s16 =	smov.u32 s10  }
.Ltmp9:
0x119: {  	p1 =	por !p1, !p1;
	(pc) =	sbr.rel @p0 .LBB2_19-.Ltmp9, $4  }
0x11a: {  	s11 =	smov.u32 @p1 s20;
	s15 =	smov.u32 @p1 s22;
	s20 =	smov.u32 s17  }
0x11b: {  	s17 =	smov.u32 s12;
	s12 =	smov.u32 s13;
	s22 =	spop (v2sf)  }
0x11c: {  	s13 =	smov.u32 s14;
	s14 =	smov.u32 s21;
	s10 =	sadd.s32 s10, s22  }
0x11d: {  	s19 =	sadd.s32 $0x10, s19;
	p1 =	slt.s32 s16, $0xFFBE76;
	(xrf0) =	vadd.scan.msk.s32 $0xffff, v2;
	v0, _, _ =	vpop (xrf0);
	p2 =	sgt.s32 s10, $0xFFBE75  }
0x11e: {  	_ =	sdelay $0x4  }
0x11f: {  	(v2sf) =	vpush v0, $0xF;
	v0, _, _ =	vpop (xrf0)  }
0x120: {  	(v2sf) =	vpush v0, $0xF;
	_ =	sdelay $0x7  }
0x121: {  	s18 =	spop (v2sf)  }
0x122: {  	s18 =	sadd.s32 s10, s18  }
0x123: {  	p0 =	por !p1, !p2;
	p4 =	slt.s32 s10, $0xFFBE76;
	p5 =	sgt.s32 s18, $0xFFBE75  }
0x124: {  	p0 =	por !p0, !p0;
	p1 =	por !p4, !p5  }
0x125: {  	s11 =	smov.u32 @p0 s20;
	p1 =	por !p1, !p1;
	s19 =	spop (v2sf)  }
0x126: {  	p3 =	slt.s32 s18, $0xFFBE76;
	s11 =	smov.u32 @p1 s17;
	s19 =	sadd.s32 s18, s19  }
0x127: {  	p4 =	sgt.s32 s19, $0xFFBE75;
	p6 =	slt.s32 s19, $0xFFBE76;
	s30 =	spop (v2sf)  }
0x128: {  	p3 =	por !p3, !p4;
	s20 =	sadd.s32 s19, s30;
	s21 =	spop (v2sf)  }
0x129: {  	p3 =	por !p3, !p3;
	p5 =	sgt.s32 s20, $0xFFBE75;
	s31 =	sadd.s32 s20, s21  }
0x12a: {  	p4 =	por !p6, !p5;
	p6 =	slt.s32 s20, $0xFFBE76;
	p2 =	sgt.s32 s31, $0xFFBE75  }
0x12b: {  	s11 =	smov.u32 @p3 s12;
	p4 =	por !p4, !p4;
	p2 =	por !p6, !p2  }
0x12c: {  	s11 =	smov.u32 @p4 s13;
	p2 =	por !p2, !p2  }
0x12d: {  	s11 =	smov.u32 @p2 s14  }
0x12e: {  	s12 =	sshll.u32 s11, $0x4  }
0x12f: {  	v0 =	vld [tilespmem:s12+$0x12200];
	_ =	sdelay $0x4  }
0x130: {  	(xrf0) =	vadd.scan.msk.s32 $0xffff, v0;
	_ =	sdelay $0x1  }
0x131: {  	s15 =	smov.u32 @p0 s16  }
0x132: {  	s15 =	smov.u32 @p1 s10  }
0x133: {  	s15 =	smov.u32 @p3 s18  }
0x134: {  	s15 =	smov.u32 @p4 s19  }
0x135: {  	s15 =	smov.u32 @p2 s20;
	v2, _, _ =	vpop (xrf0)  }
0x136: {  	v2 =	vadd.s32 s15, v2  }
0x137: {  	vm0 =	vgt.s32 v2, $0xFFBE75  }
0x138: {  	v5 =	vimm.s32 $0x0;
	s10 =	simm.s32 $0x40;
	s11 =	simm.s32 $0x0;
	v6 =	vmctz.xlane vm0  }
.LBB2_21:
0x139: {  	p0 =	sne.s32 s10, $0x7FC0;
	[tilespmem:s11+$0x10000] =	vst v5;
	s11 =	smov.u32 s10;
	s10 =	sadd.s32 $0x40, s10  }
.Ltmp10:
0x13a: {  	(pc) =	sbr.rel @p0 .LBB2_21-.Ltmp10, $2  }
0x13b: {  	_ =	sdelay $0x2  }
0x13c: {  	s11 =	sshra.s32 s11, $0x2  }
0x13d: {  	v4 =	vxor.u32 $0x80000000, v4  }
0x13e: {  	(xrf0) =	vmax.scan.msk.u32 $0xffff, v4;
	v4 =	vxor.u32 $0x80000000, v6  }
0x13f: {  	(xrf0) =	vmax.scan.msk.u32 $0xffff, v4;
	_ =	sdelay $0x4  }
0x140: {  	v4, _, _ =	vpop (xrf0)  }
0x141: {  	(v2sf) =	vpush v4, $0xF;
	v4, _, _ =	vpop (xrf0)  }
0x142: {  	(v2sf) =	vpush v4, $0xF;
	_ =	sdelay $0xd  }
0x143: {  	s10 =	spop (v2sf)  }
0x144: {  	s14 =	simm.s32 $0x1;
	v4 =	vlaneseq.u32;
	s10 =	sxor.u32 $0x80000000, s10;
	s13 =	spop (v2sf)  }
0x145: {  	[tilespmem:s11+$0x10000] =	vst v5;
	s15 =	simm.s32 $0x10000;
	v4 =	vmul.u32 $0x100, v4;
	s11 =	sadd.s32 s9, s10;
	s9 =	sxor.u32 $0x80000000, s13  }
0x146: {  	v7 =	vimm.s32 $0x1;
	s16 =	simm.s32 $0x0;
	s13 =	simm.s32 $0x0;
	s12 =	sadd.s32 s12, s9  }
0x147: {  	v8 =	vor.u32 $0x1000, v4;
	[tilespmem:s13], [sflag:$0x1] =	stream.linear.gather [hbm4b:s8+s13], $0x8000, $0x38;
	v5 =	vmov s11;
	v6 =	vmov s12;
	[tilespmem:$0x129A0] =	vst v63  }
.LBB2_23:
0x148: {  	s17 =	smov.u32 s16  }
0x149: {  	s16 =	sadd.s32 $0x1, s16;
	p0 =	seq.s32 s17, $0x1F  }
0x14a: {  	s18 =	sshll.u32 @!p0 s16, $0xF  }
0x14b: {  	s17 =	sshll.u32 @!p0 s17, $0xF;
	s18 =	sadd.s32 @!p0 s6, s18  }
0x14c: {  	s20 =	simm.s32 @!p0 $0x0;
	s19 =	sxor.u32 @!p0 $0xFFFFFFFF, s17;
	s18 =	sshrl.u32 @!p0 s18, $0x3  }
0x14d: {  	s17 =	simm.s32 @p0 $0xF8000;
	s19 =	sand.u32 @!p0 $0x8000, s19;
	s18 =	sadd.s32 @!p0 s5, s18  }
0x14e: {  	[tilespmem:s19], [sflag:$0x1] =	stream.linear.gather @!p0 [hbm4b:s18+s20], $0x8000, $0x38;
	[tilespmem:$0x129A0] =	vst v63  }
0x14f: {  	s28 =	sadd.s32 $0x0, s17;
	_ =	swait.ge [sflag:s14], $0x8000  }
0x150: {  	s29 =	sand.u32 $0x70, s13;
	s18 =	sand.u32 $0xFF80, s28;
	[sflag:s14] =	ssyncset.done $0x0  }
0x151: {  	s18 =	sor.u32 s29, s18;
	[sflag:s14] =	ssyncadd.s32 $0xFFFF8000  }
0x152: {  	v9 =	vld [tilespmem:s18+$0x0];
	_ =	sdelay $0x4  }
0x153: {  	v10 =	vshra.s32 v9, $0x1F  }
0x154: {  	v10 =	vor.u32 $0x80000000, v10  }
0x155: {  	v9 =	vxor.u32 v9, v10  }
0x156: {  	v10 =	vshrl.u32 v9, $0x10  }
0x157: {  	v11 =	vand.u32 $0xFF, v10  }
0x158: {  	v9 =	vshrl.u32 v9, $0x18;
	v12 =	vor.u32 v4, v11  }
0x159: {  	v10 =	vand.u32 $0x7F, v10;
	vm1 =	veq.s32 v9, v5;
	v12 =	vand.u32 $0xF80, v12  }
0x15a: {  	v11 =	vor.u32 v8, v11;
	v12 =	vor.u32 v10, v12  }
0x15b: {  	vm0 =	veq.s32 v9, v6;
	v11 =	vand.u32 $0x1F80, v11  }
0x15c: {  	v9 =	vor.u32 v10, v11;
	_ =	sdelay $0x1  }
0x15d: {  	s30 =	simm.s32 $0x10;
	s31 =	sadd.s32 $0x10, s17  }
0x15e: {  	s19 =	sand.u32 $0xFF80, s31;
	s20 =	sand.u32 $0x70, s30;
	s18 =	simm.s32 $0x20;
	[tilespmem:v12+s15+$0x0] =	vst.idx.add.s32.msk vm1, v7  }
.LBB2_24:
0x15f: {  	p0 =	seq.s32 s18, $0x7FF0  }
0x160: {  	s19 =	sor.u32 s20, s19;
	[tilespmem:v9+s15+$0x0] =	vst.idx.add.s32.msk vm0, v7;
	s20 =	smov.u32 s18;
	s18 =	sadd.s32 $0x10, s18  }
0x161: {  	v9 =	vld [tilespmem:s19+$0x0];
	_ =	sdelay $0x4  }
0x162: {  	v10 =	vshra.s32 v9, $0x1F  }
0x163: {  	v10 =	vor.u32 $0x80000000, v10  }
0x164: {  	v9 =	vxor.u32 v9, v10  }
0x165: {  	v10 =	vshrl.u32 v9, $0x10;
	v9 =	vshrl.u32 v9, $0x18  }
0x166: {  	v11 =	vand.u32 $0xFF, v10  }
0x167: {  	v10 =	vand.u32 $0x7F, v10;
	v12 =	vor.u32 v4, v11;
	v11 =	vor.u32 v8, v11  }
0x168: {  	vm1 =	veq.s32 v9, v5;
	v12 =	vand.u32 $0xF80, v12;
	v11 =	vand.u32 $0x1F80, v11  }
0x169: {  	vm0 =	veq.s32 v9, v6;
	v12 =	vor.u32 v10, v12  }
.Ltmp11:
0x16a: {  	v9 =	vor.u32 v10, v11;
	(pc) =	sbr.rel @!p0 .LBB2_24-.Ltmp11, $3  }
0x16b: {  	_ =	sdelay $0x1  }
0x16c: {  	s19 =	sadd.s32 s20, s17  }
0x16d: {  	s20 =	sand.u32 $0x70, s20;
	s19 =	sand.u32 $0xFF80, s19;
	[tilespmem:v12+s15+$0x0] =	vst.idx.add.s32.msk vm1, v7  }
0x16e: {  	_ =	sdelay $0x4  }
0x16f: {  	s17 =	sor.u32 s20, s19;
	[tilespmem:v9+s15+$0x0] =	vst.idx.add.s32.msk vm0, v7  }
0x170: {  	v9 =	vld [tilespmem:s17+$0x0];
	_ =	sdelay $0x4  }
0x171: {  	v10 =	vshra.s32 v9, $0x1F  }
0x172: {  	v10 =	vor.u32 $0x80000000, v10  }
0x173: {  	v9 =	vxor.u32 v9, v10  }
0x174: {  	v10 =	vshrl.u32 v9, $0x10  }
0x175: {  	v11 =	vand.u32 $0xFF, v10  }
0x176: {  	v9 =	vshrl.u32 v9, $0x18;
	v10 =	vand.u32 $0x7F, v10;
	v12 =	vor.u32 v4, v11  }
0x177: {  	vm15 =	veq.s32 v9, v5;
	v11 =	vor.u32 v8, v11;
	v12 =	vand.u32 $0xF80, v12  }
0x178: {  	vm1 =	veq.s32 v9, v6;
	v11 =	vand.u32 $0x1F80, v11;
	v12 =	vor.u32 v10, v12  }
0x179: {  	p0 =	seq.s32 s16, $0x20;
	v9 =	vor.u32 v10, v11  }
.Ltmp12:
0x17a: {  	_ = 	snop;
	(pc) =	sbr.rel @!p0 .LBB2_23-.Ltmp12, $3  }
0x17b: {  	_ =	sdelay $0x1  }
0x17c: {  	[tilespmem:v12+s15+$0x0] =	vst.idx.add.s32.msk vm15, v7  }
0x17d: {  	[tilespmem:v9+s15+$0x0] =	vst.idx.add.s32.msk vm1, v7  }
0x17e: {  	s13 =	simm.s32 $0x0;
	s14 =	simm.s32 $0x0  }
0x17f: {  	s15 =	sand.u32 $0x80, s13;
	s16 =	sand.u32 $0x3FFFF000, s14  }
0x180: {  	s14 =	sand.u32 $0x70, s13;
	s31 =	sor.u32 s15, s16  }
0x181: {  	s13 =	sor.u32 s14, s31  }
0x182: {  	s17 =	sadd.s32 $0x10000, s13;
	v5 =	vld [tilespmem:s13+$0x10000]  }
0x183: {  	v4 =	vld [tilespmem:s17+$0x100]  }
0x184: {  	v6 =	vld [tilespmem:s17+$0x200]  }
0x185: {  	v7 =	vld [tilespmem:s17+$0x300]  }
0x186: {  	v8 =	vld [tilespmem:s17+$0x400]  }
0x187: {  	v9 =	vld [tilespmem:s17+$0x500]  }
0x188: {  	v4 =	vadd.s32 v5, v4;
	v5 =	vld [tilespmem:s17+$0x600]  }
0x189: {  	v4 =	vadd.s32 v4, v6;
	v6 =	vld [tilespmem:s17+$0x700]  }
0x18a: {  	v4 =	vadd.s32 v4, v7;
	v7 =	vld [tilespmem:s17+$0x800]  }
0x18b: {  	v4 =	vadd.s32 v4, v8;
	v8 =	vld [tilespmem:s17+$0x900]  }
0x18c: {  	v63 =	vld [tilespmem:s17+$0xA00];
	v4 =	vadd.s32 v4, v9  }
0x18d: {  	v4 =	vadd.s32 v4, v5;
	v5 =	vld [tilespmem:s17+$0xB00]  }
0x18e: {  	v4 =	vadd.s32 v4, v6;
	v6 =	vld [tilespmem:s17+$0xC00]  }
0x18f: {  	v4 =	vadd.s32 v4, v7  }
0x190: {  	v4 =	vadd.s32 v4, v8  }
0x191: {  	v7 =	vld [tilespmem:s17+$0xD00];
	v4 =	vadd.s32 v4, v63  }
0x192: {  	v5 =	vadd.s32 v4, v5;
	v4 =	vld [tilespmem:s17+$0xE00]  }
0x193: {  	v6 =	vadd.s32 v5, v6;
	v5 =	vld [tilespmem:s17+$0xF00]  }
0x194: {  	s18 =	simm.s32 $0x10;
	s19 =	simm.s32 $0x100;
	s20 =	simm.s32 $0x0  }
0x195: {  	s19 =	sand.u32 $0x3FFFF000, s19;
	s20 =	sand.u32 $0x3FFFFF00, s20;
	s16 =	sand.u32 $0x70, s18  }
0x196: {  	s18 =	sand.u32 $0x80, s18;
	s13 =	simm.s32 $0x1;
	s17 =	simm.s32 $0x20;
	v6 =	vadd.s32 v6, v7  }
.LBB2_27:
0x197: {  	p0 =	sne.s32 s17, $0x1F0;
	s19 =	sor.u32 s18, s19;
	v4 =	vadd.s32 v6, v4;
	s15 =	sor.u32 s15, s20  }
0x198: {  	s19 =	sor.u32 s16, s19;
	v4 =	vadd.s32 v4, v5;
	s15 =	sor.u32 s14, s15;
	s14 =	smov.u32 s16  }
0x199: {  	s20 =	smov.u32 s13;
	s16 =	sadd.s32 $0x10000, s19;
	[tilespmem:s15+$0x12000] =	vst v4;
	s15 =	smov.u32 s18  }
0x19a: {  	v4 =	vld [tilespmem:s16+$0x100]  }
0x19b: {  	v5 =	vld [tilespmem:s19+$0x10000]  }
0x19c: {  	v6 =	vld [tilespmem:s16+$0x200]  }
0x19d: {  	v7 =	vld [tilespmem:s16+$0x300]  }
0x19e: {  	v8 =	vld [tilespmem:s16+$0x400]  }
0x19f: {  	v9 =	vld [tilespmem:s16+$0x500]  }
0x1a0: {  	v4 =	vadd.s32 v5, v4;
	v5 =	vld [tilespmem:s16+$0x600]  }
0x1a1: {  	v4 =	vadd.s32 v4, v6;
	v6 =	vld [tilespmem:s16+$0x700]  }
0x1a2: {  	v4 =	vadd.s32 v4, v7;
	v7 =	vld [tilespmem:s16+$0x800]  }
0x1a3: {  	v4 =	vadd.s32 v4, v8;
	v8 =	vld [tilespmem:s16+$0x900]  }
0x1a4: {  	v4 =	vadd.s32 v4, v9;
	v9 =	vld [tilespmem:s16+$0xA00]  }
0x1a5: {  	v4 =	vadd.s32 v4, v5;
	v10 =	vld [tilespmem:s16+$0xB00]  }
0x1a6: {  	v4 =	vadd.s32 v4, v6;
	v6 =	vld [tilespmem:s16+$0xC00]  }
0x1a7: {  	v4 =	vadd.s32 v4, v7;
	v7 =	vld [tilespmem:s16+$0xD00]  }
.Ltmp13:
0x1a8: {  	v5 =	vadd.s32 v4, v8;
	v4 =	vld [tilespmem:s16+$0xE00];
	(pc) =	sbr.rel @p0 .LBB2_27-.Ltmp13, $4  }
0x1a9: {  	v8 =	vadd.s32 v5, v9;
	v5 =	vld [tilespmem:s16+$0xF00]  }
0x1aa: {  	s13 =	sadd.s32 $0x1, s13;
	s16 =	sand.u32 $0x70, s17;
	v8 =	vadd.s32 v8, v10  }
0x1ab: {  	s20 =	sshll.u32 s20, $0x4;
	s18 =	sand.u32 $0x80, s17;
	s19 =	sshll.u32 s13, $0x8;
	v6 =	vadd.s32 v8, v6  }
0x1ac: {  	s20 =	sand.u32 $0x3FFFFF00, s20;
	s19 =	sand.u32 $0x3FFFF000, s19;
	s17 =	sadd.s32 $0x10, s17;
	v6 =	vadd.s32 v6, v7  }
0x1ad: {  	s17 =	sor.u32 s18, s19;
	v4 =	vadd.s32 v6, v4;
	s15 =	sor.u32 s15, s20  }
0x1ae: {  	s17 =	sor.u32 s16, s17;
	v4 =	vadd.s32 v4, v5;
	s14 =	sor.u32 s14, s15  }
0x1af: {  	s30 =	sadd.s32 $0x10000, s17;
	[tilespmem:s14+$0x12000] =	vst v4  }
0x1b0: {  	v4 =	vld [tilespmem:s30+$0x100]  }
0x1b1: {  	v5 =	vld [tilespmem:s17+$0x10000]  }
0x1b2: {  	v55 =	vld [tilespmem:s30+$0x200]  }
0x1b3: {  	v7 =	vld [tilespmem:s30+$0x300]  }
0x1b4: {  	v8 =	vld [tilespmem:s30+$0x400]  }
0x1b5: {  	v9 =	vld [tilespmem:s30+$0x500]  }
0x1b6: {  	v4 =	vadd.s32 v5, v4;
	v5 =	vld [tilespmem:s30+$0x600]  }
0x1b7: {  	v56 =	vld [tilespmem:s30+$0x700];
	v4 =	vadd.s32 v4, v55  }
0x1b8: {  	v57 =	vld [tilespmem:s30+$0x800];
	v4 =	vadd.s32 v4, v7  }
0x1b9: {  	v58 =	vld [tilespmem:s30+$0x900];
	v4 =	vadd.s32 v4, v8  }
0x1ba: {  	v59 =	vld [tilespmem:s30+$0xA00];
	v4 =	vadd.s32 v4, v9  }
0x1bb: {  	v4 =	vadd.s32 v4, v5;
	v5 =	vld [tilespmem:s30+$0xB00]  }
0x1bc: {  	v60 =	vld [tilespmem:s30+$0xC00];
	v4 =	vadd.s32 v4, v56  }
0x1bd: {  	v61 =	vld [tilespmem:s30+$0xD00];
	v4 =	vadd.s32 v4, v57  }
0x1be: {  	v62 =	vld [tilespmem:s30+$0xE00];
	v4 =	vadd.s32 v4, v58  }
0x1bf: {  	v63 =	vld [tilespmem:s30+$0xF00];
	v4 =	vadd.s32 v4, v59  }
0x1c0: {  	v4 =	vadd.s32 v4, v5  }
0x1c1: {  	s13 =	sshll.u32 s13, $0x4;
	v4 =	vadd.s32 v4, v60  }
0x1c2: {  	s13 =	sand.u32 $0x3FFFFF00, s13;
	v4 =	vadd.s32 v4, v61  }
0x1c3: {  	s13 =	sor.u32 s18, s13;
	v4 =	vadd.s32 v4, v62  }
0x1c4: {  	s13 =	sor.u32 s16, s13;
	v4 =	vadd.s32 v4, v63  }
0x1c5: {  	[tilespmem:s13+$0x12000] =	vst v4  }
0x1c6: {  	s31 =	simm.s32 $0x12000;
	s13 =	simm.s32 $0x2;
	[bflag:$0x0] =	sbarrier.arrive $0xFFFF  }
0x1c7: {  	[spmem:s7] =	stream.linear.scatter [tilespmem:s31], [sflag:$0x2], $0x200, $0x38;
	[tilespmem:$0x129A0] =	vst v63  }
0x1c8: {  	_ =	swait.ge [sflag:s13], $0x200  }
0x1c9: {  	[sflag:s13] =	ssyncset.done $0x0  }
0x1ca: {  	[sflag:s13] =	ssyncadd.s32 $0xFFFFFE00  }
0x1cb: {  	v4 =	vimm.s32 $0x0;
	[bflag:$0x0] =	sbarrier.arrive $0xFFFF  }
0x1cc: {  	[tilespmem:$0x12200] =	vst v4  }
0x1cd: {  	[tilespmem:$0x12210] =	vst v4  }
0x1ce: {  	[tilespmem:$0x12220] =	vst v4  }
0x1cf: {  	[tilespmem:$0x12230] =	vst v4  }
0x1d0: {  	[tilespmem:$0x12240] =	vst v4  }
0x1d1: {  	[tilespmem:$0x12250] =	vst v4  }
0x1d2: {  	[tilespmem:$0x12260] =	vst v4  }
0x1d3: {  	[tilespmem:$0x12270] =	vst v4  }
0x1d4: {  	[tilespmem:$0x12280] =	vst v4  }
0x1d5: {  	[tilespmem:$0x12290] =	vst v4  }
0x1d6: {  	[tilespmem:$0x122A0] =	vst v4  }
0x1d7: {  	[tilespmem:$0x122B0] =	vst v4  }
0x1d8: {  	[tilespmem:$0x122C0] =	vst v4  }
0x1d9: {  	[tilespmem:$0x122D0] =	vst v4  }
0x1da: {  	[tilespmem:$0x122E0] =	vst v4  }
0x1db: {  	[tilespmem:$0x122F0] =	vst v4  }
0x1dc: {  	[tilespmem:$0x12300] =	vst v4  }
0x1dd: {  	[tilespmem:$0x12310] =	vst v4  }
0x1de: {  	[tilespmem:$0x12320] =	vst v4  }
0x1df: {  	[tilespmem:$0x12330] =	vst v4  }
0x1e0: {  	[tilespmem:$0x12340] =	vst v4  }
0x1e1: {  	[tilespmem:$0x12350] =	vst v4  }
0x1e2: {  	[tilespmem:$0x12360] =	vst v4  }
0x1e3: {  	[tilespmem:$0x12370] =	vst v4  }
0x1e4: {  	[tilespmem:$0x12380] =	vst v4  }
0x1e5: {  	[tilespmem:$0x12390] =	vst v4  }
0x1e6: {  	[tilespmem:$0x123A0] =	vst v4  }
0x1e7: {  	[tilespmem:$0x123B0] =	vst v4  }
0x1e8: {  	[tilespmem:$0x123C0] =	vst v4  }
0x1e9: {  	[tilespmem:$0x123D0] =	vst v4  }
0x1ea: {  	[tilespmem:$0x123E0] =	vst v4  }
0x1eb: {  	s15 =	simm.s32 $0x12400;
	s14 =	simm.s32 $0x0;
	[tilespmem:$0x123F0] =	vst v4  }
.LBB2_29:
0x1ec: {  	s16 =	sshll.u32 s14, $0x9  }
0x1ed: {  	s16 =	sand.u32 $0x3FFFFE00, s16  }
0x1ee: {  	s16 =	sadd.s32 s16, s4  }
0x1ef: {  	[tilespmem:s15], [sflag:$0x2] =	stream.linear.gather [spmem:s16], $0x200, $0x38;
	[tilespmem:$0x129A0] =	vst v63  }
0x1f0: {  	_ =	swait.ge [sflag:s13], $0x200  }
0x1f1: {  	[sflag:s13] =	ssyncset.done $0x0  }
0x1f2: {  	s16 =	simm.s32 $0x0;
	[sflag:s13] =	ssyncadd.s32 $0xFFFFFE00  }
0x1f3: {  	s17 =	simm.s32 $0x40;
	v4 =	vld [tilespmem:s16+$0x12400]  }
.LBB2_30:
0x1f4: {  	p0 =	sne.s32 s17, $0x7C0;
	v5 =	vld [tilespmem:s16+$0x12200];
	_ =	sdelay $0x1  }
.Ltmp14:
0x1f5: {  	(pc) =	sbr.rel @p0 .LBB2_30-.Ltmp14, $3  }
0x1f6: {  	_ =	sdelay $0x1  }
0x1f7: {  	s18 =	sshra.s32 s17, $0x2;
	v5 =	vadd.s32 v5, v4  }
0x1f8: {  	s17 =	sadd.s32 $0x40, s17;
	v4 =	vld [tilespmem:s18+$0x12400];
	[tilespmem:s16+$0x12200] =	vst v5;
	s16 =	smov.u32 s18  }
0x1f9: {  	v5 =	vld [tilespmem:s16+$0x12200];
	s14 =	sadd.s32 $0x1, s14  }
0x1fa: {  	p0 =	sne.s32 s14, $0x10  }
.Ltmp15:
0x1fb: {  	_ = 	snop;
	(pc) =	sbr.rel @p0 .LBB2_29-.Ltmp15, $3  }
0x1fc: {  	_ =	sdelay $0x1  }
0x1fd: {  	v4 =	vadd.s32 v5, v4  }
0x1fe: {  	[tilespmem:s16+$0x12200] =	vst v4  }
0x1ff: {  	v4 =	vmov s10;
	v5 =	vlaneseq.u32;
	s26 =	simm.s32 $0x12200  }
0x200: {  	vm0 =	veq.s32 v4, v5;
	v62 =	vld [tilespmem:s26+$0x0]  }
0x201: {  	v1 =	vnsel vm0, $0x0, v1  }
0x202: {  	(xrf0) =	vadd.scan.msk.s32 $0xffff, v1  }
0x203: {  	v1 =	vnsel vm0, $0x0, v3  }
0x204: {  	(xrf0) =	vadd.scan.msk.s32 $0xffff, v1  }
0x205: {  	(xrf0) =	vadd.scan.msk.s32 $0xffff, v62;
	_ =	sdelay $0x2  }
0x206: {  	v1, _, _ =	vpop (xrf0)  }
0x207: {  	(v2sf) =	vpush v1, $0xF  }
0x208: {  	v1, _, _ =	vpop (xrf0)  }
0x209: {  	s28 =	simm.s32 $0x12210;
	(v2sf) =	vpush v1, $0xF;
	v1, _, _ =	vpop (xrf0)  }
0x20a: {  	(v2sf) =	vpush v1, $0xF;
	v1 =	vld [tilespmem:s28+$0x0]  }
0x20b: {  	s29 =	simm.s32 $0x12220  }
0x20c: {  	v3 =	vld [tilespmem:s29+$0x0];
	_ =	sdelay $0x2  }
0x20d: {  	(xrf0) =	vadd.scan.msk.s32 $0xffff, v1;
	_ =	sdelay $0x1  }
0x20e: {  	(xrf0) =	vadd.scan.msk.s32 $0xffff, v3;
	_ =	sdelay $0x2  }
0x20f: {  	s30 =	simm.s32 $0x12230  }
0x210: {  	v63 =	vld [tilespmem:s30+$0x0];
	v3, _, _ =	vpop (xrf0)  }
0x211: {  	s31 =	spop (v2sf);
	(v2sf) =	vpush v3, $0xF  }
0x212: {  	v3, _, _ =	vpop (xrf0)  }
0x213: {  	s13 =	spop (v2sf);
	(v2sf) =	vpush v3, $0xF;
	_ =	sdelay $0x1  }
0x214: {  	s14 =	simm.s32 $0x12240;
	(xrf0) =	vadd.scan.msk.s32 $0xffff, v63  }
0x215: {  	s21 =	simm.s32 $0x1;
	v1 =	vld [tilespmem:s14+$0x0]  }
0x216: {  	s19 =	simm.s32 $0x2;
	s20 =	simm.s32 $0x3;
	s15 =	simm.s32 $0x4  }
0x217: {  	s22 =	simm.s32 $0x5;
	s24 =	simm.s32 $0x12250;
	s18 =	simm.s32 $0x0  }
0x218: {  	s23 =	simm.s32 $0x0;
	s10 =	ssub.s32 s13, s31;
	s16 =	spop (v2sf)  }
0x219: {  	s14 =	simm.s32 $0x0;
	s13 =	ssub.s32 $0x4189, s10;
	s17 =	sadd.s32 $0x0, s16  }
0x21a: {  	(xrf0) =	vadd.scan.msk.s32 $0xffff, v1;
	v1, _, _ =	vpop (xrf0);
	p1 =	sgt.s32 s13, $0x0;
	s16 =	simm.s32 $0x0;
	p2 =	sge.s32 s17, s13  }
.LBB2_33:
0x21b: {  	p0 =	sne.s32 s22, $0xF;
	p1 =	por !p1, !p2;
	s25 =	smov.u32 s22  }
0x21c: {  	v3 =	vld [tilespmem:s24+$0x0];
	(v2sf) =	vpush v1, $0xF;
	s22 =	sadd.s32 $0x1, s22;
	s26 =	smov.u32 s18;
	s18 =	smov.u32 s17  }
.Ltmp16:
0x21d: {  	p1 =	por !p1, !p1;
	(pc) =	sbr.rel @p0 .LBB2_33-.Ltmp16, $4  }
0x21e: {  	s14 =	smov.u32 @p1 s23;
	s16 =	smov.u32 @p1 s26;
	s23 =	smov.u32 s21  }
0x21f: {  	s21 =	smov.u32 s19;
	s19 =	smov.u32 s20;
	s26 =	spop (v2sf)  }
0x220: {  	s20 =	smov.u32 s15;
	s15 =	smov.u32 s25;
	s17 =	sadd.s32 s17, s26  }
0x221: {  	s24 =	sadd.s32 $0x10, s24;
	p1 =	slt.s32 s18, s13;
	(xrf0) =	vadd.scan.msk.s32 $0xffff, v3;
	v1, _, _ =	vpop (xrf0);
	p2 =	sge.s32 s17, s13  }
0x222: {  	_ =	sdelay $0x4  }
0x223: {  	(v2sf) =	vpush v1, $0xF;
	v1, _, _ =	vpop (xrf0)  }
0x224: {  	(v2sf) =	vpush v1, $0xF;
	_ =	sdelay $0x7  }
0x225: {  	s22 =	spop (v2sf)  }
0x226: {  	s22 =	sadd.s32 s17, s22  }
0x227: {  	p0 =	por !p1, !p2;
	p2 =	slt.s32 s17, s13;
	p3 =	sge.s32 s22, s13  }
0x228: {  	p0 =	por !p0, !p0;
	p1 =	por !p2, !p3  }
0x229: {  	s14 =	smov.u32 @p0 s23;
	p1 =	por !p1, !p1;
	s24 =	spop (v2sf)  }
0x22a: {  	p4 =	slt.s32 s22, s13;
	s14 =	smov.u32 @p1 s21;
	s23 =	sadd.s32 s22, s24  }
0x22b: {  	p3 =	sge.s32 s23, s13;
	p5 =	slt.s32 s23, s13;
	s30 =	spop (v2sf)  }
0x22c: {  	p2 =	por !p4, !p3;
	s21 =	sadd.s32 s23, s30;
	s31 =	spop (v2sf)  }
0x22d: {  	p2 =	por !p2, !p2;
	p4 =	sge.s32 s21, s13;
	s24 =	sadd.s32 s21, s31  }
0x22e: {  	p6 =	slt.s32 s21, s13;
	p3 =	por !p5, !p4;
	p5 =	sge.s32 s24, s13  }
0x22f: {  	s14 =	smov.u32 @p2 s19;
	p4 =	por !p3, !p3;
	p5 =	por !p6, !p5  }
0x230: {  	v3 =	vlaneseq.u32;
	v1 =	vmov s9;
	s14 =	smov.u32 @p4 s20;
	p3 =	por !p5, !p5  }
0x231: {  	vm0 =	veq.s32 v1, v3;
	s14 =	smov.u32 @p3 s15  }
0x232: {  	v0 =	vnsel vm0, $0x0, v0;
	s15 =	sshll.u32 s14, $0x4;
	s14 =	simm.s32 $0x0  }
0x233: {  	v1 =	vnsel vm0, $0x0, v2;
	(xrf0) =	vadd.scan.msk.s32 $0xffff, v0;
	v0 =	vld [tilespmem:s15+$0x12200];
	s20 =	sand.u32 $0xF0, s14  }
0x234: {  	(xrf0) =	vadd.scan.msk.s32 $0xffff, v1;
	v1 =	vld [tilespmem:s20+$0x12300];
	_ =	sdelay $0x3  }
0x235: {  	(xrf0) =	vadd.scan.msk.s32 $0xffff, v0  }
0x236: {  	v2, _, _ =	vpop (xrf0);
	(xrf0) =	vadd.scan.msk.s32 $0xffff, v1;
	_ =	sdelay $0x3  }
0x237: {  	(v2sf) =	vpush v2, $0xF;
	v1, _, _ =	vpop (xrf0)  }
0x238: {  	s24 =	simm.s32 $0x10;
	(v2sf) =	vpush v1, $0xF;
	v1, _, _ =	vpop (xrf0)  }
0x239: {  	s25 =	simm.s32 $0x20;
	s9 =	sand.u32 $0xF0, s24;
	v2, _, _ =	vpop (xrf0)  }
0x23a: {  	s26 =	sand.u32 $0xF0, s25;
	(v2sf) =	vpush v2, $0xF;
	v2 =	vld [tilespmem:s9+$0x12300]  }
0x23b: {  	v3 =	vld [tilespmem:s26+$0x12300];
	_ =	sdelay $0x3  }
0x23c: {  	(xrf0) =	vadd.scan.msk.s32 $0xffff, v2  }
0x23d: {  	(xrf0) =	vadd.scan.msk.s32 $0xffff, v3  }
0x23e: {  	s16 =	smov.u32 @p0 s18  }
0x23f: {  	s16 =	smov.u32 @p1 s17  }
0x240: {  	s16 =	smov.u32 @p2 s22  }
0x241: {  	s16 =	smov.u32 @p4 s23  }
0x242: {  	s16 =	smov.u32 @p3 s21;
	v4, _, _ =	vpop (xrf0)  }
0x243: {  	s30 =	simm.s32 $0x30;
	s29 =	spop (v2sf);
	v3 =	vadd.s32 s16, v1;
	(v2sf) =	vpush v4, $0xF;
	v1, _, _ =	vpop (xrf0)  }
0x244: {  	s17 =	sand.u32 $0xF0, s30;
	s31 =	spop (v2sf);
	(v2sf) =	vpush v1, $0xF  }
0x245: {  	v2 =	vld [tilespmem:s17+$0x12300];
	_ =	sdelay $0x1  }
0x246: {  	s25 =	simm.s32 $0x5;
	s22 =	simm.s32 $0x40  }
0x247: {  	s18 =	simm.s32 $0x2;
	s19 =	simm.s32 $0x3;
	s26 =	sand.u32 $0xF0, s22  }
0x248: {  	s23 =	simm.s32 $0x0;
	s24 =	simm.s32 $0x0;
	s21 =	simm.s32 $0x1  }
0x249: {  	s20 =	simm.s32 $0x0;
	s16 =	simm.s32 $0x4;
	vm15 =	vge.s32 v3, s13;
	s9 =	ssub.s32 s31, s29;
	(xrf0) =	vadd.scan.msk.s32 $0xffff, v2  }
0x24a: {  	s13 =	simm.s32 $0x0;
	s17 =	ssub.s32 $0xFFBE76, s9;
	v4 =	vmctz.xlane vm15;
	s28 =	spop (v2sf)  }
.LBB2_35:
0x24b: {  	p0 =	sne.s32 s25, $0xF;
	v1 =	vld [tilespmem:s26+$0x12300];
	s23 =	sadd.s32 s23, s28;
	s26 =	smov.u32 s18  }
0x24c: {  	p1 =	slt.s32 s20, s17;
	s18 =	smov.u32 s19;
	p2 =	sge.s32 s23, s17  }
.Ltmp17:
0x24d: {  	s19 =	smov.u32 s16;
	p1 =	por !p1, !p2;
	(pc) =	sbr.rel @p0 .LBB2_35-.Ltmp17, $4  }
0x24e: {  	s16 =	smov.u32 s25;
	p1 =	por !p1, !p1  }
0x24f: {  	v2, _, _ =	vpop (xrf0);
	s14 =	smov.u32 @p1 s24;
	s13 =	smov.u32 @p1 s20;
	s20 =	smov.u32 s23  }
0x250: {  	s22 =	sadd.s32 $0x10, s22;
	s24 =	smov.u32 s21;
	s21 =	smov.u32 s26;
	(xrf0) =	vadd.scan.msk.s32 $0xffff, v1;
	(v2sf) =	vpush v2, $0xF  }
0x251: {  	s25 =	sadd.s32 $0x1, s25;
	s26 =	sand.u32 $0xF0, s22;
	s28 =	spop (v2sf)  }
0x252: {  	_ = 	snop  }
0x253: {  	v1 =	vld [tilespmem:s26+$0x12300];
	_ =	sdelay $0x4  }
0x254: {  	(xrf0) =	vadd.scan.msk.s32 $0xffff, v1;
	_ =	sdelay $0x4  }
0x255: {  	v1, _, _ =	vpop (xrf0)  }
0x256: {  	(v2sf) =	vpush v1, $0xF;
	v1, _, _ =	vpop (xrf0)  }
0x257: {  	(v2sf) =	vpush v1, $0xF;
	_ =	sdelay $0x7  }
0x258: {  	s22 =	sadd.s32 s23, s28;
	s29 =	spop (v2sf)  }
0x259: {  	p0 =	slt.s32 s20, s17;
	p1 =	sge.s32 s22, s17;
	s23 =	sadd.s32 s22, s29  }
0x25a: {  	p3 =	slt.s32 s22, s17;
	p0 =	por !p0, !p1;
	p2 =	sge.s32 s23, s17  }
0x25b: {  	p0 =	por !p0, !p0;
	p1 =	por !p3, !p2  }
0x25c: {  	s14 =	smov.u32 @p0 s24;
	p1 =	por !p1, !p1;
	s25 =	spop (v2sf)  }
0x25d: {  	p4 =	slt.s32 s23, s17;
	s14 =	smov.u32 @p1 s21;
	s24 =	sadd.s32 s23, s25  }
0x25e: {  	p3 =	sge.s32 s24, s17;
	p5 =	slt.s32 s24, s17;
	s30 =	spop (v2sf)  }
0x25f: {  	p2 =	por !p4, !p3;
	s21 =	sadd.s32 s24, s30;
	s31 =	spop (v2sf)  }
0x260: {  	p2 =	por !p2, !p2;
	p4 =	sge.s32 s21, s17;
	s25 =	sadd.s32 s21, s31  }
0x261: {  	p6 =	slt.s32 s21, s17;
	p3 =	por !p5, !p4;
	p5 =	sge.s32 s25, s17  }
0x262: {  	s14 =	smov.u32 @p2 s18;
	p3 =	por !p3, !p3;
	p4 =	por !p6, !p5  }
0x263: {  	s14 =	smov.u32 @p3 s19;
	p4 =	por !p4, !p4  }
0x264: {  	s14 =	smov.u32 @p4 s16  }
0x265: {  	s16 =	sshll.u32 s14, $0x4  }
0x266: {  	s14 =	sand.u32 $0xF0, s16  }
0x267: {  	v1 =	vld [tilespmem:s14+$0x12300];
	_ =	sdelay $0x4  }
0x268: {  	(xrf0) =	vadd.scan.msk.s32 $0xffff, v1;
	_ =	sdelay $0x1  }
0x269: {  	s13 =	smov.u32 @p0 s20  }
0x26a: {  	s13 =	smov.u32 @p1 s22  }
0x26b: {  	s13 =	smov.u32 @p2 s23  }
0x26c: {  	s13 =	smov.u32 @p3 s24  }
0x26d: {  	s13 =	smov.u32 @p4 s21;
	v2, _, _ =	vpop (xrf0)  }
0x26e: {  	v2 =	vadd.s32 s13, v2  }
0x26f: {  	vm0 =	vge.s32 v2, s17  }
0x270: {  	v5 =	vimm.s32 $0x0;
	s13 =	simm.s32 $0x40;
	s17 =	simm.s32 $0x0;
	v6 =	vmctz.xlane vm0  }
.LBB2_37:
0x271: {  	p0 =	sne.s32 s13, $0x7FC0;
	[tilespmem:s17+$0x10000] =	vst v5;
	s14 =	smov.u32 s13;
	s13 =	sadd.s32 $0x40, s13  }
.Ltmp18:
0x272: {  	(pc) =	sbr.rel @p0 .LBB2_37-.Ltmp18, $2  }
0x273: {  	_ =	sdelay $0x2  }
0x274: {  	s17 =	sshra.s32 s14, $0x2  }
0x275: {  	v4 =	vxor.u32 $0x80000000, v4  }
0x276: {  	(xrf0) =	vmax.scan.msk.u32 $0xffff, v4;
	v4 =	vxor.u32 $0x80000000, v6  }
0x277: {  	(xrf0) =	vmax.scan.msk.u32 $0xffff, v4;
	_ =	sdelay $0x4  }
0x278: {  	v4, _, _ =	vpop (xrf0)  }
0x279: {  	(v2sf) =	vpush v4, $0xF;
	v4, _, _ =	vpop (xrf0)  }
0x27a: {  	(v2sf) =	vpush v4, $0xF;
	_ =	sdelay $0xd  }
0x27b: {  	s13 =	spop (v2sf)  }
0x27c: {  	s11 =	sshll.u32 s11, $0x8;
	s18 =	spop (v2sf);
	s14 =	sxor.u32 $0x80000000, s13  }
0x27d: {  	s12 =	sshll.u32 s12, $0x8;
	s13 =	sxor.u32 $0x80000000, s18;
	s15 =	sadd.s32 s15, s14  }
0x27e: {  	[tilespmem:s17+$0x10000] =	vst v5;
	v4 =	vlaneseq.u32;
	s16 =	sadd.s32 s16, s13;
	s11 =	sor.u32 s11, s15;
	s15 =	simm.s32 $0x0  }
0x27f: {  	v4 =	vmul.u32 $0x100, v4;
	[tilespmem:s15], [sflag:$0x1] =	stream.linear.gather [hbm4b:s8+s15], $0x8000, $0x38;
	[tilespmem:$0x129A0] =	vst v63  }
0x280: {  	v7 =	vimm.s32 $0x1;
	s12 =	sor.u32 s12, s16  }
0x281: {  	s17 =	simm.s32 $0x10000;
	v8 =	vor.u32 $0x1000, v4;
	s18 =	simm.s32 $0x0;
	v5 =	vmov s11;
	s16 =	simm.s32 $0x1;
	v6 =	vmov s12  }
.LBB2_39:
0x282: {  	s19 =	smov.u32 s18  }
0x283: {  	s18 =	sadd.s32 $0x1, s18;
	p0 =	seq.s32 s19, $0x1F  }
0x284: {  	s20 =	sshll.u32 @!p0 s18, $0xF  }
0x285: {  	s19 =	sshll.u32 @!p0 s19, $0xF;
	s20 =	sadd.s32 @!p0 s6, s20  }
0x286: {  	s22 =	simm.s32 @!p0 $0x0;
	s21 =	sxor.u32 @!p0 $0xFFFFFFFF, s19;
	s20 =	sshrl.u32 @!p0 s20, $0x3  }
0x287: {  	s19 =	simm.s32 @p0 $0xF8000;
	s21 =	sand.u32 @!p0 $0x8000, s21;
	s20 =	sadd.s32 @!p0 s5, s20  }
0x288: {  	[tilespmem:s21], [sflag:$0x1] =	stream.linear.gather @!p0 [hbm4b:s20+s22], $0x8000, $0x38;
	[tilespmem:$0x129A0] =	vst v63  }
0x289: {  	s28 =	sadd.s32 $0x0, s19;
	_ =	swait.ge [sflag:s16], $0x8000  }
0x28a: {  	s29 =	sand.u32 $0x70, s15;
	s20 =	sand.u32 $0xFF80, s28;
	[sflag:s16] =	ssyncset.done $0x0  }
0x28b: {  	s20 =	sor.u32 s29, s20;
	[sflag:s16] =	ssyncadd.s32 $0xFFFF8000  }
0x28c: {  	v9 =	vld [tilespmem:s20+$0x0];
	_ =	sdelay $0x4  }
0x28d: {  	v10 =	vshra.s32 v9, $0x1F  }
0x28e: {  	v10 =	vor.u32 $0x80000000, v10  }
0x28f: {  	v9 =	vxor.u32 v9, v10  }
0x290: {  	v10 =	vshrl.u32 v9, $0x8  }
0x291: {  	v11 =	vand.u32 $0xFF, v10  }
0x292: {  	v9 =	vshrl.u32 v9, $0x10;
	v12 =	vor.u32 v4, v11  }
0x293: {  	v10 =	vand.u32 $0x7F, v10;
	vm1 =	veq.s32 v9, v5;
	v12 =	vand.u32 $0xF80, v12  }
0x294: {  	v11 =	vor.u32 v8, v11;
	v12 =	vor.u32 v10, v12  }
0x295: {  	vm0 =	veq.s32 v9, v6;
	v11 =	vand.u32 $0x1F80, v11  }
0x296: {  	v9 =	vor.u32 v10, v11;
	_ =	sdelay $0x1  }
0x297: {  	s30 =	simm.s32 $0x10;
	s31 =	sadd.s32 $0x10, s19  }
0x298: {  	s21 =	sand.u32 $0xFF80, s31;
	s22 =	sand.u32 $0x70, s30;
	s20 =	simm.s32 $0x20;
	[tilespmem:v12+s17+$0x0] =	vst.idx.add.s32.msk vm1, v7  }
.LBB2_40:
0x299: {  	p0 =	seq.s32 s20, $0x7FF0  }
0x29a: {  	s21 =	sor.u32 s22, s21;
	[tilespmem:v9+s17+$0x0] =	vst.idx.add.s32.msk vm0, v7;
	s22 =	smov.u32 s20;
	s20 =	sadd.s32 $0x10, s20  }
0x29b: {  	v9 =	vld [tilespmem:s21+$0x0];
	_ =	sdelay $0x4  }
0x29c: {  	v10 =	vshra.s32 v9, $0x1F  }
0x29d: {  	v10 =	vor.u32 $0x80000000, v10  }
0x29e: {  	v9 =	vxor.u32 v9, v10  }
0x29f: {  	v10 =	vshrl.u32 v9, $0x8;
	v9 =	vshrl.u32 v9, $0x10  }
0x2a0: {  	v11 =	vand.u32 $0xFF, v10  }
0x2a1: {  	v10 =	vand.u32 $0x7F, v10;
	v12 =	vor.u32 v4, v11;
	v11 =	vor.u32 v8, v11  }
0x2a2: {  	vm1 =	veq.s32 v9, v5;
	v12 =	vand.u32 $0xF80, v12;
	v11 =	vand.u32 $0x1F80, v11  }
0x2a3: {  	vm0 =	veq.s32 v9, v6;
	v12 =	vor.u32 v10, v12  }
.Ltmp19:
0x2a4: {  	v9 =	vor.u32 v10, v11;
	(pc) =	sbr.rel @!p0 .LBB2_40-.Ltmp19, $3  }
0x2a5: {  	_ =	sdelay $0x1  }
0x2a6: {  	s21 =	sadd.s32 s22, s19  }
0x2a7: {  	s22 =	sand.u32 $0x70, s22;
	s21 =	sand.u32 $0xFF80, s21;
	[tilespmem:v12+s17+$0x0] =	vst.idx.add.s32.msk vm1, v7  }
0x2a8: {  	_ =	sdelay $0x4  }
0x2a9: {  	s19 =	sor.u32 s22, s21;
	[tilespmem:v9+s17+$0x0] =	vst.idx.add.s32.msk vm0, v7  }
0x2aa: {  	v9 =	vld [tilespmem:s19+$0x0];
	_ =	sdelay $0x4  }
0x2ab: {  	v10 =	vshra.s32 v9, $0x1F  }
0x2ac: {  	v10 =	vor.u32 $0x80000000, v10  }
0x2ad: {  	v9 =	vxor.u32 v9, v10  }
0x2ae: {  	v10 =	vshrl.u32 v9, $0x8  }
0x2af: {  	v11 =	vand.u32 $0xFF, v10  }
0x2b0: {  	v9 =	vshrl.u32 v9, $0x10;
	v10 =	vand.u32 $0x7F, v10;
	v12 =	vor.u32 v4, v11  }
0x2b1: {  	vm15 =	veq.s32 v9, v5;
	v11 =	vor.u32 v8, v11;
	v12 =	vand.u32 $0xF80, v12  }
0x2b2: {  	vm1 =	veq.s32 v9, v6;
	v11 =	vand.u32 $0x1F80, v11;
	v12 =	vor.u32 v10, v12  }
0x2b3: {  	p0 =	seq.s32 s18, $0x20;
	v9 =	vor.u32 v10, v11  }
.Ltmp20:
0x2b4: {  	_ = 	snop;
	(pc) =	sbr.rel @!p0 .LBB2_39-.Ltmp20, $3  }
0x2b5: {  	_ =	sdelay $0x1  }
0x2b6: {  	[tilespmem:v12+s17+$0x0] =	vst.idx.add.s32.msk vm15, v7  }
0x2b7: {  	[tilespmem:v9+s17+$0x0] =	vst.idx.add.s32.msk vm1, v7  }
0x2b8: {  	s15 =	simm.s32 $0x0;
	s16 =	simm.s32 $0x0  }
0x2b9: {  	s17 =	sand.u32 $0x80, s15;
	s18 =	sand.u32 $0x3FFFF000, s16  }
0x2ba: {  	s16 =	sand.u32 $0x70, s15;
	s31 =	sor.u32 s17, s18  }
0x2bb: {  	s15 =	sor.u32 s16, s31  }
0x2bc: {  	s19 =	sadd.s32 $0x10000, s15;
	v5 =	vld [tilespmem:s15+$0x10000]  }
0x2bd: {  	v4 =	vld [tilespmem:s19+$0x100]  }
0x2be: {  	v6 =	vld [tilespmem:s19+$0x200]  }
0x2bf: {  	v7 =	vld [tilespmem:s19+$0x300]  }
0x2c0: {  	v8 =	vld [tilespmem:s19+$0x400]  }
0x2c1: {  	v9 =	vld [tilespmem:s19+$0x500]  }
0x2c2: {  	v4 =	vadd.s32 v5, v4;
	v5 =	vld [tilespmem:s19+$0x600]  }
0x2c3: {  	v4 =	vadd.s32 v4, v6;
	v6 =	vld [tilespmem:s19+$0x700]  }
0x2c4: {  	v4 =	vadd.s32 v4, v7;
	v7 =	vld [tilespmem:s19+$0x800]  }
0x2c5: {  	v4 =	vadd.s32 v4, v8;
	v8 =	vld [tilespmem:s19+$0x900]  }
0x2c6: {  	v63 =	vld [tilespmem:s19+$0xA00];
	v4 =	vadd.s32 v4, v9  }
0x2c7: {  	v4 =	vadd.s32 v4, v5;
	v5 =	vld [tilespmem:s19+$0xB00]  }
0x2c8: {  	v4 =	vadd.s32 v4, v6;
	v6 =	vld [tilespmem:s19+$0xC00]  }
0x2c9: {  	v4 =	vadd.s32 v4, v7  }
0x2ca: {  	v4 =	vadd.s32 v4, v8  }
0x2cb: {  	v7 =	vld [tilespmem:s19+$0xD00];
	v4 =	vadd.s32 v4, v63  }
0x2cc: {  	v5 =	vadd.s32 v4, v5;
	v4 =	vld [tilespmem:s19+$0xE00]  }
0x2cd: {  	v6 =	vadd.s32 v5, v6;
	v5 =	vld [tilespmem:s19+$0xF00]  }
0x2ce: {  	s20 =	simm.s32 $0x10;
	s21 =	simm.s32 $0x100;
	s22 =	simm.s32 $0x0  }
0x2cf: {  	s21 =	sand.u32 $0x3FFFF000, s21;
	s22 =	sand.u32 $0x3FFFFF00, s22;
	s18 =	sand.u32 $0x70, s20  }
0x2d0: {  	s20 =	sand.u32 $0x80, s20;
	s15 =	simm.s32 $0x1;
	s19 =	simm.s32 $0x20;
	v6 =	vadd.s32 v6, v7  }
.LBB2_43:
0x2d1: {  	p0 =	sne.s32 s19, $0x1F0;
	s21 =	sor.u32 s20, s21;
	v4 =	vadd.s32 v6, v4;
	s17 =	sor.u32 s17, s22  }
0x2d2: {  	s21 =	sor.u32 s18, s21;
	v4 =	vadd.s32 v4, v5;
	s17 =	sor.u32 s16, s17;
	s16 =	smov.u32 s18  }
0x2d3: {  	s22 =	smov.u32 s15;
	s18 =	sadd.s32 $0x10000, s21;
	[tilespmem:s17+$0x12000] =	vst v4;
	s17 =	smov.u32 s20  }
0x2d4: {  	v4 =	vld [tilespmem:s18+$0x100]  }
0x2d5: {  	v5 =	vld [tilespmem:s21+$0x10000]  }
0x2d6: {  	v6 =	vld [tilespmem:s18+$0x200]  }
0x2d7: {  	v7 =	vld [tilespmem:s18+$0x300]  }
0x2d8: {  	v8 =	vld [tilespmem:s18+$0x400]  }
0x2d9: {  	v9 =	vld [tilespmem:s18+$0x500]  }
0x2da: {  	v4 =	vadd.s32 v5, v4;
	v5 =	vld [tilespmem:s18+$0x600]  }
0x2db: {  	v4 =	vadd.s32 v4, v6;
	v6 =	vld [tilespmem:s18+$0x700]  }
0x2dc: {  	v4 =	vadd.s32 v4, v7;
	v7 =	vld [tilespmem:s18+$0x800]  }
0x2dd: {  	v4 =	vadd.s32 v4, v8;
	v8 =	vld [tilespmem:s18+$0x900]  }
0x2de: {  	v4 =	vadd.s32 v4, v9;
	v9 =	vld [tilespmem:s18+$0xA00]  }
0x2df: {  	v4 =	vadd.s32 v4, v5;
	v10 =	vld [tilespmem:s18+$0xB00]  }
0x2e0: {  	v4 =	vadd.s32 v4, v6;
	v6 =	vld [tilespmem:s18+$0xC00]  }
0x2e1: {  	v4 =	vadd.s32 v4, v7;
	v7 =	vld [tilespmem:s18+$0xD00]  }
.Ltmp21:
0x2e2: {  	v5 =	vadd.s32 v4, v8;
	v4 =	vld [tilespmem:s18+$0xE00];
	(pc) =	sbr.rel @p0 .LBB2_43-.Ltmp21, $4  }
0x2e3: {  	v8 =	vadd.s32 v5, v9;
	v5 =	vld [tilespmem:s18+$0xF00]  }
0x2e4: {  	s15 =	sadd.s32 $0x1, s15;
	s18 =	sand.u32 $0x70, s19;
	v8 =	vadd.s32 v8, v10  }
0x2e5: {  	s22 =	sshll.u32 s22, $0x4;
	s20 =	sand.u32 $0x80, s19;
	s21 =	sshll.u32 s15, $0x8;
	v6 =	vadd.s32 v8, v6  }
0x2e6: {  	s22 =	sand.u32 $0x3FFFFF00, s22;
	s21 =	sand.u32 $0x3FFFF000, s21;
	s19 =	sadd.s32 $0x10, s19;
	v6 =	vadd.s32 v6, v7  }
0x2e7: {  	s19 =	sor.u32 s20, s21;
	v4 =	vadd.s32 v6, v4;
	s17 =	sor.u32 s17, s22  }
0x2e8: {  	s19 =	sor.u32 s18, s19;
	v4 =	vadd.s32 v4, v5;
	s16 =	sor.u32 s16, s17  }
0x2e9: {  	s30 =	sadd.s32 $0x10000, s19;
	[tilespmem:s16+$0x12000] =	vst v4  }
0x2ea: {  	v4 =	vld [tilespmem:s30+$0x100]  }
0x2eb: {  	v5 =	vld [tilespmem:s19+$0x10000]  }
0x2ec: {  	v55 =	vld [tilespmem:s30+$0x200]  }
0x2ed: {  	v7 =	vld [tilespmem:s30+$0x300]  }
0x2ee: {  	v8 =	vld [tilespmem:s30+$0x400]  }
0x2ef: {  	v9 =	vld [tilespmem:s30+$0x500]  }
0x2f0: {  	v4 =	vadd.s32 v5, v4;
	v5 =	vld [tilespmem:s30+$0x600]  }
0x2f1: {  	v56 =	vld [tilespmem:s30+$0x700];
	v4 =	vadd.s32 v4, v55  }
0x2f2: {  	v57 =	vld [tilespmem:s30+$0x800];
	v4 =	vadd.s32 v4, v7  }
0x2f3: {  	v58 =	vld [tilespmem:s30+$0x900];
	v4 =	vadd.s32 v4, v8  }
0x2f4: {  	v59 =	vld [tilespmem:s30+$0xA00];
	v4 =	vadd.s32 v4, v9  }
0x2f5: {  	v4 =	vadd.s32 v4, v5;
	v5 =	vld [tilespmem:s30+$0xB00]  }
0x2f6: {  	v60 =	vld [tilespmem:s30+$0xC00];
	v4 =	vadd.s32 v4, v56  }
0x2f7: {  	v61 =	vld [tilespmem:s30+$0xD00];
	v4 =	vadd.s32 v4, v57  }
0x2f8: {  	v62 =	vld [tilespmem:s30+$0xE00];
	v4 =	vadd.s32 v4, v58  }
0x2f9: {  	v63 =	vld [tilespmem:s30+$0xF00];
	v4 =	vadd.s32 v4, v59  }
0x2fa: {  	v4 =	vadd.s32 v4, v5  }
0x2fb: {  	s15 =	sshll.u32 s15, $0x4;
	v4 =	vadd.s32 v4, v60  }
0x2fc: {  	s15 =	sand.u32 $0x3FFFFF00, s15;
	v4 =	vadd.s32 v4, v61  }
0x2fd: {  	s15 =	sor.u32 s20, s15;
	v4 =	vadd.s32 v4, v62  }
0x2fe: {  	s15 =	sor.u32 s18, s15;
	v4 =	vadd.s32 v4, v63  }
0x2ff: {  	[tilespmem:s15+$0x12000] =	vst v4  }
0x300: {  	s31 =	simm.s32 $0x12000;
	s15 =	simm.s32 $0x2;
	[bflag:$0x0] =	sbarrier.arrive $0xFFFF  }
0x301: {  	[spmem:s7] =	stream.linear.scatter [tilespmem:s31], [sflag:$0x2], $0x200, $0x38;
	[tilespmem:$0x129A0] =	vst v63  }
0x302: {  	_ =	swait.ge [sflag:s15], $0x200  }
0x303: {  	[sflag:s15] =	ssyncset.done $0x0  }
0x304: {  	[sflag:s15] =	ssyncadd.s32 $0xFFFFFE00  }
0x305: {  	v4 =	vimm.s32 $0x0;
	[bflag:$0x0] =	sbarrier.arrive $0xFFFF  }
0x306: {  	[tilespmem:$0x12200] =	vst v4  }
0x307: {  	[tilespmem:$0x12210] =	vst v4  }
0x308: {  	[tilespmem:$0x12220] =	vst v4  }
0x309: {  	[tilespmem:$0x12230] =	vst v4  }
0x30a: {  	[tilespmem:$0x12240] =	vst v4  }
0x30b: {  	[tilespmem:$0x12250] =	vst v4  }
0x30c: {  	[tilespmem:$0x12260] =	vst v4  }
0x30d: {  	[tilespmem:$0x12270] =	vst v4  }
0x30e: {  	[tilespmem:$0x12280] =	vst v4  }
0x30f: {  	[tilespmem:$0x12290] =	vst v4  }
0x310: {  	[tilespmem:$0x122A0] =	vst v4  }
0x311: {  	[tilespmem:$0x122B0] =	vst v4  }
0x312: {  	[tilespmem:$0x122C0] =	vst v4  }
0x313: {  	[tilespmem:$0x122D0] =	vst v4  }
0x314: {  	[tilespmem:$0x122E0] =	vst v4  }
0x315: {  	[tilespmem:$0x122F0] =	vst v4  }
0x316: {  	[tilespmem:$0x12300] =	vst v4  }
0x317: {  	[tilespmem:$0x12310] =	vst v4  }
0x318: {  	[tilespmem:$0x12320] =	vst v4  }
0x319: {  	[tilespmem:$0x12330] =	vst v4  }
0x31a: {  	[tilespmem:$0x12340] =	vst v4  }
0x31b: {  	[tilespmem:$0x12350] =	vst v4  }
0x31c: {  	[tilespmem:$0x12360] =	vst v4  }
0x31d: {  	[tilespmem:$0x12370] =	vst v4  }
0x31e: {  	[tilespmem:$0x12380] =	vst v4  }
0x31f: {  	[tilespmem:$0x12390] =	vst v4  }
0x320: {  	[tilespmem:$0x123A0] =	vst v4  }
0x321: {  	[tilespmem:$0x123B0] =	vst v4  }
0x322: {  	[tilespmem:$0x123C0] =	vst v4  }
0x323: {  	[tilespmem:$0x123D0] =	vst v4  }
0x324: {  	[tilespmem:$0x123E0] =	vst v4  }
0x325: {  	s17 =	simm.s32 $0x12400;
	s16 =	simm.s32 $0x0;
	[tilespmem:$0x123F0] =	vst v4  }
.LBB2_45:
0x326: {  	s18 =	sshll.u32 s16, $0x9  }
0x327: {  	s18 =	sand.u32 $0x3FFFFE00, s18  }
0x328: {  	s18 =	sadd.s32 s18, s4  }
0x329: {  	[tilespmem:s17], [sflag:$0x2] =	stream.linear.gather [spmem:s18], $0x200, $0x38;
	[tilespmem:$0x129A0] =	vst v63  }
0x32a: {  	_ =	swait.ge [sflag:s15], $0x200  }
0x32b: {  	[sflag:s15] =	ssyncset.done $0x0  }
0x32c: {  	s18 =	simm.s32 $0x0;
	[sflag:s15] =	ssyncadd.s32 $0xFFFFFE00  }
0x32d: {  	s19 =	simm.s32 $0x40;
	v4 =	vld [tilespmem:s18+$0x12400]  }
.LBB2_46:
0x32e: {  	p0 =	sne.s32 s19, $0x7C0;
	v5 =	vld [tilespmem:s18+$0x12200];
	_ =	sdelay $0x1  }
.Ltmp22:
0x32f: {  	(pc) =	sbr.rel @p0 .LBB2_46-.Ltmp22, $3  }
0x330: {  	_ =	sdelay $0x1  }
0x331: {  	s20 =	sshra.s32 s19, $0x2;
	v5 =	vadd.s32 v5, v4  }
0x332: {  	s19 =	sadd.s32 $0x40, s19;
	v4 =	vld [tilespmem:s20+$0x12400];
	[tilespmem:s18+$0x12200] =	vst v5;
	s18 =	smov.u32 s20  }
0x333: {  	v5 =	vld [tilespmem:s18+$0x12200];
	s16 =	sadd.s32 $0x1, s16  }
0x334: {  	p0 =	sne.s32 s16, $0x10  }
.Ltmp23:
0x335: {  	_ = 	snop;
	(pc) =	sbr.rel @p0 .LBB2_45-.Ltmp23, $3  }
0x336: {  	_ =	sdelay $0x1  }
0x337: {  	v4 =	vadd.s32 v5, v4  }
0x338: {  	[tilespmem:s18+$0x12200] =	vst v4  }
0x339: {  	v4 =	vmov s14;
	v5 =	vlaneseq.u32  }
0x33a: {  	vm0 =	veq.s32 v4, v5  }
0x33b: {  	s25 =	simm.s32 $0x12200;
	v0 =	vnsel vm0, $0x0, v0  }
0x33c: {  	(xrf0) =	vadd.scan.msk.s32 $0xffff, v0;
	v0 =	vnsel vm0, $0x0, v3;
	v3 =	vld [tilespmem:s25+$0x0];
	_ =	sdelay $0x3  }
0x33d: {  	(xrf0) =	vadd.scan.msk.s32 $0xffff, v0  }
0x33e: {  	(xrf0) =	vadd.scan.msk.s32 $0xffff, v3;
	_ =	sdelay $0x2  }
0x33f: {  	v0, _, _ =	vpop (xrf0)  }
0x340: {  	(v2sf) =	vpush v0, $0xF  }
0x341: {  	v0, _, _ =	vpop (xrf0)  }
0x342: {  	s26 =	simm.s32 $0x12210;
	(v2sf) =	vpush v0, $0xF;
	v0, _, _ =	vpop (xrf0)  }
0x343: {  	(v2sf) =	vpush v0, $0xF;
	v0 =	vld [tilespmem:s26+$0x0]  }
0x344: {  	s28 =	simm.s32 $0x12220  }
0x345: {  	v3 =	vld [tilespmem:s28+$0x0];
	_ =	sdelay $0x2  }
0x346: {  	(xrf0) =	vadd.scan.msk.s32 $0xffff, v0;
	_ =	sdelay $0x1  }
0x347: {  	(xrf0) =	vadd.scan.msk.s32 $0xffff, v3;
	_ =	sdelay $0x2  }
0x348: {  	s29 =	simm.s32 $0x12230  }
0x349: {  	v63 =	vld [tilespmem:s29+$0x0];
	v3, _, _ =	vpop (xrf0)  }
0x34a: {  	s30 =	spop (v2sf);
	(v2sf) =	vpush v3, $0xF  }
0x34b: {  	v3, _, _ =	vpop (xrf0)  }
0x34c: {  	s15 =	spop (v2sf);
	(v2sf) =	vpush v3, $0xF;
	_ =	sdelay $0x1  }
0x34d: {  	s31 =	simm.s32 $0x12240;
	(xrf0) =	vadd.scan.msk.s32 $0xffff, v63  }
0x34e: {  	s22 =	simm.s32 $0x1;
	s21 =	simm.s32 $0x2;
	v0 =	vld [tilespmem:s31+$0x0]  }
0x34f: {  	s20 =	simm.s32 $0x3;
	s16 =	simm.s32 $0x4;
	s23 =	simm.s32 $0x5  }
0x350: {  	s19 =	simm.s32 $0x0;
	s24 =	simm.s32 $0x0;
	s14 =	ssub.s32 s15, s30  }
0x351: {  	s25 =	simm.s32 $0x12250;
	s10 =	sadd.s32 s10, s14;
	s17 =	spop (v2sf)  }
0x352: {  	s15 =	simm.s32 $0x0;
	s14 =	ssub.s32 $0x4189, s10;
	s18 =	sadd.s32 $0x0, s17  }
0x353: {  	(xrf0) =	vadd.scan.msk.s32 $0xffff, v0;
	v0, _, _ =	vpop (xrf0);
	p1 =	sgt.s32 s14, $0x0;
	s17 =	simm.s32 $0x0;
	p2 =	sge.s32 s18, s14  }
.LBB2_49:
0x354: {  	p0 =	sne.s32 s23, $0xF;
	p1 =	por !p1, !p2;
	s26 =	smov.u32 s23  }
0x355: {  	v3 =	vld [tilespmem:s25+$0x0];
	(v2sf) =	vpush v0, $0xF;
	s23 =	sadd.s32 $0x1, s23;
	s28 =	smov.u32 s19;
	s19 =	smov.u32 s18  }
.Ltmp24:
0x356: {  	p1 =	por !p1, !p1;
	(pc) =	sbr.rel @p0 .LBB2_49-.Ltmp24, $4  }
0x357: {  	s15 =	smov.u32 @p1 s24;
	s17 =	smov.u32 @p1 s28;
	s24 =	smov.u32 s22  }
0x358: {  	s22 =	smov.u32 s21;
	s21 =	smov.u32 s20;
	s28 =	spop (v2sf)  }
0x359: {  	s20 =	smov.u32 s16;
	s16 =	smov.u32 s26;
	s18 =	sadd.s32 s18, s28  }
0x35a: {  	s25 =	sadd.s32 $0x10, s25;
	p1 =	slt.s32 s19, s14;
	(xrf0) =	vadd.scan.msk.s32 $0xffff, v3;
	v0, _, _ =	vpop (xrf0);
	p2 =	sge.s32 s18, s14  }
0x35b: {  	_ =	sdelay $0x4  }
0x35c: {  	(v2sf) =	vpush v0, $0xF;
	v0, _, _ =	vpop (xrf0)  }
0x35d: {  	(v2sf) =	vpush v0, $0xF;
	_ =	sdelay $0x7  }
0x35e: {  	s23 =	spop (v2sf)  }
0x35f: {  	s23 =	sadd.s32 s18, s23  }
0x360: {  	p0 =	por !p1, !p2;
	p2 =	slt.s32 s18, s14;
	p3 =	sge.s32 s23, s14  }
0x361: {  	p0 =	por !p0, !p0;
	p1 =	por !p2, !p3  }
0x362: {  	s15 =	smov.u32 @p0 s24;
	p1 =	por !p1, !p1;
	s25 =	spop (v2sf)  }
0x363: {  	p4 =	slt.s32 s23, s14;
	s15 =	smov.u32 @p1 s22;
	s24 =	sadd.s32 s23, s25  }
0x364: {  	p3 =	sge.s32 s24, s14;
	p5 =	slt.s32 s24, s14;
	s29 =	spop (v2sf)  }
0x365: {  	p2 =	por !p4, !p3;
	s22 =	sadd.s32 s24, s29;
	s30 =	spop (v2sf)  }
0x366: {  	p2 =	por !p2, !p2;
	p4 =	sge.s32 s22, s14;
	s25 =	sadd.s32 s22, s30  }
0x367: {  	p6 =	slt.s32 s22, s14;
	p3 =	por !p5, !p4;
	p5 =	sge.s32 s25, s14  }
0x368: {  	v3 =	vlaneseq.u32;
	v0 =	vmov s13;
	s15 =	smov.u32 @p2 s21;
	p3 =	por !p3, !p3;
	p4 =	por !p6, !p5  }
0x369: {  	vm0 =	veq.s32 v0, v3;
	s15 =	smov.u32 @p3 s20;
	p4 =	por !p4, !p4  }
0x36a: {  	v0 =	vnsel vm0, $0x0, v1;
	s15 =	smov.u32 @p4 s16  }
0x36b: {  	(xrf0) =	vadd.scan.msk.s32 $0xffff, v0;
	v0 =	vnsel vm0, $0x0, v2;
	s16 =	sshll.u32 s15, $0x4;
	s15 =	simm.s32 $0x0  }
0x36c: {  	(xrf0) =	vadd.scan.msk.s32 $0xffff, v0;
	v0 =	vld [tilespmem:s16+$0x12200];
	s31 =	sand.u32 $0xF0, s15  }
0x36d: {  	v1 =	vld [tilespmem:s31+$0x12300];
	_ =	sdelay $0x3  }
0x36e: {  	v2, _, _ =	vpop (xrf0);
	(xrf0) =	vadd.scan.msk.s32 $0xffff, v0  }
0x36f: {  	(v2sf) =	vpush v2, $0xF;
	v2, _, _ =	vpop (xrf0);
	(xrf0) =	vadd.scan.msk.s32 $0xffff, v1;
	_ =	sdelay $0x4  }
0x370: {  	(v2sf) =	vpush v2, $0xF;
	s20 =	simm.s32 $0x10;
	v1, _, _ =	vpop (xrf0)  }
0x371: {  	s21 =	simm.s32 $0x20;
	s13 =	sand.u32 $0xF0, s20;
	v2, _, _ =	vpop (xrf0)  }
0x372: {  	s25 =	sand.u32 $0xF0, s21;
	(v2sf) =	vpush v2, $0xF;
	v2 =	vld [tilespmem:s13+$0x12300]  }
0x373: {  	v3 =	vld [tilespmem:s25+$0x12300];
	_ =	sdelay $0x3  }
0x374: {  	(xrf0) =	vadd.scan.msk.s32 $0xffff, v2  }
0x375: {  	(xrf0) =	vadd.scan.msk.s32 $0xffff, v3  }
0x376: {  	s17 =	smov.u32 @p0 s19  }
0x377: {  	s17 =	smov.u32 @p1 s18  }
0x378: {  	s17 =	smov.u32 @p2 s23  }
0x379: {  	s17 =	smov.u32 @p3 s24  }
0x37a: {  	s17 =	smov.u32 @p4 s22;
	v4, _, _ =	vpop (xrf0)  }
0x37b: {  	s30 =	simm.s32 $0x30;
	s26 =	spop (v2sf);
	v3 =	vadd.s32 s17, v1;
	(v2sf) =	vpush v4, $0xF;
	v1, _, _ =	vpop (xrf0)  }
0x37c: {  	s31 =	sand.u32 $0xF0, s30;
	s29 =	spop (v2sf);
	(v2sf) =	vpush v1, $0xF  }
0x37d: {  	v2 =	vld [tilespmem:s31+$0x12300];
	_ =	sdelay $0x1  }
0x37e: {  	s19 =	simm.s32 $0x3;
	s18 =	simm.s32 $0x2;
	s23 =	simm.s32 $0x0  }
0x37f: {  	s24 =	simm.s32 $0x0;
	s20 =	simm.s32 $0x0;
	s13 =	ssub.s32 s29, s26  }
0x380: {  	s21 =	simm.s32 $0x1;
	s22 =	simm.s32 $0x40;
	s13 =	sadd.s32 s9, s13  }
0x381: {  	s25 =	simm.s32 $0x5;
	s26 =	sand.u32 $0xF0, s22;
	s9 =	ssub.s32 $0xFFBE76, s13;
	vm15 =	vge.s32 v3, s14;
	(xrf0) =	vadd.scan.msk.s32 $0xffff, v2  }
0x382: {  	s17 =	simm.s32 $0x4;
	s14 =	simm.s32 $0x0;
	v4 =	vmctz.xlane vm15;
	s28 =	spop (v2sf)  }
.LBB2_51:
0x383: {  	p0 =	sne.s32 s25, $0xF;
	v1 =	vld [tilespmem:s26+$0x12300];
	s23 =	sadd.s32 s23, s28;
	s26 =	smov.u32 s18  }
0x384: {  	p1 =	slt.s32 s20, s9;
	s18 =	smov.u32 s19;
	p2 =	sge.s32 s23, s9  }
.Ltmp25:
0x385: {  	s19 =	smov.u32 s17;
	p1 =	por !p1, !p2;
	(pc) =	sbr.rel @p0 .LBB2_51-.Ltmp25, $4  }
0x386: {  	s17 =	smov.u32 s25;
	p1 =	por !p1, !p1  }
0x387: {  	v2, _, _ =	vpop (xrf0);
	s15 =	smov.u32 @p1 s24;
	s14 =	smov.u32 @p1 s20;
	s20 =	smov.u32 s23  }
0x388: {  	s22 =	sadd.s32 $0x10, s22;
	s24 =	smov.u32 s21;
	s21 =	smov.u32 s26;
	(xrf0) =	vadd.scan.msk.s32 $0xffff, v1;
	(v2sf) =	vpush v2, $0xF  }
0x389: {  	s25 =	sadd.s32 $0x1, s25;
	s26 =	sand.u32 $0xF0, s22;
	s28 =	spop (v2sf)  }
0x38a: {  	_ = 	snop  }
0x38b: {  	v1 =	vld [tilespmem:s26+$0x12300];
	_ =	sdelay $0x4  }
0x38c: {  	(xrf0) =	vadd.scan.msk.s32 $0xffff, v1;
	_ =	sdelay $0x4  }
0x38d: {  	v1, _, _ =	vpop (xrf0)  }
0x38e: {  	(v2sf) =	vpush v1, $0xF;
	v1, _, _ =	vpop (xrf0)  }
0x38f: {  	(v2sf) =	vpush v1, $0xF;
	_ =	sdelay $0x7  }
0x390: {  	s22 =	sadd.s32 s23, s28;
	s29 =	spop (v2sf)  }
0x391: {  	p0 =	slt.s32 s20, s9;
	p1 =	sge.s32 s22, s9;
	s23 =	sadd.s32 s22, s29  }
0x392: {  	p3 =	slt.s32 s22, s9;
	p0 =	por !p0, !p1;
	p2 =	sge.s32 s23, s9  }
0x393: {  	p0 =	por !p0, !p0;
	p1 =	por !p3, !p2  }
0x394: {  	s15 =	smov.u32 @p0 s24;
	p1 =	por !p1, !p1;
	s25 =	spop (v2sf)  }
0x395: {  	p4 =	slt.s32 s23, s9;
	s15 =	smov.u32 @p1 s21;
	s24 =	sadd.s32 s23, s25  }
0x396: {  	p3 =	sge.s32 s24, s9;
	p5 =	slt.s32 s24, s9;
	s30 =	spop (v2sf)  }
0x397: {  	p2 =	por !p4, !p3;
	s21 =	sadd.s32 s24, s30;
	s31 =	spop (v2sf)  }
0x398: {  	p2 =	por !p2, !p2;
	p4 =	sge.s32 s21, s9;
	s25 =	sadd.s32 s21, s31  }
0x399: {  	p6 =	slt.s32 s21, s9;
	p3 =	por !p5, !p4;
	p5 =	sge.s32 s25, s9  }
0x39a: {  	s15 =	smov.u32 @p2 s18;
	p3 =	por !p3, !p3;
	p4 =	por !p6, !p5  }
0x39b: {  	s15 =	smov.u32 @p3 s19;
	p4 =	por !p4, !p4  }
0x39c: {  	s15 =	smov.u32 @p4 s17  }
0x39d: {  	s17 =	sshll.u32 s15, $0x4  }
0x39e: {  	s15 =	sand.u32 $0xF0, s17  }
0x39f: {  	v1 =	vld [tilespmem:s15+$0x12300];
	_ =	sdelay $0x4  }
0x3a0: {  	(xrf0) =	vadd.scan.msk.s32 $0xffff, v1;
	_ =	sdelay $0x1  }
0x3a1: {  	s14 =	smov.u32 @p0 s20  }
0x3a2: {  	s14 =	smov.u32 @p1 s22  }
0x3a3: {  	s14 =	smov.u32 @p2 s23  }
0x3a4: {  	s14 =	smov.u32 @p3 s24  }
0x3a5: {  	s14 =	smov.u32 @p4 s21;
	v2, _, _ =	vpop (xrf0)  }
0x3a6: {  	v2 =	vadd.s32 s14, v2  }
0x3a7: {  	vm0 =	vge.s32 v2, s9  }
0x3a8: {  	v5 =	vimm.s32 $0x0;
	s14 =	simm.s32 $0x40;
	s9 =	simm.s32 $0x0;
	v6 =	vmctz.xlane vm0  }
.LBB2_53:
0x3a9: {  	p0 =	sne.s32 s14, $0x7FC0;
	[tilespmem:s9+$0x10000] =	vst v5;
	s9 =	smov.u32 s14;
	s14 =	sadd.s32 $0x40, s14  }
.Ltmp26:
0x3aa: {  	(pc) =	sbr.rel @p0 .LBB2_53-.Ltmp26, $2  }
0x3ab: {  	_ =	sdelay $0x2  }
0x3ac: {  	s9 =	sshra.s32 s9, $0x2  }
0x3ad: {  	v4 =	vxor.u32 $0x80000000, v4  }
0x3ae: {  	(xrf0) =	vmax.scan.msk.u32 $0xffff, v4;
	v4 =	vxor.u32 $0x80000000, v6  }
0x3af: {  	(xrf0) =	vmax.scan.msk.u32 $0xffff, v4;
	_ =	sdelay $0x4  }
0x3b0: {  	v4, _, _ =	vpop (xrf0)  }
0x3b1: {  	(v2sf) =	vpush v4, $0xF;
	v4, _, _ =	vpop (xrf0)  }
0x3b2: {  	(v2sf) =	vpush v4, $0xF;
	_ =	sdelay $0xd  }
0x3b3: {  	s14 =	spop (v2sf)  }
0x3b4: {  	s11 =	sshll.u32 s11, $0x8;
	s18 =	spop (v2sf);
	s15 =	sxor.u32 $0x80000000, s14  }
0x3b5: {  	s12 =	sshll.u32 s12, $0x8;
	s14 =	sxor.u32 $0x80000000, s18;
	s16 =	sadd.s32 s16, s15  }
0x3b6: {  	[tilespmem:s9+$0x10000] =	vst v5;
	v4 =	vlaneseq.u32;
	s17 =	sadd.s32 s17, s14;
	s9 =	sor.u32 s11, s16;
	s11 =	simm.s32 $0x0  }
0x3b7: {  	v4 =	vmul.u32 $0x100, v4;
	[tilespmem:s11], [sflag:$0x1] =	stream.linear.gather [hbm4b:s8+s11], $0x8000, $0x38;
	[tilespmem:$0x129A0] =	vst v63  }
0x3b8: {  	v7 =	vimm.s32 $0x1;
	s8 =	sor.u32 s12, s17  }
0x3b9: {  	v8 =	vor.u32 $0x1000, v4;
	s16 =	simm.s32 $0x10000;
	v5 =	vmov s9;
	s12 =	simm.s32 $0x1;
	s17 =	simm.s32 $0x0;
	v6 =	vmov s8  }
.LBB2_55:
0x3ba: {  	s18 =	smov.u32 s17  }
0x3bb: {  	s17 =	sadd.s32 $0x1, s17;
	p0 =	seq.s32 s18, $0x1F  }
0x3bc: {  	s19 =	sshll.u32 @!p0 s17, $0xF  }
0x3bd: {  	s18 =	sshll.u32 @!p0 s18, $0xF;
	s19 =	sadd.s32 @!p0 s6, s19  }
0x3be: {  	s21 =	simm.s32 @!p0 $0x0;
	s20 =	sxor.u32 @!p0 $0xFFFFFFFF, s18;
	s19 =	sshrl.u32 @!p0 s19, $0x3  }
0x3bf: {  	s18 =	simm.s32 @p0 $0xF8000;
	s20 =	sand.u32 @!p0 $0x8000, s20;
	s19 =	sadd.s32 @!p0 s5, s19  }
0x3c0: {  	[tilespmem:s20], [sflag:$0x1] =	stream.linear.gather @!p0 [hbm4b:s19+s21], $0x8000, $0x38;
	[tilespmem:$0x129A0] =	vst v63  }
0x3c1: {  	s28 =	sadd.s32 $0x0, s18;
	_ =	swait.ge [sflag:s12], $0x8000  }
0x3c2: {  	s29 =	sand.u32 $0x70, s11;
	s19 =	sand.u32 $0xFF80, s28;
	[sflag:s12] =	ssyncset.done $0x0  }
0x3c3: {  	s19 =	sor.u32 s29, s19;
	[sflag:s12] =	ssyncadd.s32 $0xFFFF8000  }
0x3c4: {  	v9 =	vld [tilespmem:s19+$0x0];
	_ =	sdelay $0x4  }
0x3c5: {  	v10 =	vshra.s32 v9, $0x1F  }
0x3c6: {  	v10 =	vor.u32 $0x80000000, v10  }
0x3c7: {  	v9 =	vxor.u32 v9, v10  }
0x3c8: {  	v10 =	vand.u32 $0xFF, v9  }
0x3c9: {  	v11 =	vshrl.u32 v9, $0x8;
	v12 =	vor.u32 v4, v10  }
0x3ca: {  	v9 =	vand.u32 $0x7F, v9;
	vm1 =	veq.s32 v11, v5;
	v12 =	vand.u32 $0xF80, v12  }
0x3cb: {  	v10 =	vor.u32 v8, v10;
	v12 =	vor.u32 v9, v12  }
0x3cc: {  	vm0 =	veq.s32 v11, v6;
	v10 =	vand.u32 $0x1F80, v10  }
0x3cd: {  	v9 =	vor.u32 v9, v10;
	_ =	sdelay $0x1  }
0x3ce: {  	s30 =	simm.s32 $0x10;
	s31 =	sadd.s32 $0x10, s18  }
0x3cf: {  	s20 =	sand.u32 $0xFF80, s31;
	s21 =	sand.u32 $0x70, s30;
	s19 =	simm.s32 $0x20;
	[tilespmem:v12+s16+$0x0] =	vst.idx.add.s32.msk vm1, v7  }
.LBB2_56:
0x3d0: {  	p0 =	seq.s32 s19, $0x7FF0  }
0x3d1: {  	s20 =	sor.u32 s21, s20;
	[tilespmem:v9+s16+$0x0] =	vst.idx.add.s32.msk vm0, v7;
	s21 =	smov.u32 s19;
	s19 =	sadd.s32 $0x10, s19  }
0x3d2: {  	v9 =	vld [tilespmem:s20+$0x0];
	_ =	sdelay $0x4  }
0x3d3: {  	v10 =	vshra.s32 v9, $0x1F  }
0x3d4: {  	v10 =	vor.u32 $0x80000000, v10  }
0x3d5: {  	v9 =	vxor.u32 v9, v10  }
0x3d6: {  	v10 =	vand.u32 $0xFF, v9;
	v11 =	vshrl.u32 v9, $0x8  }
0x3d7: {  	v9 =	vand.u32 $0x7F, v9;
	v12 =	vor.u32 v4, v10;
	v10 =	vor.u32 v8, v10  }
0x3d8: {  	vm1 =	veq.s32 v11, v5;
	v12 =	vand.u32 $0xF80, v12;
	v10 =	vand.u32 $0x1F80, v10  }
0x3d9: {  	vm0 =	veq.s32 v11, v6;
	v12 =	vor.u32 v9, v12  }
.Ltmp27:
0x3da: {  	v9 =	vor.u32 v9, v10;
	(pc) =	sbr.rel @!p0 .LBB2_56-.Ltmp27, $3  }
0x3db: {  	_ =	sdelay $0x1  }
0x3dc: {  	s20 =	sadd.s32 s21, s18  }
0x3dd: {  	s21 =	sand.u32 $0x70, s21;
	s20 =	sand.u32 $0xFF80, s20;
	[tilespmem:v12+s16+$0x0] =	vst.idx.add.s32.msk vm1, v7  }
0x3de: {  	_ =	sdelay $0x4  }
0x3df: {  	s18 =	sor.u32 s21, s20;
	[tilespmem:v9+s16+$0x0] =	vst.idx.add.s32.msk vm0, v7  }
0x3e0: {  	v9 =	vld [tilespmem:s18+$0x0];
	_ =	sdelay $0x4  }
0x3e1: {  	v10 =	vshra.s32 v9, $0x1F  }
0x3e2: {  	v10 =	vor.u32 $0x80000000, v10  }
0x3e3: {  	v9 =	vxor.u32 v9, v10  }
0x3e4: {  	v10 =	vand.u32 $0xFF, v9  }
0x3e5: {  	v11 =	vshrl.u32 v9, $0x8;
	v9 =	vand.u32 $0x7F, v9;
	v12 =	vor.u32 v4, v10  }
0x3e6: {  	v10 =	vor.u32 v8, v10;
	vm15 =	veq.s32 v11, v5;
	v12 =	vand.u32 $0xF80, v12  }
0x3e7: {  	vm1 =	veq.s32 v11, v6;
	v10 =	vand.u32 $0x1F80, v10;
	v12 =	vor.u32 v9, v12  }
0x3e8: {  	p0 =	seq.s32 s17, $0x20;
	v9 =	vor.u32 v9, v10  }
.Ltmp28:
0x3e9: {  	_ = 	snop;
	(pc) =	sbr.rel @!p0 .LBB2_55-.Ltmp28, $3  }
0x3ea: {  	_ =	sdelay $0x1  }
0x3eb: {  	[tilespmem:v12+s16+$0x0] =	vst.idx.add.s32.msk vm15, v7  }
0x3ec: {  	[tilespmem:v9+s16+$0x0] =	vst.idx.add.s32.msk vm1, v7  }
0x3ed: {  	s5 =	simm.s32 $0x0;
	s6 =	simm.s32 $0x0  }
0x3ee: {  	s11 =	sand.u32 $0x80, s5;
	s12 =	sand.u32 $0x3FFFF000, s6  }
0x3ef: {  	s6 =	sand.u32 $0x70, s5;
	s31 =	sor.u32 s11, s12  }
0x3f0: {  	s5 =	sor.u32 s6, s31  }
0x3f1: {  	s16 =	sadd.s32 $0x10000, s5;
	v5 =	vld [tilespmem:s5+$0x10000]  }
0x3f2: {  	v4 =	vld [tilespmem:s16+$0x100]  }
0x3f3: {  	v6 =	vld [tilespmem:s16+$0x200]  }
0x3f4: {  	v7 =	vld [tilespmem:s16+$0x300]  }
0x3f5: {  	v8 =	vld [tilespmem:s16+$0x400]  }
0x3f6: {  	v9 =	vld [tilespmem:s16+$0x500]  }
0x3f7: {  	v4 =	vadd.s32 v5, v4;
	v5 =	vld [tilespmem:s16+$0x600]  }
0x3f8: {  	v4 =	vadd.s32 v4, v6;
	v6 =	vld [tilespmem:s16+$0x700]  }
0x3f9: {  	v4 =	vadd.s32 v4, v7;
	v7 =	vld [tilespmem:s16+$0x800]  }
0x3fa: {  	v4 =	vadd.s32 v4, v8;
	v8 =	vld [tilespmem:s16+$0x900]  }
0x3fb: {  	v63 =	vld [tilespmem:s16+$0xA00];
	v4 =	vadd.s32 v4, v9  }
0x3fc: {  	v4 =	vadd.s32 v4, v5;
	v5 =	vld [tilespmem:s16+$0xB00]  }
0x3fd: {  	v4 =	vadd.s32 v4, v6;
	v6 =	vld [tilespmem:s16+$0xC00]  }
0x3fe: {  	v4 =	vadd.s32 v4, v7  }
0x3ff: {  	v4 =	vadd.s32 v4, v8  }
0x400: {  	v7 =	vld [tilespmem:s16+$0xD00];
	v4 =	vadd.s32 v4, v63  }
0x401: {  	v5 =	vadd.s32 v4, v5;
	v4 =	vld [tilespmem:s16+$0xE00]  }
0x402: {  	v6 =	vadd.s32 v5, v6;
	v5 =	vld [tilespmem:s16+$0xF00]  }
0x403: {  	s17 =	simm.s32 $0x10;
	s18 =	simm.s32 $0x100;
	s19 =	simm.s32 $0x0  }
0x404: {  	s18 =	sand.u32 $0x3FFFF000, s18;
	s19 =	sand.u32 $0x3FFFFF00, s19;
	s12 =	sand.u32 $0x70, s17  }
0x405: {  	s17 =	sand.u32 $0x80, s17;
	s5 =	simm.s32 $0x1;
	s16 =	simm.s32 $0x20;
	v6 =	vadd.s32 v6, v7  }
.LBB2_59:
0x406: {  	p0 =	sne.s32 s16, $0x1F0;
	s18 =	sor.u32 s17, s18;
	v4 =	vadd.s32 v6, v4;
	s11 =	sor.u32 s11, s19  }
0x407: {  	s18 =	sor.u32 s12, s18;
	v4 =	vadd.s32 v4, v5;
	s11 =	sor.u32 s6, s11;
	s6 =	smov.u32 s12  }
0x408: {  	s19 =	smov.u32 s5;
	s12 =	sadd.s32 $0x10000, s18;
	[tilespmem:s11+$0x12000] =	vst v4;
	s11 =	smov.u32 s17  }
0x409: {  	v4 =	vld [tilespmem:s12+$0x100]  }
0x40a: {  	v5 =	vld [tilespmem:s18+$0x10000]  }
0x40b: {  	v6 =	vld [tilespmem:s12+$0x200]  }
0x40c: {  	v7 =	vld [tilespmem:s12+$0x300]  }
0x40d: {  	v8 =	vld [tilespmem:s12+$0x400]  }
0x40e: {  	v9 =	vld [tilespmem:s12+$0x500]  }
0x40f: {  	v4 =	vadd.s32 v5, v4;
	v5 =	vld [tilespmem:s12+$0x600]  }
0x410: {  	v4 =	vadd.s32 v4, v6;
	v6 =	vld [tilespmem:s12+$0x700]  }
0x411: {  	v4 =	vadd.s32 v4, v7;
	v7 =	vld [tilespmem:s12+$0x800]  }
0x412: {  	v4 =	vadd.s32 v4, v8;
	v8 =	vld [tilespmem:s12+$0x900]  }
0x413: {  	v4 =	vadd.s32 v4, v9;
	v9 =	vld [tilespmem:s12+$0xA00]  }
0x414: {  	v4 =	vadd.s32 v4, v5;
	v10 =	vld [tilespmem:s12+$0xB00]  }
0x415: {  	v4 =	vadd.s32 v4, v6;
	v6 =	vld [tilespmem:s12+$0xC00]  }
0x416: {  	v4 =	vadd.s32 v4, v7;
	v7 =	vld [tilespmem:s12+$0xD00]  }
.Ltmp29:
0x417: {  	v5 =	vadd.s32 v4, v8;
	v4 =	vld [tilespmem:s12+$0xE00];
	(pc) =	sbr.rel @p0 .LBB2_59-.Ltmp29, $4  }
0x418: {  	v8 =	vadd.s32 v5, v9;
	v5 =	vld [tilespmem:s12+$0xF00]  }
0x419: {  	s5 =	sadd.s32 $0x1, s5;
	s12 =	sand.u32 $0x70, s16;
	v8 =	vadd.s32 v8, v10  }
0x41a: {  	s19 =	sshll.u32 s19, $0x4;
	s17 =	sand.u32 $0x80, s16;
	s18 =	sshll.u32 s5, $0x8;
	v6 =	vadd.s32 v8, v6  }
0x41b: {  	s19 =	sand.u32 $0x3FFFFF00, s19;
	s18 =	sand.u32 $0x3FFFF000, s18;
	s16 =	sadd.s32 $0x10, s16;
	v6 =	vadd.s32 v6, v7  }
0x41c: {  	s16 =	sor.u32 s17, s18;
	v4 =	vadd.s32 v6, v4;
	s11 =	sor.u32 s11, s19  }
0x41d: {  	s16 =	sor.u32 s12, s16;
	v4 =	vadd.s32 v4, v5;
	s6 =	sor.u32 s6, s11  }
0x41e: {  	s30 =	sadd.s32 $0x10000, s16;
	[tilespmem:s6+$0x12000] =	vst v4  }
0x41f: {  	v4 =	vld [tilespmem:s30+$0x100]  }
0x420: {  	v5 =	vld [tilespmem:s16+$0x10000]  }
0x421: {  	v55 =	vld [tilespmem:s30+$0x200]  }
0x422: {  	v7 =	vld [tilespmem:s30+$0x300]  }
0x423: {  	v8 =	vld [tilespmem:s30+$0x400]  }
0x424: {  	v9 =	vld [tilespmem:s30+$0x500]  }
0x425: {  	v4 =	vadd.s32 v5, v4;
	v5 =	vld [tilespmem:s30+$0x600]  }
0x426: {  	v56 =	vld [tilespmem:s30+$0x700];
	v4 =	vadd.s32 v4, v55  }
0x427: {  	v57 =	vld [tilespmem:s30+$0x800];
	v4 =	vadd.s32 v4, v7  }
0x428: {  	v58 =	vld [tilespmem:s30+$0x900];
	v4 =	vadd.s32 v4, v8  }
0x429: {  	v59 =	vld [tilespmem:s30+$0xA00];
	v4 =	vadd.s32 v4, v9  }
0x42a: {  	v4 =	vadd.s32 v4, v5;
	v5 =	vld [tilespmem:s30+$0xB00]  }
0x42b: {  	v60 =	vld [tilespmem:s30+$0xC00];
	v4 =	vadd.s32 v4, v56  }
0x42c: {  	v61 =	vld [tilespmem:s30+$0xD00];
	v4 =	vadd.s32 v4, v57  }
0x42d: {  	v62 =	vld [tilespmem:s30+$0xE00];
	v4 =	vadd.s32 v4, v58  }
0x42e: {  	v63 =	vld [tilespmem:s30+$0xF00];
	v4 =	vadd.s32 v4, v59  }
0x42f: {  	v4 =	vadd.s32 v4, v5  }
0x430: {  	s5 =	sshll.u32 s5, $0x4;
	v4 =	vadd.s32 v4, v60  }
0x431: {  	s5 =	sand.u32 $0x3FFFFF00, s5;
	v4 =	vadd.s32 v4, v61  }
0x432: {  	s5 =	sor.u32 s17, s5;
	v4 =	vadd.s32 v4, v62  }
0x433: {  	s5 =	sor.u32 s12, s5;
	v4 =	vadd.s32 v4, v63  }
0x434: {  	[tilespmem:s5+$0x12000] =	vst v4  }
0x435: {  	s31 =	simm.s32 $0x12000;
	s5 =	simm.s32 $0x2;
	[bflag:$0x0] =	sbarrier.arrive $0xFFFF  }
0x436: {  	[spmem:s7] =	stream.linear.scatter [tilespmem:s31], [sflag:$0x2], $0x200, $0x38;
	[tilespmem:$0x129A0] =	vst v63  }
0x437: {  	_ =	swait.ge [sflag:s5], $0x200  }
0x438: {  	[sflag:s5] =	ssyncset.done $0x0  }
0x439: {  	[sflag:s5] =	ssyncadd.s32 $0xFFFFFE00  }
0x43a: {  	v4 =	vimm.s32 $0x0;
	[bflag:$0x0] =	sbarrier.arrive $0xFFFF  }
0x43b: {  	[tilespmem:$0x12200] =	vst v4  }
0x43c: {  	[tilespmem:$0x12210] =	vst v4  }
0x43d: {  	[tilespmem:$0x12220] =	vst v4  }
0x43e: {  	[tilespmem:$0x12230] =	vst v4  }
0x43f: {  	[tilespmem:$0x12240] =	vst v4  }
0x440: {  	[tilespmem:$0x12250] =	vst v4  }
0x441: {  	[tilespmem:$0x12260] =	vst v4  }
0x442: {  	[tilespmem:$0x12270] =	vst v4  }
0x443: {  	[tilespmem:$0x12280] =	vst v4  }
0x444: {  	[tilespmem:$0x12290] =	vst v4  }
0x445: {  	[tilespmem:$0x122A0] =	vst v4  }
0x446: {  	[tilespmem:$0x122B0] =	vst v4  }
0x447: {  	[tilespmem:$0x122C0] =	vst v4  }
0x448: {  	[tilespmem:$0x122D0] =	vst v4  }
0x449: {  	[tilespmem:$0x122E0] =	vst v4  }
0x44a: {  	[tilespmem:$0x122F0] =	vst v4  }
0x44b: {  	[tilespmem:$0x12300] =	vst v4  }
0x44c: {  	[tilespmem:$0x12310] =	vst v4  }
0x44d: {  	[tilespmem:$0x12320] =	vst v4  }
0x44e: {  	[tilespmem:$0x12330] =	vst v4  }
0x44f: {  	[tilespmem:$0x12340] =	vst v4  }
0x450: {  	[tilespmem:$0x12350] =	vst v4  }
0x451: {  	[tilespmem:$0x12360] =	vst v4  }
0x452: {  	[tilespmem:$0x12370] =	vst v4  }
0x453: {  	[tilespmem:$0x12380] =	vst v4  }
0x454: {  	[tilespmem:$0x12390] =	vst v4  }
0x455: {  	[tilespmem:$0x123A0] =	vst v4  }
0x456: {  	[tilespmem:$0x123B0] =	vst v4  }
0x457: {  	[tilespmem:$0x123C0] =	vst v4  }
0x458: {  	[tilespmem:$0x123D0] =	vst v4  }
0x459: {  	[tilespmem:$0x123E0] =	vst v4  }
0x45a: {  	s6 =	simm.s32 $0x0;
	s7 =	simm.s32 $0x12400;
	[tilespmem:$0x123F0] =	vst v4  }
.LBB2_61:
0x45b: {  	s11 =	sshll.u32 s6, $0x9  }
0x45c: {  	s11 =	sand.u32 $0x3FFFFE00, s11  }
0x45d: {  	s11 =	sadd.s32 s11, s4  }
0x45e: {  	[tilespmem:s7], [sflag:$0x2] =	stream.linear.gather [spmem:s11], $0x200, $0x38;
	[tilespmem:$0x129A0] =	vst v63  }
0x45f: {  	_ =	swait.ge [sflag:s5], $0x200  }
0x460: {  	[sflag:s5] =	ssyncset.done $0x0  }
0x461: {  	s11 =	simm.s32 $0x0;
	[sflag:s5] =	ssyncadd.s32 $0xFFFFFE00  }
0x462: {  	s12 =	simm.s32 $0x40;
	v4 =	vld [tilespmem:s11+$0x12400]  }
.LBB2_62:
0x463: {  	p0 =	sne.s32 s12, $0x7C0;
	v5 =	vld [tilespmem:s11+$0x12200];
	_ =	sdelay $0x1  }
.Ltmp30:
0x464: {  	(pc) =	sbr.rel @p0 .LBB2_62-.Ltmp30, $3  }
0x465: {  	_ =	sdelay $0x1  }
0x466: {  	s16 =	sshra.s32 s12, $0x2;
	v5 =	vadd.s32 v5, v4  }
0x467: {  	s12 =	sadd.s32 $0x40, s12;
	v4 =	vld [tilespmem:s16+$0x12400];
	[tilespmem:s11+$0x12200] =	vst v5;
	s11 =	smov.u32 s16  }
0x468: {  	v5 =	vld [tilespmem:s11+$0x12200];
	s6 =	sadd.s32 $0x1, s6  }
0x469: {  	p0 =	sne.s32 s6, $0x10  }
.Ltmp31:
0x46a: {  	_ = 	snop;
	(pc) =	sbr.rel @p0 .LBB2_61-.Ltmp31, $3  }
0x46b: {  	_ =	sdelay $0x1  }
0x46c: {  	v4 =	vadd.s32 v5, v4  }
0x46d: {  	[tilespmem:s11+$0x12200] =	vst v4  }
0x46e: {  	v4 =	vmov s15;
	v5 =	vlaneseq.u32  }
0x46f: {  	vm0 =	veq.s32 v4, v5  }
0x470: {  	s4 =	simm.s32 $0x12200;
	v0 =	vnsel vm0, $0x0, v0  }
0x471: {  	(xrf0) =	vadd.scan.msk.s32 $0xffff, v0;
	v0 =	vnsel vm0, $0x0, v3;
	v3 =	vld [tilespmem:s4+$0x0];
	_ =	sdelay $0x3  }
0x472: {  	(xrf0) =	vadd.scan.msk.s32 $0xffff, v0  }
0x473: {  	(xrf0) =	vadd.scan.msk.s32 $0xffff, v3;
	_ =	sdelay $0x2  }
0x474: {  	v0, _, _ =	vpop (xrf0)  }
0x475: {  	(v2sf) =	vpush v0, $0xF  }
0x476: {  	v0, _, _ =	vpop (xrf0)  }
0x477: {  	s28 =	simm.s32 $0x12210;
	(v2sf) =	vpush v0, $0xF;
	v0, _, _ =	vpop (xrf0)  }
0x478: {  	(v2sf) =	vpush v0, $0xF;
	v0 =	vld [tilespmem:s28+$0x0]  }
0x479: {  	s29 =	simm.s32 $0x12220  }
0x47a: {  	v3 =	vld [tilespmem:s29+$0x0];
	_ =	sdelay $0x2  }
0x47b: {  	(xrf0) =	vadd.scan.msk.s32 $0xffff, v0;
	_ =	sdelay $0x1  }
0x47c: {  	(xrf0) =	vadd.scan.msk.s32 $0xffff, v3;
	_ =	sdelay $0x2  }
0x47d: {  	s30 =	simm.s32 $0x12230  }
0x47e: {  	v63 =	vld [tilespmem:s30+$0x0];
	v3, _, _ =	vpop (xrf0)  }
0x47f: {  	s31 =	spop (v2sf);
	(v2sf) =	vpush v3, $0xF  }
0x480: {  	v3, _, _ =	vpop (xrf0)  }
0x481: {  	s5 =	spop (v2sf);
	(v2sf) =	vpush v3, $0xF;
	_ =	sdelay $0x1  }
0x482: {  	s6 =	simm.s32 $0x12240;
	(xrf0) =	vadd.scan.msk.s32 $0xffff, v63  }
0x483: {  	s16 =	simm.s32 $0x1;
	s15 =	simm.s32 $0x2;
	v0 =	vld [tilespmem:s6+$0x0]  }
0x484: {  	s12 =	simm.s32 $0x3;
	s17 =	simm.s32 $0x5;
	s19 =	simm.s32 $0x12250  }
0x485: {  	s11 =	simm.s32 $0x0;
	s18 =	simm.s32 $0x0;
	s5 =	sadd.s32 s5, s10  }
0x486: {  	s6 =	simm.s32 $0x4;
	s4 =	ssub.s32 s31, s5;
	s7 =	spop (v2sf)  }
0x487: {  	s10 =	simm.s32 $0x0;
	s5 =	sadd.s32 $0x4189, s4;
	s7 =	sadd.s32 $0x0, s7  }
0x488: {  	(xrf0) =	vadd.scan.msk.s32 $0xffff, v0;
	v0, _, _ =	vpop (xrf0);
	s4 =	simm.s32 $0x0;
	p1 =	sgt.s32 s5, $0x0;
	p2 =	sge.s32 s7, s5  }
.LBB2_65:
0x489: {  	p0 =	sne.s32 s17, $0xF;
	p1 =	por !p1, !p2;
	s20 =	smov.u32 s17  }
0x48a: {  	v3 =	vld [tilespmem:s19+$0x0];
	(v2sf) =	vpush v0, $0xF;
	s17 =	sadd.s32 $0x1, s17;
	s21 =	smov.u32 s11;
	s11 =	smov.u32 s7  }
.Ltmp32:
0x48b: {  	p1 =	por !p1, !p1;
	(pc) =	sbr.rel @p0 .LBB2_65-.Ltmp32, $4  }
0x48c: {  	s4 =	smov.u32 @p1 s18;
	s10 =	smov.u32 @p1 s21;
	s18 =	smov.u32 s16  }
0x48d: {  	s16 =	smov.u32 s15;
	s15 =	smov.u32 s12;
	s21 =	spop (v2sf)  }
0x48e: {  	s12 =	smov.u32 s6;
	s6 =	smov.u32 s20;
	s7 =	sadd.s32 s7, s21  }
0x48f: {  	s19 =	sadd.s32 $0x10, s19;
	p1 =	slt.s32 s11, s5;
	(xrf0) =	vadd.scan.msk.s32 $0xffff, v3;
	v0, _, _ =	vpop (xrf0);
	p2 =	sge.s32 s7, s5  }
0x490: {  	_ =	sdelay $0x4  }
0x491: {  	(v2sf) =	vpush v0, $0xF;
	v0, _, _ =	vpop (xrf0)  }
0x492: {  	(v2sf) =	vpush v0, $0xF;
	_ =	sdelay $0x7  }
0x493: {  	s17 =	spop (v2sf)  }
0x494: {  	s17 =	sadd.s32 s7, s17  }
0x495: {  	p0 =	por !p1, !p2;
	p2 =	slt.s32 s7, s5;
	p3 =	sge.s32 s17, s5  }
0x496: {  	p0 =	por !p0, !p0;
	p1 =	por !p2, !p3  }
0x497: {  	s4 =	smov.u32 @p0 s18;
	p1 =	por !p1, !p1;
	s19 =	spop (v2sf)  }
0x498: {  	p4 =	slt.s32 s17, s5;
	s4 =	smov.u32 @p1 s16;
	s18 =	sadd.s32 s17, s19  }
0x499: {  	p3 =	sge.s32 s18, s5;
	p5 =	slt.s32 s18, s5;
	s22 =	spop (v2sf)  }
0x49a: {  	p2 =	por !p4, !p3;
	s16 =	sadd.s32 s18, s22;
	s23 =	spop (v2sf)  }
0x49b: {  	p2 =	por !p2, !p2;
	p4 =	sge.s32 s16, s5;
	s19 =	sadd.s32 s16, s23  }
0x49c: {  	p6 =	slt.s32 s16, s5;
	p3 =	por !p5, !p4;
	p5 =	sge.s32 s19, s5  }
0x49d: {  	v3 =	vlaneseq.u32;
	v0 =	vmov s14;
	s4 =	smov.u32 @p2 s15;
	p3 =	por !p3, !p3;
	p4 =	por !p6, !p5  }
0x49e: {  	vm0 =	veq.s32 v0, v3;
	s4 =	smov.u32 @p3 s12;
	p4 =	por !p4, !p4  }
0x49f: {  	v0 =	vnsel vm0, $0x0, v1;
	s4 =	smov.u32 @p4 s6  }
0x4a0: {  	(xrf0) =	vadd.scan.msk.s32 $0xffff, v0;
	v0 =	vnsel vm0, $0x0, v2;
	s6 =	simm.s32 $0x0;
	s4 =	sshll.u32 s4, $0x4  }
0x4a1: {  	(xrf0) =	vadd.scan.msk.s32 $0xffff, v0;
	s24 =	sand.u32 $0xF0, s6;
	v0 =	vld [tilespmem:s4+$0x12200]  }
0x4a2: {  	v1 =	vld [tilespmem:s24+$0x12300];
	_ =	sdelay $0x3  }
0x4a3: {  	v2, _, _ =	vpop (xrf0);
	(xrf0) =	vadd.scan.msk.s32 $0xffff, v0  }
0x4a4: {  	v0, _, _ =	vpop (xrf0);
	(xrf0) =	vadd.scan.msk.s32 $0xffff, v1;
	_ =	sdelay $0x3  }
0x4a5: {  	(v2sf) =	vpush v2, $0xF  }
0x4a6: {  	s25 =	simm.s32 $0x10;
	(v2sf) =	vpush v0, $0xF;
	v0, _, _ =	vpop (xrf0)  }
0x4a7: {  	s26 =	simm.s32 $0x20;
	s12 =	sand.u32 $0xF0, s25;
	v1, _, _ =	vpop (xrf0)  }
0x4a8: {  	s28 =	sand.u32 $0xF0, s26;
	(v2sf) =	vpush v1, $0xF;
	v1 =	vld [tilespmem:s12+$0x12300]  }
0x4a9: {  	v2 =	vld [tilespmem:s28+$0x12300];
	_ =	sdelay $0x3  }
0x4aa: {  	(xrf0) =	vadd.scan.msk.s32 $0xffff, v1  }
0x4ab: {  	(xrf0) =	vadd.scan.msk.s32 $0xffff, v2;
	_ =	sdelay $0x4  }
0x4ac: {  	v2, _, _ =	vpop (xrf0)  }
0x4ad: {  	s31 =	simm.s32 $0x30;
	s29 =	spop (v2sf);
	(v2sf) =	vpush v2, $0xF;
	v2, _, _ =	vpop (xrf0)  }
0x4ae: {  	s10 =	smov.u32 @p0 s11;
	s12 =	sand.u32 $0xF0, s31;
	s30 =	spop (v2sf);
	(v2sf) =	vpush v2, $0xF  }
0x4af: {  	s10 =	smov.u32 @p1 s7;
	v1 =	vld [tilespmem:s12+$0x12300]  }
0x4b0: {  	s11 =	simm.s32 $0x2;
	s14 =	simm.s32 $0x1;
	s10 =	smov.u32 @p2 s17  }
0x4b1: {  	s15 =	simm.s32 $0x40;
	s17 =	simm.s32 $0x0;
	s10 =	smov.u32 @p3 s18  }
0x4b2: {  	s18 =	simm.s32 $0x5;
	s19 =	sand.u32 $0xF0, s15;
	s10 =	smov.u32 @p4 s16  }
0x4b3: {  	s16 =	simm.s32 $0x0;
	v0 =	vadd.s32 s10, v0;
	s10 =	simm.s32 $0x0;
	s7 =	sadd.s32 s30, s13  }
0x4b4: {  	vm15 =	vge.s32 v0, s5;
	s5 =	simm.s32 $0x0;
	s12 =	simm.s32 $0x4;
	s7 =	ssub.s32 s29, s7;
	(xrf0) =	vadd.scan.msk.s32 $0xffff, v1  }
0x4b5: {  	v0 =	vmctz.xlane vm15;
	s13 =	simm.s32 $0x3;
	s7 =	sadd.s32 $0xFFBE76, s7;
	s20 =	spop (v2sf)  }
.LBB2_67:
0x4b6: {  	p0 =	sne.s32 s18, $0xF;
	v1 =	vld [tilespmem:s19+$0x12300];
	s16 =	sadd.s32 s16, s20;
	s19 =	smov.u32 s11  }
0x4b7: {  	p1 =	slt.s32 s10, s7;
	s11 =	smov.u32 s13;
	p2 =	sge.s32 s16, s7  }
.Ltmp33:
0x4b8: {  	s13 =	smov.u32 s12;
	p1 =	por !p1, !p2;
	(pc) =	sbr.rel @p0 .LBB2_67-.Ltmp33, $4  }
0x4b9: {  	s12 =	smov.u32 s18;
	p1 =	por !p1, !p1  }
0x4ba: {  	v2, _, _ =	vpop (xrf0);
	s6 =	smov.u32 @p1 s17;
	s5 =	smov.u32 @p1 s10;
	s10 =	smov.u32 s16  }
0x4bb: {  	s15 =	sadd.s32 $0x10, s15;
	s17 =	smov.u32 s14;
	s14 =	smov.u32 s19;
	(xrf0) =	vadd.scan.msk.s32 $0xffff, v1;
	(v2sf) =	vpush v2, $0xF  }
0x4bc: {  	s18 =	sadd.s32 $0x1, s18;
	s19 =	sand.u32 $0xF0, s15;
	s20 =	spop (v2sf)  }
0x4bd: {  	_ = 	snop  }
0x4be: {  	v1 =	vld [tilespmem:s19+$0x12300];
	_ =	sdelay $0x4  }
0x4bf: {  	(xrf0) =	vadd.scan.msk.s32 $0xffff, v1;
	_ =	sdelay $0x4  }
0x4c0: {  	v1, _, _ =	vpop (xrf0)  }
0x4c1: {  	(v2sf) =	vpush v1, $0xF;
	v1, _, _ =	vpop (xrf0)  }
0x4c2: {  	(v2sf) =	vpush v1, $0xF;
	_ =	sdelay $0x7  }
0x4c3: {  	s15 =	sadd.s32 s16, s20;
	s25 =	spop (v2sf)  }
0x4c4: {  	p0 =	slt.s32 s10, s7;
	p1 =	sge.s32 s15, s7;
	s16 =	sadd.s32 s15, s25  }
0x4c5: {  	p3 =	slt.s32 s15, s7;
	p0 =	por !p0, !p1;
	p2 =	sge.s32 s16, s7  }
0x4c6: {  	p0 =	por !p0, !p0;
	p1 =	por !p3, !p2  }
0x4c7: {  	s6 =	smov.u32 @p0 s17;
	p1 =	por !p1, !p1;
	s18 =	spop (v2sf)  }
0x4c8: {  	p4 =	slt.s32 s16, s7;
	s6 =	smov.u32 @p1 s14;
	s17 =	sadd.s32 s16, s18  }
0x4c9: {  	p3 =	sge.s32 s17, s7;
	p5 =	slt.s32 s17, s7;
	s26 =	spop (v2sf)  }
0x4ca: {  	p2 =	por !p4, !p3;
	s14 =	sadd.s32 s17, s26;
	s28 =	spop (v2sf)  }
0x4cb: {  	p2 =	por !p2, !p2;
	p4 =	sge.s32 s14, s7;
	s18 =	sadd.s32 s14, s28  }
0x4cc: {  	p6 =	slt.s32 s14, s7;
	p3 =	por !p5, !p4;
	p5 =	sge.s32 s18, s7  }
0x4cd: {  	s6 =	smov.u32 @p2 s11;
	p4 =	por !p3, !p3;
	p5 =	por !p6, !p5  }
0x4ce: {  	s6 =	smov.u32 @p4 s13;
	p3 =	por !p5, !p5  }
0x4cf: {  	s6 =	smov.u32 @p3 s12  }
0x4d0: {  	s6 =	sshll.u32 s6, $0x4  }
0x4d1: {  	s29 =	sand.u32 $0xF0, s6  }
0x4d2: {  	v1 =	vld [tilespmem:s29+$0x12300];
	_ =	sdelay $0x4  }
0x4d3: {  	(xrf0) =	vadd.scan.msk.s32 $0xffff, v1;
	_ =	sdelay $0x4  }
0x4d4: {  	s30 =	sadd.s32 $0x0, s3;
	s11 =	simm.s32 $0x12680;
	s12 =	simm.s32 $0x2  }
0x4d5: {  	[tilespmem:s11], [sflag:$0x2] =	stream.linear.gather [spmem:s30], $0x20, $0x38;
	v1, _, _ =	vpop (xrf0);
	[tilespmem:$0x129A0] =	vst v63  }
0x4d6: {  	s5 =	smov.u32 @p0 s10;
	_ =	swait.ge [sflag:s12], $0x20  }
0x4d7: {  	s5 =	smov.u32 @p1 s15;
	[sflag:s12] =	ssyncset.done $0x0  }
0x4d8: {  	s5 =	smov.u32 @p2 s16;
	[sflag:s12] =	ssyncadd.s32 $0xFFFFFFE0  }
0x4d9: {  	s5 =	smov.u32 @p4 s17;
	v3 =	vld [tilespmem:$0x12680]  }
0x4da: {  	s31 =	sadd.s32 $0x20, s3;
	s5 =	smov.u32 @p3 s14;
	v2 =	vld [tilespmem:$0x12690]  }
0x4db: {  	[tilespmem:s11], [sflag:$0x2] =	stream.linear.gather [spmem:s31], $0x20, $0x38;
	[tilespmem:$0x129A0] =	vst v63  }
0x4dc: {  	v1 =	vadd.s32 s5, v1;
	_ =	swait.ge [sflag:s12], $0x20  }
0x4dd: {  	vm0 =	vge.s32 v1, s7;
	v1 =	vimm.f32 $0.0e+00;
	[sflag:s12] =	ssyncset.done $0x0  }
0x4de: {  	s5 =	simm.s32 $0x100;
	v4 =	vmctz.xlane vm0;
	[sflag:s12] =	ssyncadd.s32 $0xFFFFFFE0;
	v3 =	vadd.f32 v3, v1  }
.LBB2_69:
0x4df: {  	s7 =	sshra.s32 s5, $0x2;
	v5 =	vld [tilespmem:$0x12680];
	v1 =	vadd.f32 v2, v1;
	p0 =	sne.s32 s5, $0x780  }
.Ltmp34:
0x4e0: {  	s5 =	sadd.s32 $0x80, s5;
	s7 =	sadd.s32 s7, s3;
	v2 =	vld [tilespmem:$0x12690];
	(pc) =	sbr.rel @p0 .LBB2_69-.Ltmp34, $4  }
0x4e1: {  	[tilespmem:s11], [sflag:$0x2] =	stream.linear.gather [spmem:s7], $0x20, $0x38;
	[tilespmem:$0x129A0] =	vst v63  }
0x4e2: {  	_ =	swait.ge [sflag:s12], $0x20  }
0x4e3: {  	[sflag:s12] =	ssyncset.done $0x0  }
0x4e4: {  	[sflag:s12] =	ssyncadd.s32 $0xFFFFFFE0;
	v3 =	vadd.f32 v5, v3  }
0x4e5: {  	v0 =	vxor.u32 $0x80000000, v0  }
0x4e6: {  	v53 =	vxor.u32 $0x80000000, v4;
	(xrf0) =	vmax.scan.msk.u32 $0xffff, v0  }
0x4e7: {  	(xrf0) =	vmax.scan.msk.u32 $0xffff, v53;
	_ =	sdelay $0x4  }
0x4e8: {  	v54, _, _ =	vpop (xrf0)  }
0x4e9: {  	(v2sf) =	vpush v54, $0xF;
	v55, _, _ =	vpop (xrf0)  }
0x4ea: {  	(v2sf) =	vpush v55, $0xF;
	_ =	sdelay $0x5  }
0x4eb: {  	v56 =	vld [tilespmem:$0x12680]  }
0x4ec: {  	v57 =	vld [tilespmem:$0x12690];
	_ =	sdelay $0x2  }
0x4ed: {  	v1 =	vadd.f32 v2, v1  }
0x4ee: {  	v0 =	vadd.f32 v56, v3  }
0x4ef: {  	v1 =	vadd.f32 v57, v1  }
0x4f0: {  	(xrf2) =	vadd.scan.msk.f32 $0xffff, v0  }
0x4f1: {  	(xrf2) =	vadd.scan.msk.f32 $0xffff, v1;
	s3 =	spop (v2sf)  }
0x4f2: {  	s5 =	spop (v2sf)  }
0x4f3: {  	s5 =	sadd.s32 s5, s6  }
0x4f4: {  	s29 =	sshll.u32 s8, $0x8;
	s5 =	sadd.s32 $0x80000000, s5  }
0x4f5: {  	s3 =	sadd.s32 s3, s4;
	s30 =	sor.u32 s29, s5  }
0x4f6: {  	s31 =	sshll.u32 s9, $0x8;
	vm0 =	vcmask $0x300;
	s3 =	sadd.s32 $0x80000000, s3;
	v58 =	vmov s30  }
0x4f7: {  	vm12 =	vcmask $0x704;
	s3 =	sor.u32 s31, s3;
	v0 =	vnsel vm0, $0x0, v58  }
0x4f8: {  	v0 =	vsel vm12, s3, v0  }
0x4f9: {  	v59 =	vimm.s32 $0x80000000;
	vm0 =	vgt.s32 v0, $0xFFFFFFFF  }
0x4fa: {  	v60, _, _ =	vpop (xrf2);
	v1 =	vsel vm0, $0xFFFFFFFF, v59  }
0x4fb: {  	vm13 =	vmmov $0x3;
	v61, _, _ =	vpop (xrf2);
	v62 =	vbroadcast v60, $0xF;
	v0 =	vxor.u32 v0, v1  }
0x4fc: {  	vm14 =	vcmask $0x710;
	v63 =	vbroadcast v61, $0xF;
	v0 =	vnsel vm13, $0x0, v0  }
0x4fd: {  	vm15 =	vcmask $0xB10;
	v0 =	vsel vm14, v0, v62  }
0x4fe: {  	v0 =	vsel vm15, v0, v63  }
0x4ff: {  	p0 =	sne.s32 s1, $0x0;
	[tilespmem:$0x12700] =	vst v0  }
0x500: {  	_ =	sfence.sel @p0 $0x180000  }
0x501: {  	[bflag:$0x0] =	sbarrier.arrive @p0 $0xFFFF  }
0x502: {  	_ =	strace @p0 $0x9000004A  }
0x503: {  	s1 =	simm.s32 @!p0 $0x0;
	s3 =	simm.s32 @!p0 $0x12700;
	[bflag:$0x2] =	sbarrier.arrive @p0 $0xFFFF  }
0x504: {  	[hbm4b:s2+s1] =	stream.linear.scatter @!p0 [tilespmem:s3], [sflag:$0x2], $0x80, $0x38;
	[tilespmem:$0x129A0] =	vst v63  }
0x505: {  	s1 =	simm.s32 @!p0 $0x2  }
0x506: {  	_ =	swait.ge @!p0 [sflag:s1], $0x80  }
0x507: {  	[sflag:s1] =	ssyncset.done @!p0 $0x0  }
0x508: {  	[sflag:s1] =	ssyncadd.s32 @!p0 $0xFFFFFF80  }
0x509: {  	_ =	sfence.sel @!p0 $0x180000  }
0x50a: {  	[bflag:$0x0] =	sbarrier.arrive @!p0 $0xFFFF  }
0x50b: {  	_ =	strace @!p0 $0x9000004A  }
0x50c: {  	s0 =	sadd.s32 @!p0 $0x100000, s0;
	[bflag:$0x2] =	sbarrier.arrive @!p0 $0xFFFF  }
0x50d: {  	[sflag:s0] =	ssyncadd.tile.s32 @!p0 $0x1;
	_ =	shalt  }
.Lfunc_end2:
_tile_overlayer_lowered:
.L_overlay_start_2:
0x50e: {  	(tag) =	ssettag $0x2  }
0x50f: {  	s0 =	rddreg [dreg:$0x0];
	s2 =	stileid.u32  }
0x510: {  	s1 =	rddreg [dreg:$0x1];
	p0 =	sne.s32 s2, $0x0  }
0x511: {  	s3 =	rddreg [dreg:$0x2];
	[bflag:$0x3] =	sbarrier.arrive $0xFFFF;
	s2 =	simm.s32 @!p0 $0x1C02  }
0x512: {  	[timem:s3], [sflag:s2] =	dma.local @!p0 [hbm:s0], s1  }
0x513: {  	s0 =	simm.s32 @!p0 $0x2  }
0x514: {  	_ =	swait.ge @!p0 [sflag:s0], s1  }
0x515: {  	s1 =	ssub.s32 @!p0 $0x0, s1;
	[sflag:s0] =	ssyncset.done @!p0 $0x0  }
0x516: {  	[sflag:s0] =	ssyncadd.s32 @!p0 s1  }
0x517: {  	[bflag:$0x3] =	sbarrier.arrive $0xFFFF  }
0x518: {  	_ =	shalt  }

// kernel: sparse-core-data-format-call.cloned.1.call-start
scs
called_computation_lowered:
.L_overlay_start_0:
0x0: {  	s2 =	sld [smem:$0x3FD9]  }
0x1: {  	s3 =	sld [smem:$0x3FFE];
	_ =	sdelay $0x1  }
0x2: {  	s1 =	srdreg.scid  }
0x3: {  	s0 =	sand.u32 $0x1, s1  }
0x4: {  	s18 =	sshll.u32 s0, $0xA;
	s2 =	sadd.s32 s3, s2  }
0x5: {  	s2 =	sadd.s32 s2, s18  }
0x6: {  	[smem:$0x3FC6] =	sst s2  }
0x7: {  	_ = 	snop  }
0x8: {  	s2 =	sld [smem:$0x3FC9];
	(tm) =	ssettm $0x1  }
0x9: {  	s19 =	sld [smem:$0x3FFB];
	_ =	sdelay $0x3  }
0xa: {  	_ =	strace s19  }
0xb: {  	s3 =	sld [smem:$0x3FFC];
	_ =	sdelay $0x3  }
0xc: {  	_ =	strace s3  }
0xd: {  	s3 =	sld [smem:$0x3FFD];
	_ =	sdelay $0x3  }
0xe: {  	_ =	strace s3  }
0xf: {  	_ =	strace $0x8FFFFFFF  }
0x10: {  	s20 =	sld [smem:$0x3FDB];
	_ =	sdelay $0x1  }
0x11: {  	s4 =	simm.s32 $_scs_section_size  }
0x12: {  	s5 =	simm.s32 $_size__tile_overlayer_lowered;
	s6 =	simm.s32 $_tile_overlayer_lowered  }
0x13: {  	s23 =	simm.s32 $0x1BFF;
	s22 =	sshll.u32 s6, $0x1;
	s3 =	sadd.s32 s4, s20  }
0x14: {  	s7 =	simm.s32 $0x0;
	s21 =	sshll.u32 s5, $0x1;
	s5 =	sadd.s32 s22, s3  }
0x15: {  	[timem:s7], [sflag:s23] =	dma.local [hbm:s5], s21  }
0x16: {  	_ =	swait.ge [sflag:s23], s21  }
0x17: {  	s4 =	ssub.s32 $0x0, s21;
	[sflag:s23] =	ssyncset.done $0x0  }
0x18: {  	[sflag:s23] =	ssyncadd.s32 s4;
	_ =	sdelay $0x1  }
0x19: {  	s24 =	simm.s32 $0x1B8B  }
0x1a: {  	_ =	swait.ge [sflag:s24], $0x1  }
0x1b: {  	[sflag:s24] =	ssyncset.done $0x0  }
0x1c: {  	s26 =	simm.s32 $0x1B8E;
	s25 =	sld [smem:$0x3FFE];
	[sflag:s24] =	ssyncadd.s32 $0xFFFFFFFF  }
0x1d: {  	s27 =	simm.s32 $execute0_lowered;
	[smem:$0x3FD2] =	sst s26  }
0x1e: {  	s5 =	sshll.u32 s27, $0x1;
	_ =	strace $0x80000046;
	[dreg:$0x1] =	wrdreg $0xFFFFFFFF  }
0x1f: {  	s28 =	simm.s32 $_size_execute0_lowered;
	s3 =	sadd.s32 s3, s5;
	[dreg:$0x0] =	wrdreg $0x0  }
0x20: {  	s5 =	sshll.u32 s28, $0x1;
	[dreg:$0x2] =	wrdreg s3  }
0x21: {  	[dreg:$0x3] =	wrdreg s5  }
0x22: {  	[dreg:$0x4] =	wrdreg $0xC0  }
0x23: {  	_ =	task [dreg:s7], $0x5FFFF  }
0x24: {  	[dreg:$0x1] =	wrdreg $0xFFFFFFFF  }
0x25: {  	[dreg:$0x0] =	wrdreg $0x60  }
0x26: {  	[dreg:$0x2] =	wrdreg s2  }
0x27: {  	[dreg:$0x3] =	wrdreg s25  }
0x28: {  	[dreg:$0x4] =	wrdreg $0x9  }
0x29: {  	_ =	task.clear_ibuf [dreg:s7], $0x5FFFF;
	_ =	strace $0x90000046  }
0x2a: {  	s29 =	simm.s32 $0x9;
	_ =	strace $0x80000048  }
0x2b: {  	_ =	swait.ge [sflag:s29], $0x1  }
0x2c: {  	[sflag:s29] =	ssyncadd.s32 $0xFFFFFFFF  }
0x2d: {  	_ =	strace $0x90000048  }
0x2e: {  	_ =	sfence  }
0x2f: {  	s30 =	sld [smem:$0x0];
	_ =	sdelay $0x2  }
0x30: {  	s31 =	sshll.u32 s1, $0xD;
	s1 =	sshrl.u32 s1, $0x2  }
0x31: {  	s3 =	sand.u32 $0x4000, s31;
	s1 =	sadd.s32 s1, s30  }
0x32: {  	s0 =	sor.u32 s3, s0;
	s1 =	sshll.u32 s1, $0x11  }
0x33: {  	s0 =	sor.u32 s1, s0  }
0x34: {  	s0 =	sadd.s32 $0x8F2B, s0  }
0x35: {  	[sflag:s0] =	ssyncadd.remote.s32 $0x1  }
0x36: {  	_ =	sfence.sel $0xFFFF  }
0x37: {  	[dreg:$0x0] =	wrdreg $0xFFFFFFFF;
	(pc) =	sbr.abs _section_cstart, $3  }
0x38: {  	[dreg:$0x1] =	wrdreg $0xFFFFFFFF  }
0x39: {  	_ =	task.clear_ibuf [dreg:s7], $0x2FFFF;
	_ =	strace $0x9FFFFFFF  }
0x3a: {  	(tm) =	ssettm $0x7FFFFFFF  }
0x3b: {  	_ =	shalt  }
tec
execute0_lowered:
.L_overlay_start_1:
0x0: {  	(tag) =	ssettag $0x1  }
0x1: {  	s2 =	rddreg [dreg:$0x0]  }
0x2: {  	s1 =	rddreg [dreg:$0x1]  }
0x3: {  	s0 =	rddreg [dreg:$0x2];
	_ =	strace $0x80000047;
	s4 =	srdreg.scid  }
.Ltmp0:
0x4: {  	s6 =	simm.s32 $0x2;
	p0 =	por $0x0, $0x0;
	(pc) =	sbr.rel .LBB1_1-.Ltmp0, $4  }
0x5: {  	s9 =	simm.s32 $0x0;
	s3 =	sadd.s32 $0xC00, s1;
	s5 =	sshll.u32 s4, $0x4  }
0x6: {  	s1 =	stileid.u32;
	s4 =	simm.s32 $0x1;
	s5 =	sand.u32 $0x10, s5  }
0x7: {  	s7 =	simm.s32 $0x0;
	[sflag:s4] =	ssyncpa.u1 $0x0;
	s5 =	sor.u32 s1, s5  }
0x8: {  	[sflag:s6] =	ssyncpa.u1 $0x0;
	s6 =	simm.s32 $0x0;
	s8 =	smov.u32 s5  }
.LBB1_7:
0x9: {  	s11 =	sadd.s32 $0x20, s8  }
0xa: {  	p1 =	slt.u32 s7, $0x2;
	s7 =	sadd.s32 $0x1, s7;
	p2 =	sgt.s32 s11, $0x3FF  }
0xb: {  	s11 =	smov.u32 @p2 s5;
	p2 =	sne.s32 s7, $0x22  }
.Ltmp1:
0xc: {  	_ = 	snop;
	(pc) =	sbr.rel @!p2 .LBB1_8-.Ltmp1, $4  }
0xd: {  	s10 =	simm.s32 @!p1 $0x2  }
0xe: {  	_ =	swait.ge @!p1 [sflag:s10], $0x4000  }
0xf: {  	s9 =	smov.u32 s8;
	[sflag:s10] =	ssyncset.done @!p1 $0x0  }
0x10: {  	p0 =	por !p0, !p0;
	s8 =	smov.u32 s11;
	[sflag:s10] =	ssyncadd.s32 @!p1 $0xFFFFC000  }
.LBB1_1:
0x11: {  	p1 =	sgt.u32 s7, $0x1F  }
0x12: {  	s10 =	sxor.u32 @!p1 $0xFFFFFFFF, s7  }
0x13: {  	s11 =	sshll.u32 @!p1 s8, $0xB;
	s10 =	sshll.u32 @!p1 s10, $0xE  }
0x14: {  	s12 =	simm.s32 @!p1 $0x0;
	s11 =	sadd.s32 @!p1 s2, s11;
	s10 =	sand.u32 @!p1 $0x4000, s10  }
0x15: {  	[tilespmem:s10], [sflag:$0x1] =	stream.linear.gather @!p1 [hbm4b:s11+s12], $0x4000, $0x38;
	[tilespmem:$0x10000] =	vst v63  }
0x16: {  	p1 =	seq.s32 s7, $0x0  }
0x17: {  	p2 =	seq.s32 @!p1 s7, $0x21  }
0x18: {  	p1 =	por p1, p2  }
.Ltmp2:
0x19: {  	_ = 	snop;
	(pc) =	sbr.rel @p1 .LBB1_7-.Ltmp2, $1  }
0x1a: {  	_ =	sdelay $0x3  }
0x1b: {  	s10 =	simm.s32 $0x1;
	_ =	swait.ge [sflag:s4], $0x4000;
	s12 =	sshll.u32 s7, $0xE  }
0x1c: {  	s13 =	simm.s32 $0x0;
	s10 =	simm.s32 @!p0 $0x0;
	[sflag:s4] =	ssyncset.done $0x0  }
0x1d: {  	s12 =	sand.u32 $0x4000, s12;
	s11 =	sshll.u32 s10, $0xE;
	[sflag:s4] =	ssyncadd.s32 $0xFFFFC000  }
0x1e: {  	s12 =	sor.u32 $0x8000, s12;
	s10 =	sor.u32 $0x8040, s11;
	s11 =	sor.u32 $0x40, s11  }
.LBB1_3:
0x1f: {  	v0 =	vmov s11;
	_ =	sdelay $0x3  }
0x20: {  	s15 =	simm.s32 $0x0  }
0x21: {  	v6 =	vld.idx.msk [tilespmem:v0+s15+$0x30 ss:$0x1], $0xffff  }
0x22: {  	v7 =	vld.idx.msk [tilespmem:v0+s15+$0xFFFFFFC0 ss:$0x1], $0xffff  }
0x23: {  	v5 =	vld.idx.msk [tilespmem:v0+s15+$0xFFFFFFD0 ss:$0x1], $0xffff  }
0x24: {  	v4 =	vld.idx.msk [tilespmem:v0+s15+$0xFFFFFFE0 ss:$0x1], $0xffff  }
0x25: {  	v3 =	vld.idx.msk [tilespmem:v0+s15+$0xFFFFFFF0 ss:$0x1], $0xffff  }
0x26: {  	v1 =	vld.idx.msk [tilespmem:v0+s15+$0x0 ss:$0x1], $0xffff  }
0x27: {  	v2 =	vld.idx.msk [tilespmem:v0+s15+$0x10 ss:$0x1], $0xffff;
	[tilespmem:s10+$0x30] =	vst v6  }
0x28: {  	s14 =	simm.s32 $0x80;
	s16 =	simm.s32 $0x400;
	[tilespmem:s10+$0xFFFFFFC0] =	vst v7;
	v6 =	vld.idx.msk [tilespmem:v0+s15+$0x20 ss:$0x1], $0xffff;
	s15 =	smov.u32 s10  }
.LBB1_4:
0x29: {  	p1 =	sne.s32 s16, $0xE00;
	v7 =	vld.idx.msk [tilespmem:v0+s14+$0x30 ss:$0x1], $0xffff;
	[tilespmem:s15+$0xFFFFFFD0] =	vst v5  }
0x2a: {  	v8 =	vld.idx.msk [tilespmem:v0+s14+$0xFFFFFFC0 ss:$0x1], $0xffff;
	[tilespmem:s15+$0xFFFFFFE0] =	vst v4  }
0x2b: {  	v5 =	vld.idx.msk [tilespmem:v0+s14+$0xFFFFFFD0 ss:$0x1], $0xffff;
	[tilespmem:s15+$0xFFFFFFF0] =	vst v3  }
.Ltmp3:
0x2c: {  	v4 =	vld.idx.msk [tilespmem:v0+s14+$0xFFFFFFE0 ss:$0x1], $0xffff;
	[tilespmem:s15+$0x0] =	vst v1;
	(pc) =	sbr.rel @p1 .LBB1_4-.Ltmp3, $4  }
0x2d: {  	v3 =	vld.idx.msk [tilespmem:v0+s14+$0xFFFFFFF0 ss:$0x1], $0xffff;
	[tilespmem:s15+$0x10] =	vst v2  }
0x2e: {  	v1 =	vld.idx.msk [tilespmem:v0+s14+$0x0 ss:$0x1], $0xffff;
	[tilespmem:s15+$0x20] =	vst v6;
	s15 =	sadd.s32 $0x800, s15  }
0x2f: {  	v2 =	vld.idx.msk [tilespmem:v0+s14+$0x10 ss:$0x1], $0xffff;
	[tilespmem:s15+$0x30] =	vst v7  }
0x30: {  	[tilespmem:s15+$0xFFFFFFC0] =	vst v8;
	v6 =	vld.idx.msk [tilespmem:v0+s14+$0x20 ss:$0x1], $0xffff;
	s14 =	sshra.s32 s16, $0x2;
	s16 =	sadd.s32 $0x200, s16  }
0x31: {  	_ =	sdelay $0x2  }
0x32: {  	[tilespmem:s15+$0xFFFFFFD0] =	vst v5  }
0x33: {  	v56 =	vld.idx.msk [tilespmem:v0+s14+$0x30 ss:$0x1], $0xffff;
	[tilespmem:s15+$0xFFFFFFE0] =	vst v4  }
0x34: {  	v57 =	vld.idx.msk [tilespmem:v0+s14+$0xFFFFFFC0 ss:$0x1], $0xffff;
	[tilespmem:s15+$0xFFFFFFF0] =	vst v3  }
0x35: {  	v58 =	vld.idx.msk [tilespmem:v0+s14+$0xFFFFFFD0 ss:$0x1], $0xffff;
	[tilespmem:s15+$0x0] =	vst v1  }
0x36: {  	v59 =	vld.idx.msk [tilespmem:v0+s14+$0xFFFFFFE0 ss:$0x1], $0xffff;
	[tilespmem:s15+$0x10] =	vst v2  }
0x37: {  	v60 =	vld.idx.msk [tilespmem:v0+s14+$0xFFFFFFF0 ss:$0x1], $0xffff;
	s31 =	sadd.s32 $0x800, s15;
	[tilespmem:s15+$0x20] =	vst v6  }
0x38: {  	v61 =	vld.idx.msk [tilespmem:v0+s14+$0x0 ss:$0x1], $0xffff;
	[tilespmem:s31+$0x30] =	vst v56  }
0x39: {  	v62 =	vld.idx.msk [tilespmem:v0+s14+$0x10 ss:$0x1], $0xffff;
	s13 =	sadd.s32 $0x1, s13;
	[tilespmem:s31+$0xFFFFFFC0] =	vst v57  }
0x3a: {  	v63 =	vld.idx.msk [tilespmem:v0+s14+$0x20 ss:$0x1], $0xffff;
	p1 =	sne.s32 s13, $0x10;
	[tilespmem:s31+$0xFFFFFFD0] =	vst v58  }
.Ltmp4:
0x3b: {  	[tilespmem:s31+$0xFFFFFFE0] =	vst v59;
	(pc) =	sbr.rel @p1 .LBB1_3-.Ltmp4, $4  }
0x3c: {  	[tilespmem:s31+$0xFFFFFFF0] =	vst v60  }
0x3d: {  	[tilespmem:s31+$0x0] =	vst v61  }
0x3e: {  	[tilespmem:s31+$0x10] =	vst v62  }
0x3f: {  	s10 =	sadd.s32 $0x80, s10;
	s11 =	sadd.s32 $0x400, s11;
	[tilespmem:s31+$0x20] =	vst v63  }
.Ltmp5:
0x40: {  	(pc) =	sbr.rel .LBB1_7-.Ltmp5, $4  }
0x41: {  	_ = 	snop  }
0x42: {  	s9 =	sshll.u32 s9, $0xB  }
0x43: {  	s9 =	sadd.s32 s3, s9  }
0x44: {  	[hbm4b:s9+s6] =	stream.linear.scatter [tilespmem:s12], [sflag:$0x2], $0x4000, $0x38;
	[tilespmem:$0x10000] =	vst v63  }
.LBB1_8:
0x45: {  	_ =	sfence.sel $0x180000  }
0x46: {  	s2 =	simm.s32 $0x1;
	[bflag:$0x0] =	sbarrier.arrive $0xFFFF  }
0x47: {  	s31 =	simm.s32 $0x2;
	[sflag:s2] =	ssyncpa.u1 $0x1  }
0x48: {  	[sflag:s31] =	ssyncpa.u1 $0x1  }
0x49: {  	p0 =	sne.s32 s1, $0x0;
	_ =	strace $0x90000047  }
0x4a: {  	s0 =	sadd.s32 @!p0 $0x100000, s0;
	[bflag:$0x2] =	sbarrier.arrive $0xFFFF  }
0x4b: {  	[sflag:s0] =	ssyncadd.tile.s32 @!p0 $0x1;
	_ =	shalt  }
.Lfunc_end1:
_tile_overlayer_lowered:
.L_overlay_start_2:
0x4c: {  	(tag) =	ssettag $0x2  }
0x4d: {  	s0 =	rddreg [dreg:$0x0];
	s2 =	stileid.u32  }
0x4e: {  	s1 =	rddreg [dreg:$0x1];
	p0 =	sne.s32 s2, $0x0  }
0x4f: {  	s3 =	rddreg [dreg:$0x2];
	[bflag:$0x3] =	sbarrier.arrive $0xFFFF;
	s2 =	simm.s32 @!p0 $0x1C01  }
0x50: {  	[timem:s3], [sflag:s2] =	dma.local @!p0 [hbm:s0], s1  }
0x51: {  	s0 =	simm.s32 @!p0 $0x1  }
0x52: {  	_ =	swait.ge @!p0 [sflag:s0], s1  }
0x53: {  	s1 =	ssub.s32 @!p0 $0x0, s1;
	[sflag:s0] =	ssyncset.done @!p0 $0x0  }
0x54: {  	[sflag:s0] =	ssyncadd.s32 @!p0 s1  }
0x55: {  	[bflag:$0x3] =	sbarrier.arrive $0xFFFF  }
0x56: {  	_ =	shalt  }

</sc_bundles>
